<compile_context>
chip_gen: v7x
topology: tpu7x:2x2x1
jax: 0.10.2.dev20260603
libtpu: 0.0.44.dev20260713+nightly
codegen_flags: <defaults>
</compile_context>

<pallas_src>
import functools

import jax
import jax.numpy as jnp
from jax import lax
from jax.experimental import pallas as pl
from jax.experimental.pallas import tpu as pltpu
from jax.experimental.pallas import tpu_sc as plsc

N = 10000
E = 320000
D = 128
B = 32
R = 402

NC = 2
NS = 16
NW = NC * NS
EPW = E // NW
K = 80
NBLK = EPW // K
NBUF = 2
NP = 10240
ROWS_PER_TILE = NP // NS
ZROWS = 16


def _relation_body(q_ref, re_ref, wt_ref, bt_ref, et_ref, out_ref, flat_ref):
    q = q_ref[...]
    re_ = re_ref[...]
    wt = wt_ref[...]
    bt = bt_ref[...]
    dn = (((1,), (1,)), ((), ()))
    qw = lax.dot_general(q, wt[:, :D], dn, preferred_element_type=jnp.float32)
    rw = lax.dot_general(re_, wt[:, D:], dn, preferred_element_type=jnp.float32)
    rel3 = qw[:, None, :] + rw[None, :, :] + bt[None, :, :]
    out_ref[...] = rel3.reshape(B * R, D)
    flat_ref[...] = et_ref[0:1, :] * R + et_ref[2:3, :]


def _relation_table(query, rel_embed, Wt, bt, edgesT):
    return pl.pallas_call(
        _relation_body,
        out_shape=(jax.ShapeDtypeStruct((B * R, D), jnp.float32),
                   jax.ShapeDtypeStruct((1, E), jnp.int32)),
    )(query, rel_embed, Wt, bt.reshape(1, D), edgesT)


KH = K // 2


def _sc_body(layer_hbm, rel_hbm, sub_hbm, flat_hbm, obj_hbm, out_hbm,
             subk, flatk, objk, in_rows, rel_rows, zbuf,
             agg_sh, isem, osem, gsem_a, gsem_b, ssem):
    cid = lax.axis_index("c")
    sid = lax.axis_index("s")
    wid = sid * NC + cid
    ebase = wid * EPW

    def zrow(i, _):
        for c in range(D // 16):
            zbuf[i, pl.ds(c * 16, 16)] = jnp.zeros((16,), jnp.float32)
        return _
    lax.fori_loop(0, ZROWS, zrow, None)
    for t in range(ROWS_PER_TILE // ZROWS):
        pltpu.sync_copy(zbuf,
                        agg_sh.at[pl.ds(sid * ROWS_PER_TILE + t * ZROWS, ZROWS), :])
    plsc.subcore_barrier()

    def fire_sf_idx(g, b):
        off = pl.multiple_of(ebase + g * K, 8)
        pltpu.async_copy(sub_hbm.at[pl.ds(off, K)], subk[b], isem[b])
        pltpu.async_copy(flat_hbm.at[pl.ds(off, K)], flatk[b], isem[b])

    def wait_sf_idx(b):
        pltpu.make_async_copy(sub_hbm.at[pl.ds(0, K)], subk[b], isem[b]).wait()
        pltpu.make_async_copy(flat_hbm.at[pl.ds(0, K)], flatk[b], isem[b]).wait()

    def fire_obj_idx(g, b):
        off = pl.multiple_of(ebase + g * K, 8)
        pltpu.async_copy(obj_hbm.at[pl.ds(off, KH)], objk[2 * b], osem[b])
        pltpu.async_copy(obj_hbm.at[pl.ds(off + KH, KH)],
                         objk[2 * b + 1], osem[b])

    def wait_obj_idx(b):
        pltpu.make_async_copy(obj_hbm.at[pl.ds(0, KH)], objk[0], osem[b]).wait()
        pltpu.make_async_copy(obj_hbm.at[pl.ds(0, KH)], objk[0], osem[b]).wait()

    def fire_gathers(b):
        pltpu.async_copy(layer_hbm.at[subk[b]], in_rows[b], gsem_a[b])
        pltpu.async_copy(rel_hbm.at[flatk[b]], rel_rows[b], gsem_b[b])

    def wait_gathers(b):
        pltpu.make_async_copy(
            layer_hbm.at[subk[b]], in_rows[b], gsem_a[b]).wait()
        pltpu.make_async_copy(
            rel_hbm.at[flatk[b]], rel_rows[b], gsem_b[b]).wait()

    def compute_half(b, h):
        def row(r, _):
            for c in range(D // 16):
                sl = pl.ds(c * 16, 16)
                in_rows[b][r, sl] = in_rows[b][r, sl] * rel_rows[b][r, sl]
            return _
        lax.fori_loop(h * KH, h * KH + KH, row, None)

    def fire_scatter_half(b, h):
        pltpu.async_copy(in_rows[b].at[pl.ds(h * KH, KH), :],
                         agg_sh.at[objk[2 * b + h]], ssem[b], add=True)

    def wait_scatters(b):
        for h in range(2):
            pltpu.make_async_copy(in_rows[b].at[pl.ds(0, KH), :],
                                  agg_sh.at[objk[2 * b]], ssem[b]).wait()

    def handle(g, b, last):
        wait_gathers(b)
        if not last:
            @pl.when(g + NBUF < NBLK)
            def _():
                fire_sf_idx(g + NBUF, b)
        compute_half(b, 0)
        wait_obj_idx(b)
        fire_scatter_half(b, 0)
        compute_half(b, 1)
        fire_scatter_half(b, 1)
        wait_scatters(b)
        if not last:
            @pl.when(g + NBUF < NBLK)
            def _():
                fire_obj_idx(g + NBUF, b)
                wait_sf_idx(b)
                fire_gathers(b)

    for b in range(NBUF):
        fire_sf_idx(b, b)
        fire_obj_idx(b, b)
    for b in range(NBUF):
        wait_sf_idx(b)
        fire_gathers(b)

    def body(i, _):
        for b in range(NBUF):
            handle(i * NBUF + b, b, last=False)
        return _
    lax.fori_loop(0, NBLK // NBUF, body, None)
    for g in range(NBLK - NBLK % NBUF, NBLK):
        handle(g, g % NBUF, last=True)

    plsc.subcore_barrier()
    pltpu.sync_copy(agg_sh.at[pl.ds(sid * ROWS_PER_TILE, ROWS_PER_TILE), :],
                    out_hbm.at[cid, pl.ds(sid * ROWS_PER_TILE, ROWS_PER_TILE), :])


def _sc_aggregate(layer_input, rel_flat, subcol, flatcol, objcol):
    mesh = plsc.VectorSubcoreMesh(core_axis_name="c", subcore_axis_name="s",
                                  num_cores=NC, num_subcores=NS)
    kern = pl.kernel(
        _sc_body,
        out_type=jax.ShapeDtypeStruct((NC, NP, D), jnp.float32),
        mesh=mesh,
        scratch_types=[
            [pltpu.VMEM((K,), jnp.int32)] * NBUF,
            [pltpu.VMEM((K,), jnp.int32)] * NBUF,
            [pltpu.VMEM((KH,), jnp.int32)] * (NBUF * 2),
            [pltpu.VMEM((K, D), jnp.float32)] * NBUF,
            [pltpu.VMEM((K, D), jnp.float32)] * NBUF,
            pltpu.VMEM((ZROWS, D), jnp.float32),
            pltpu.VMEM_SHARED((NP, D), jnp.float32),
            [pltpu.SemaphoreType.DMA] * NBUF,
            [pltpu.SemaphoreType.DMA] * NBUF,
            [pltpu.SemaphoreType.DMA] * NBUF,
            [pltpu.SemaphoreType.DMA] * NBUF,
            [pltpu.SemaphoreType.DMA] * NBUF,
        ],
    )
    return kern(layer_input, rel_flat, subcol, flatcol, objcol)


def _output_body(agg_ref, cnt_ref, wh_ref, out_ref):
    s = agg_ref[0] + agg_ref[1]
    cnt = jnp.clip(cnt_ref[...], 1.0, None)
    s = s / cnt
    h = lax.dot_general(s, wh_ref[...], (((1,), (1,)), ((), ())),
                        preferred_element_type=jnp.float32)
    m = jnp.mean(h, axis=-1, keepdims=True)
    v = jnp.mean((h - m) ** 2, axis=-1, keepdims=True)
    out_ref[...] = jnp.maximum((h - m) / jnp.sqrt(v + 1e-5), 0.0)


_OUT_BLK = 2000


def _output(aggs, edge_count, Wh):
    nblk = N // _OUT_BLK
    return pl.pallas_call(
        _output_body,
        grid=(nblk,),
        in_specs=[
            pl.BlockSpec((NC, _OUT_BLK, D), lambda j: (0, j, 0)),
            pl.BlockSpec((_OUT_BLK, 1), lambda j: (j, 0)),
            pl.BlockSpec((D, D), lambda j: (0, 0)),
        ],
        out_specs=pl.BlockSpec((_OUT_BLK, D), lambda j: (j, 0)),
        out_shape=jax.ShapeDtypeStruct((N, D), jnp.float32),
    )(aggs, edge_count, Wh)


def kernel(query, layer_input, edges, nodes, edge_count, rel_embed, Wt, bt, Wh):
    edgesT = edges.T
    rel_flat, flat = _relation_table(query, rel_embed, Wt, bt, edgesT)
    aggs = _sc_aggregate(layer_input, rel_flat, edgesT[4], flat.reshape(-1),
                         edgesT[5])
    return _output(aggs, edge_count, Wh)

# --- scband reference (transcript-rebuilt; emitter-appended) ---
"""Pipeline reference for scband-gnnlayer-3539053052210 (READ-ONLY COPY).

The authoritative reference and input builder live on the scoring server;
editing this copy changes nothing except your own understanding.
"""

import jax, jax.numpy as jnp
import numpy as np

N = 10000   # nodes
E = 320000  # edges
D = 128     # hidden_dim
B = 32      # query batch
R = 402     # 2*n_rel+2


def setup_inputs(seed: int = 0) -> dict:
    key = jax.random.key(seed)
    ks = jax.random.split(key, 10)
    query = jax.random.normal(ks[0], (B, D), dtype=jnp.float32)
    layer_input = jax.random.normal(ks[1], (N, D), dtype=jnp.float32)
    qidx = jax.random.randint(ks[2], (E,), 0, B, dtype=jnp.int32)
    rel = jax.random.randint(ks[3], (E,), 0, R, dtype=jnp.int32)
    sub = jax.random.randint(ks[4], (E,), 0, N, dtype=jnp.int32)
    obj = jax.random.randint(ks[5], (E,), 0, N, dtype=jnp.int32)
    unused = jnp.zeros((E,), dtype=jnp.int32)
    edges = jnp.stack([qidx, unused, rel, unused, sub, obj], axis=1)
    nodes = jnp.arange(N, dtype=jnp.int32)
    edge_count = jnp.zeros((N, 1), dtype=jnp.float32).at[obj].add(1.0)
    rel_embed = jax.random.normal(ks[6], (R, D), dtype=jnp.float32) * 0.02
    Wt = jax.random.normal(ks[7], (D, 2 * D), dtype=jnp.float32) * (1.0 / np.sqrt(2 * D))
    bt = jnp.zeros((D,), dtype=jnp.float32)
    Wh = jax.random.normal(ks[8], (D, D), dtype=jnp.float32) * (1.0 / np.sqrt(D))
    return {"query": query, "layer_input": layer_input, "edges": edges,
            "nodes": nodes, "edge_count": edge_count, "rel_embed": rel_embed,
            "Wt": Wt, "bt": bt, "Wh": Wh}


def _layer_norm(x, eps=1e-5):
    m = jnp.mean(x, axis=-1, keepdims=True)
    v = jnp.mean((x - m) ** 2, axis=-1, keepdims=True)
    return (x - m) / jnp.sqrt(v + eps)


def reference(query, layer_input, edges, nodes, edge_count, rel_embed, Wt, bt, Wh):
    sub = edges[:, 4]
    rel = edges[:, 2]
    obj = edges[:, 5]
    qidx = edges[:, 0]
    Bq = query.shape[0]
    # relation_trans(cat([query_extend, relem_extend]))
    relem_extend = jnp.broadcast_to(rel_embed[None, :, :], (Bq, rel_embed.shape[0], rel_embed.shape[1]))
    query_extend = jnp.broadcast_to(query[:, None, :], relem_extend.shape)
    relation = jnp.concatenate([query_extend, relem_extend], axis=2) @ Wt.T + bt
    # gather per-edge source features and per-edge relation vectors
    input_j = layer_input[sub]
    relation_j = relation[qidx, rel]
    # DistMult message
    message = input_j * relation_j
    # mean aggregation via scatter-add / precomputed edge_count
    count_sum = jnp.clip(edge_count, 1.0, None)
    agg_sum = jax.ops.segment_sum(message, obj, num_segments=nodes.shape[0])
    message_agg = agg_sum / count_sum
    # W_h (no bias), layer norm (no affine), relu
    message_agg = message_agg @ Wh.T
    message_agg = _layer_norm(message_agg)
    hidden_new = jax.nn.relu(message_agg)
    return hidden_new

if __name__ == "__main__":
    import jax
    _d = setup_inputs()
    print(jax.jit(kernel)(*tuple(_d.values())))

</pallas_src>

<mosaic_0001>
#map = affine_map<(d0, d1) -> (0, 0)>
#map1 = affine_map<(d0, d1) -> (0)>
#map2 = affine_map<(d0, d1) -> (0, 0, 0)>
module attributes {stable_mosaic.version = 14 : i64} {
  func.func @_sc_body(%arg0: i32, %arg1: i32, %arg2: memref<10000x128xf32, #tpu.memory_space<hbm>>, %arg3: memref<12864x128xf32, #tpu.memory_space<hbm>>, %arg4: memref<320000xi32, #tpu.memory_space<hbm>>, %arg5: memref<320000xi32, #tpu.memory_space<hbm>>, %arg6: memref<320000xi32, #tpu.memory_space<hbm>>, %arg7: memref<2x10240x128xf32, #tpu.memory_space<hbm>>, %arg8: memref<80xi32, #tpu.memory_space<vmem>>, %arg9: memref<80xi32, #tpu.memory_space<vmem>>, %arg10: memref<80xi32, #tpu.memory_space<vmem>>, %arg11: memref<80xi32, #tpu.memory_space<vmem>>, %arg12: memref<40xi32, #tpu.memory_space<vmem>>, %arg13: memref<40xi32, #tpu.memory_space<vmem>>, %arg14: memref<40xi32, #tpu.memory_space<vmem>>, %arg15: memref<40xi32, #tpu.memory_space<vmem>>, %arg16: memref<80x128xf32, #tpu.memory_space<vmem>>, %arg17: memref<80x128xf32, #tpu.memory_space<vmem>>, %arg18: memref<80x128xf32, #tpu.memory_space<vmem>>, %arg19: memref<80x128xf32, #tpu.memory_space<vmem>>, %arg20: memref<16x128xf32, #tpu.memory_space<vmem>>, %arg21: memref<10240x128xf32, #tpu.memory_space<vmem_shared>>, %arg22: memref<!tpu.dma_semaphore, #tpu.memory_space<semaphore_mem>>, %arg23: memref<!tpu.dma_semaphore, #tpu.memory_space<semaphore_mem>>, %arg24: memref<!tpu.dma_semaphore, #tpu.memory_space<semaphore_mem>>, %arg25: memref<!tpu.dma_semaphore, #tpu.memory_space<semaphore_mem>>, %arg26: memref<!tpu.dma_semaphore, #tpu.memory_space<semaphore_mem>>, %arg27: memref<!tpu.dma_semaphore, #tpu.memory_space<semaphore_mem>>, %arg28: memref<!tpu.dma_semaphore, #tpu.memory_space<semaphore_mem>>, %arg29: memref<!tpu.dma_semaphore, #tpu.memory_space<semaphore_mem>>, %arg30: memref<!tpu.dma_semaphore, #tpu.memory_space<semaphore_mem>>, %arg31: memref<!tpu.dma_semaphore, #tpu.memory_space<semaphore_mem>>) attributes {dimension_semantics = [#tpu.dimension_semantics<core_parallel>, #tpu.dimension_semantics<subcore_parallel>], iteration_bounds = array<i64: 2, 16>, scalar_prefetch = 0 : i64, scratch_operands = 24 : i64, tpu.core_type = #tpu.core_type<sc_vector_subcore>, window_params = [{transform_indices = #map}, {transform_indices = #map}, {transform_indices = #map1}, {transform_indices = #map1}, {transform_indices = #map1}, {transform_indices = #map2}]} {
    %mul3A = arith.constant 2 : i32
    %mul3A_0 = arith.muli %arg1, %mul3A : i32
    %add3A = arith.addi %mul3A_0, %arg0 : i32
    %mul3A_1 = arith.constant 10000 : i32
    %mul3A_2 = arith.muli %add3A, %mul3A_1 : i32
    %scan3A = arith.constant 0 : i32
    %scan3A_3 = arith.constant 16 : i32
    %scan3A_4 = arith.addi %scan3A, %scan3A_3 : i32
    %scan3A_5 = arith.constant 1 : i32
    scf.for %scan3A_282 = %scan3A to %scan3A_4 step %scan3A_5  : i32 {
      %broadcast_in_dim3A = arith.constant 0.000000e+00 : f32
      %broadcast_in_dim3A_283 = vector.broadcast %broadcast_in_dim3A : f32 to vector<16xf32>
      %swap3A = arith.index_cast %scan3A_282 : i32 to index
      %swap3A_284 = arith.constant 0 : index
      %swap3A_285 = tpu.vector_load %arg20[%swap3A, %swap3A_284] {strides = array<i32>} : memref<16x128xf32, #tpu.memory_space<vmem>>, vector<1x16xf32>,
      %swap3A_286 = vector.shape_cast %swap3A_285 : vector<1x16xf32> to vector<16xf32>
      %swap3A_287 = vector.shape_cast %broadcast_in_dim3A_283 : vector<16xf32> to vector<1x16xf32>
      tpu.vector_store %arg20[%swap3A, %swap3A_284], %swap3A_287 {strides = array<i32>} : memref<16x128xf32, #tpu.memory_space<vmem>>, vector<1x16xf32>,
      %broadcast_in_dim3A_288 = arith.constant 0.000000e+00 : f32
      %broadcast_in_dim3A_289 = vector.broadcast %broadcast_in_dim3A_288 : f32 to vector<16xf32>
      %swap3A_290 = arith.index_cast %scan3A_282 : i32 to index
      %swap3A_291 = arith.constant 16 : index
      %swap3A_292 = tpu.vector_load %arg20[%swap3A_290, %swap3A_291] {strides = array<i32>} : memref<16x128xf32, #tpu.memory_space<vmem>>, vector<1x16xf32>,
      %swap3A_293 = vector.shape_cast %swap3A_292 : vector<1x16xf32> to vector<16xf32>
      %swap3A_294 = vector.shape_cast %broadcast_in_dim3A_289 : vector<16xf32> to vector<1x16xf32>
      tpu.vector_store %arg20[%swap3A_290, %swap3A_291], %swap3A_294 {strides = array<i32>} : memref<16x128xf32, #tpu.memory_space<vmem>>, vector<1x16xf32>,
      %broadcast_in_dim3A_295 = arith.constant 0.000000e+00 : f32
      %broadcast_in_dim3A_296 = vector.broadcast %broadcast_in_dim3A_295 : f32 to vector<16xf32>
      %swap3A_297 = arith.index_cast %scan3A_282 : i32 to index
      %swap3A_298 = arith.constant 32 : index
      %swap3A_299 = tpu.vector_load %arg20[%swap3A_297, %swap3A_298] {strides = array<i32>} : memref<16x128xf32, #tpu.memory_space<vmem>>, vector<1x16xf32>,
      %swap3A_300 = vector.shape_cast %swap3A_299 : vector<1x16xf32> to vector<16xf32>
      %swap3A_301 = vector.shape_cast %broadcast_in_dim3A_296 : vector<16xf32> to vector<1x16xf32>
      tpu.vector_store %arg20[%swap3A_297, %swap3A_298], %swap3A_301 {strides = array<i32>} : memref<16x128xf32, #tpu.memory_space<vmem>>, vector<1x16xf32>,
      %broadcast_in_dim3A_302 = arith.constant 0.000000e+00 : f32
      %broadcast_in_dim3A_303 = vector.broadcast %broadcast_in_dim3A_302 : f32 to vector<16xf32>
      %swap3A_304 = arith.index_cast %scan3A_282 : i32 to index
      %swap3A_305 = arith.constant 48 : index
      %swap3A_306 = tpu.vector_load %arg20[%swap3A_304, %swap3A_305] {strides = array<i32>} : memref<16x128xf32, #tpu.memory_space<vmem>>, vector<1x16xf32>,
      %swap3A_307 = vector.shape_cast %swap3A_306 : vector<1x16xf32> to vector<16xf32>
      %swap3A_308 = vector.shape_cast %broadcast_in_dim3A_303 : vector<16xf32> to vector<1x16xf32>
      tpu.vector_store %arg20[%swap3A_304, %swap3A_305], %swap3A_308 {strides = array<i32>} : memref<16x128xf32, #tpu.memory_space<vmem>>, vector<1x16xf32>,
      %broadcast_in_dim3A_309 = arith.constant 0.000000e+00 : f32
      %broadcast_in_dim3A_310 = vector.broadcast %broadcast_in_dim3A_309 : f32 to vector<16xf32>
      %swap3A_311 = arith.index_cast %scan3A_282 : i32 to index
      %swap3A_312 = arith.constant 64 : index
      %swap3A_313 = tpu.vector_load %arg20[%swap3A_311, %swap3A_312] {strides = array<i32>} : memref<16x128xf32, #tpu.memory_space<vmem>>, vector<1x16xf32>,
      %swap3A_314 = vector.shape_cast %swap3A_313 : vector<1x16xf32> to vector<16xf32>
      %swap3A_315 = vector.shape_cast %broadcast_in_dim3A_310 : vector<16xf32> to vector<1x16xf32>
      tpu.vector_store %arg20[%swap3A_311, %swap3A_312], %swap3A_315 {strides = array<i32>} : memref<16x128xf32, #tpu.memory_space<vmem>>, vector<1x16xf32>,
      %broadcast_in_dim3A_316 = arith.constant 0.000000e+00 : f32
      %broadcast_in_dim3A_317 = vector.broadcast %broadcast_in_dim3A_316 : f32 to vector<16xf32>
      %swap3A_318 = arith.index_cast %scan3A_282 : i32 to index
      %swap3A_319 = arith.constant 80 : index
      %swap3A_320 = tpu.vector_load %arg20[%swap3A_318, %swap3A_319] {strides = array<i32>} : memref<16x128xf32, #tpu.memory_space<vmem>>, vector<1x16xf32>,
      %swap3A_321 = vector.shape_cast %swap3A_320 : vector<1x16xf32> to vector<16xf32>
      %swap3A_322 = vector.shape_cast %broadcast_in_dim3A_317 : vector<16xf32> to vector<1x16xf32>
      tpu.vector_store %arg20[%swap3A_318, %swap3A_319], %swap3A_322 {strides = array<i32>} : memref<16x128xf32, #tpu.memory_space<vmem>>, vector<1x16xf32>,
      %broadcast_in_dim3A_323 = arith.constant 0.000000e+00 : f32
      %broadcast_in_dim3A_324 = vector.broadcast %broadcast_in_dim3A_323 : f32 to vector<16xf32>
      %swap3A_325 = arith.index_cast %scan3A_282 : i32 to index
      %swap3A_326 = arith.constant 96 : index
      %swap3A_327 = tpu.vector_load %arg20[%swap3A_325, %swap3A_326] {strides = array<i32>} : memref<16x128xf32, #tpu.memory_space<vmem>>, vector<1x16xf32>,
      %swap3A_328 = vector.shape_cast %swap3A_327 : vector<1x16xf32> to vector<16xf32>
      %swap3A_329 = vector.shape_cast %broadcast_in_dim3A_324 : vector<16xf32> to vector<1x16xf32>
      tpu.vector_store %arg20[%swap3A_325, %swap3A_326], %swap3A_329 {strides = array<i32>} : memref<16x128xf32, #tpu.memory_space<vmem>>, vector<1x16xf32>,
      %broadcast_in_dim3A_330 = arith.constant 0.000000e+00 : f32
      %broadcast_in_dim3A_331 = vector.broadcast %broadcast_in_dim3A_330 : f32 to vector<16xf32>
      %swap3A_332 = arith.index_cast %scan3A_282 : i32 to index
      %swap3A_333 = arith.constant 112 : index
      %swap3A_334 = tpu.vector_load %arg20[%swap3A_332, %swap3A_333] {strides = array<i32>} : memref<16x128xf32, #tpu.memory_space<vmem>>, vector<1x16xf32>,
      %swap3A_335 = vector.shape_cast %swap3A_334 : vector<1x16xf32> to vector<16xf32>
      %swap3A_336 = vector.shape_cast %broadcast_in_dim3A_331 : vector<16xf32> to vector<1x16xf32>
      tpu.vector_store %arg20[%swap3A_332, %swap3A_333], %swap3A_336 {strides = array<i32>} : memref<16x128xf32, #tpu.memory_space<vmem>>, vector<1x16xf32>,
    }
    %scan3A_6 = arith.constant 16 : i32
    %mul3A_7 = arith.constant 640 : i32
    %mul3A_8 = arith.muli %arg1, %mul3A_7 : i32
    %add3A_9 = arith.constant 0 : i32
    %add3A_10 = arith.addi %mul3A_8, %add3A_9 : i32
    "tpu.region"() ({
      %run_scoped3A = tpu.sem_alloc : memref<!tpu.dma_semaphore, #tpu.memory_space<semaphore_mem>>
      %dma_start3A_282 = arith.constant 0 : i32
      %dma_start3A_283 = tpu.memref_slice %arg21[%add3A_10, %dma_start3A_282] : memref<10240x128xf32, #tpu.memory_space<vmem_shared>> -> memref<16x128xf32, #tpu.memory_space<vmem_shared>>
      %dma_start3A_284 = arith.constant 0 : i32
      %dma_start3A_285 = tpu.memref_slice %arg21[%add3A_10, %dma_start3A_284] : memref<10240x128xf32, #tpu.memory_space<vmem_shared>> -> memref<16x128xf32, #tpu.memory_space<vmem_shared>>
      tpu.enqueue_dma source(%arg20 : memref<16x128xf32, #tpu.memory_space<vmem>>) target(%dma_start3A_285 : memref<16x128xf32, #tpu.memory_space<vmem_shared>>) target_semaphore(%run_scoped3A : memref<!tpu.dma_semaphore, #tpu.memory_space<semaphore_mem>>)
      %dma_wait3A_286 = arith.constant 0 : i32
      %dma_wait3A_287 = tpu.memref_slice %arg21[%add3A_10, %dma_wait3A_286] : memref<10240x128xf32, #tpu.memory_space<vmem_shared>> -> memref<16x128xf32, #tpu.memory_space<vmem_shared>>
      %dma_wait3A_288 = arith.constant 0 : i32
      %dma_wait3A_289 = tpu.memref_slice %arg21[%add3A_10, %dma_wait3A_288] : memref<10240x128xf32, #tpu.memory_space<vmem_shared>> -> memref<16x128xf32, #tpu.memory_space<vmem_shared>>
      tpu.wait_dma2 semaphore(%run_scoped3A : memref<!tpu.dma_semaphore, #tpu.memory_space<semaphore_mem>>) src(%arg20 : memref<16x128xf32, #tpu.memory_space<vmem>>) dst(%dma_wait3A_289 : memref<16x128xf32, #tpu.memory_space<vmem_shared>>)
      tpu.yield
    }) : () -> ()
    %mul3A_11 = arith.constant 640 : i32
    %mul3A_12 = arith.muli %arg1, %mul3A_11 : i32
    %add3A_13 = arith.constant 16 : i32
    %add3A_14 = arith.addi %mul3A_12, %add3A_13 : i32
    "tpu.region"() ({
      %run_scoped3A = tpu.sem_alloc : memref<!tpu.dma_semaphore, #tpu.memory_space<semaphore_mem>>
      %dma_start3A_282 = arith.constant 0 : i32
      %dma_start3A_283 = tpu.memref_slice %arg21[%add3A_14, %dma_start3A_282] : memref<10240x128xf32, #tpu.memory_space<vmem_shared>> -> memref<16x128xf32, #tpu.memory_space<vmem_shared>>
      %dma_start3A_284 = arith.constant 0 : i32
      %dma_start3A_285 = tpu.memref_slice %arg21[%add3A_14, %dma_start3A_284] : memref<10240x128xf32, #tpu.memory_space<vmem_shared>> -> memref<16x128xf32, #tpu.memory_space<vmem_shared>>
      tpu.enqueue_dma source(%arg20 : memref<16x128xf32, #tpu.memory_space<vmem>>) target(%dma_start3A_285 : memref<16x128xf32, #tpu.memory_space<vmem_shared>>) target_semaphore(%run_scoped3A : memref<!tpu.dma_semaphore, #tpu.memory_space<semaphore_mem>>)
      %dma_wait3A_286 = arith.constant 0 : i32
      %dma_wait3A_287 = tpu.memref_slice %arg21[%add3A_14, %dma_wait3A_286] : memref<10240x128xf32, #tpu.memory_space<vmem_shared>> -> memref<16x128xf32, #tpu.memory_space<vmem_shared>>
      %dma_wait3A_288 = arith.constant 0 : i32
      %dma_wait3A_289 = tpu.memref_slice %arg21[%add3A_14, %dma_wait3A_288] : memref<10240x128xf32, #tpu.memory_space<vmem_shared>> -> memref<16x128xf32, #tpu.memory_space<vmem_shared>>
      tpu.wait_dma2 semaphore(%run_scoped3A : memref<!tpu.dma_semaphore, #tpu.memory_space<semaphore_mem>>) src(%arg20 : memref<16x128xf32, #tpu.memory_space<vmem>>) dst(%dma_wait3A_289 : memref<16x128xf32, #tpu.memory_space<vmem_shared>>)
      tpu.yield
    }) : () -> ()
    %mul3A_15 = arith.constant 640 : i32
    %mul3A_16 = arith.muli %arg1, %mul3A_15 : i32
    %add3A_17 = arith.constant 32 : i32
    %add3A_18 = arith.addi %mul3A_16, %add3A_17 : i32
    "tpu.region"() ({
      %run_scoped3A = tpu.sem_alloc : memref<!tpu.dma_semaphore, #tpu.memory_space<semaphore_mem>>
      %dma_start3A_282 = arith.constant 0 : i32
      %dma_start3A_283 = tpu.memref_slice %arg21[%add3A_18, %dma_start3A_282] : memref<10240x128xf32, #tpu.memory_space<vmem_shared>> -> memref<16x128xf32, #tpu.memory_space<vmem_shared>>
      %dma_start3A_284 = arith.constant 0 : i32
      %dma_start3A_285 = tpu.memref_slice %arg21[%add3A_18, %dma_start3A_284] : memref<10240x128xf32, #tpu.memory_space<vmem_shared>> -> memref<16x128xf32, #tpu.memory_space<vmem_shared>>
      tpu.enqueue_dma source(%arg20 : memref<16x128xf32, #tpu.memory_space<vmem>>) target(%dma_start3A_285 : memref<16x128xf32, #tpu.memory_space<vmem_shared>>) target_semaphore(%run_scoped3A : memref<!tpu.dma_semaphore, #tpu.memory_space<semaphore_mem>>)
      %dma_wait3A_286 = arith.constant 0 : i32
      %dma_wait3A_287 = tpu.memref_slice %arg21[%add3A_18, %dma_wait3A_286] : memref<10240x128xf32, #tpu.memory_space<vmem_shared>> -> memref<16x128xf32, #tpu.memory_space<vmem_shared>>
      %dma_wait3A_288 = arith.constant 0 : i32
      %dma_wait3A_289 = tpu.memref_slice %arg21[%add3A_18, %dma_wait3A_288] : memref<10240x128xf32, #tpu.memory_space<vmem_shared>> -> memref<16x128xf32, #tpu.memory_space<vmem_shared>>
      tpu.wait_dma2 semaphore(%run_scoped3A : memref<!tpu.dma_semaphore, #tpu.memory_space<semaphore_mem>>) src(%arg20 : memref<16x128xf32, #tpu.memory_space<vmem>>) dst(%dma_wait3A_289 : memref<16x128xf32, #tpu.memory_space<vmem_shared>>)
      tpu.yield
    }) : () -> ()
    %mul3A_19 = arith.constant 640 : i32
    %mul3A_20 = arith.muli %arg1, %mul3A_19 : i32
    %add3A_21 = arith.constant 48 : i32
    %add3A_22 = arith.addi %mul3A_20, %add3A_21 : i32
    "tpu.region"() ({
      %run_scoped3A = tpu.sem_alloc : memref<!tpu.dma_semaphore, #tpu.memory_space<semaphore_mem>>
      %dma_start3A_282 = arith.constant 0 : i32
      %dma_start3A_283 = tpu.memref_slice %arg21[%add3A_22, %dma_start3A_282] : memref<10240x128xf32, #tpu.memory_space<vmem_shared>> -> memref<16x128xf32, #tpu.memory_space<vmem_shared>>
      %dma_start3A_284 = arith.constant 0 : i32
      %dma_start3A_285 = tpu.memref_slice %arg21[%add3A_22, %dma_start3A_284] : memref<10240x128xf32, #tpu.memory_space<vmem_shared>> -> memref<16x128xf32, #tpu.memory_space<vmem_shared>>
      tpu.enqueue_dma source(%arg20 : memref<16x128xf32, #tpu.memory_space<vmem>>) target(%dma_start3A_285 : memref<16x128xf32, #tpu.memory_space<vmem_shared>>) target_semaphore(%run_scoped3A : memref<!tpu.dma_semaphore, #tpu.memory_space<semaphore_mem>>)
      %dma_wait3A_286 = arith.constant 0 : i32
      %dma_wait3A_287 = tpu.memref_slice %arg21[%add3A_22, %dma_wait3A_286] : memref<10240x128xf32, #tpu.memory_space<vmem_shared>> -> memref<16x128xf32, #tpu.memory_space<vmem_shared>>
      %dma_wait3A_288 = arith.constant 0 : i32
      %dma_wait3A_289 = tpu.memref_slice %arg21[%add3A_22, %dma_wait3A_288] : memref<10240x128xf32, #tpu.memory_space<vmem_shared>> -> memref<16x128xf32, #tpu.memory_space<vmem_shared>>
      tpu.wait_dma2 semaphore(%run_scoped3A : memref<!tpu.dma_semaphore, #tpu.memory_space<semaphore_mem>>) src(%arg20 : memref<16x128xf32, #tpu.memory_space<vmem>>) dst(%dma_wait3A_289 : memref<16x128xf32, #tpu.memory_space<vmem_shared>>)
      tpu.yield
    }) : () -> ()
    %mul3A_23 = arith.constant 640 : i32
    %mul3A_24 = arith.muli %arg1, %mul3A_23 : i32
    %add3A_25 = arith.constant 64 : i32
    %add3A_26 = arith.addi %mul3A_24, %add3A_25 : i32
    "tpu.region"() ({
      %run_scoped3A = tpu.sem_alloc : memref<!tpu.dma_semaphore, #tpu.memory_space<semaphore_mem>>
      %dma_start3A_282 = arith.constant 0 : i32
      %dma_start3A_283 = tpu.memref_slice %arg21[%add3A_26, %dma_start3A_282] : memref<10240x128xf32, #tpu.memory_space<vmem_shared>> -> memref<16x128xf32, #tpu.memory_space<vmem_shared>>
      %dma_start3A_284 = arith.constant 0 : i32
      %dma_start3A_285 = tpu.memref_slice %arg21[%add3A_26, %dma_start3A_284] : memref<10240x128xf32, #tpu.memory_space<vmem_shared>> -> memref<16x128xf32, #tpu.memory_space<vmem_shared>>
      tpu.enqueue_dma source(%arg20 : memref<16x128xf32, #tpu.memory_space<vmem>>) target(%dma_start3A_285 : memref<16x128xf32, #tpu.memory_space<vmem_shared>>) target_semaphore(%run_scoped3A : memref<!tpu.dma_semaphore, #tpu.memory_space<semaphore_mem>>)
      %dma_wait3A_286 = arith.constant 0 : i32
      %dma_wait3A_287 = tpu.memref_slice %arg21[%add3A_26, %dma_wait3A_286] : memref<10240x128xf32, #tpu.memory_space<vmem_shared>> -> memref<16x128xf32, #tpu.memory_space<vmem_shared>>
      %dma_wait3A_288 = arith.constant 0 : i32
      %dma_wait3A_289 = tpu.memref_slice %arg21[%add3A_26, %dma_wait3A_288] : memref<10240x128xf32, #tpu.memory_space<vmem_shared>> -> memref<16x128xf32, #tpu.memory_space<vmem_shared>>
      tpu.wait_dma2 semaphore(%run_scoped3A : memref<!tpu.dma_semaphore, #tpu.memory_space<semaphore_mem>>) src(%arg20 : memref<16x128xf32, #tpu.memory_space<vmem>>) dst(%dma_wait3A_289 : memref<16x128xf32, #tpu.memory_space<vmem_shared>>)
      tpu.yield
    }) : () -> ()
    %mul3A_27 = arith.constant 640 : i32
    %mul3A_28 = arith.muli %arg1, %mul3A_27 : i32
    %add3A_29 = arith.constant 80 : i32
    %add3A_30 = arith.addi %mul3A_28, %add3A_29 : i32
    "tpu.region"() ({
      %run_scoped3A = tpu.sem_alloc : memref<!tpu.dma_semaphore, #tpu.memory_space<semaphore_mem>>
      %dma_start3A_282 = arith.constant 0 : i32
      %dma_start3A_283 = tpu.memref_slice %arg21[%add3A_30, %dma_start3A_282] : memref<10240x128xf32, #tpu.memory_space<vmem_shared>> -> memref<16x128xf32, #tpu.memory_space<vmem_shared>>
      %dma_start3A_284 = arith.constant 0 : i32
      %dma_start3A_285 = tpu.memref_slice %arg21[%add3A_30, %dma_start3A_284] : memref<10240x128xf32, #tpu.memory_space<vmem_shared>> -> memref<16x128xf32, #tpu.memory_space<vmem_shared>>
      tpu.enqueue_dma source(%arg20 : memref<16x128xf32, #tpu.memory_space<vmem>>) target(%dma_start3A_285 : memref<16x128xf32, #tpu.memory_space<vmem_shared>>) target_semaphore(%run_scoped3A : memref<!tpu.dma_semaphore, #tpu.memory_space<semaphore_mem>>)
      %dma_wait3A_286 = arith.constant 0 : i32
      %dma_wait3A_287 = tpu.memref_slice %arg21[%add3A_30, %dma_wait3A_286] : memref<10240x128xf32, #tpu.memory_space<vmem_shared>> -> memref<16x128xf32, #tpu.memory_space<vmem_shared>>
      %dma_wait3A_288 = arith.constant 0 : i32
      %dma_wait3A_289 = tpu.memref_slice %arg21[%add3A_30, %dma_wait3A_288] : memref<10240x128xf32, #tpu.memory_space<vmem_shared>> -> memref<16x128xf32, #tpu.memory_space<vmem_shared>>
      tpu.wait_dma2 semaphore(%run_scoped3A : memref<!tpu.dma_semaphore, #tpu.memory_space<semaphore_mem>>) src(%arg20 : memref<16x128xf32, #tpu.memory_space<vmem>>) dst(%dma_wait3A_289 : memref<16x128xf32, #tpu.memory_space<vmem_shared>>)
      tpu.yield
    }) : () -> ()
    %mul3A_31 = arith.constant 640 : i32
    %mul3A_32 = arith.muli %arg1, %mul3A_31 : i32
    %add3A_33 = arith.constant 96 : i32
    %add3A_34 = arith.addi %mul3A_32, %add3A_33 : i32
    "tpu.region"() ({
      %run_scoped3A = tpu.sem_alloc : memref<!tpu.dma_semaphore, #tpu.memory_space<semaphore_mem>>
      %dma_start3A_282 = arith.constant 0 : i32
      %dma_start3A_283 = tpu.memref_slice %arg21[%add3A_34, %dma_start3A_282] : memref<10240x128xf32, #tpu.memory_space<vmem_shared>> -> memref<16x128xf32, #tpu.memory_space<vmem_shared>>
      %dma_start3A_284 = arith.constant 0 : i32
      %dma_start3A_285 = tpu.memref_slice %arg21[%add3A_34, %dma_start3A_284] : memref<10240x128xf32, #tpu.memory_space<vmem_shared>> -> memref<16x128xf32, #tpu.memory_space<vmem_shared>>
      tpu.enqueue_dma source(%arg20 : memref<16x128xf32, #tpu.memory_space<vmem>>) target(%dma_start3A_285 : memref<16x128xf32, #tpu.memory_space<vmem_shared>>) target_semaphore(%run_scoped3A : memref<!tpu.dma_semaphore, #tpu.memory_space<semaphore_mem>>)
      %dma_wait3A_286 = arith.constant 0 : i32
      %dma_wait3A_287 = tpu.memref_slice %arg21[%add3A_34, %dma_wait3A_286] : memref<10240x128xf32, #tpu.memory_space<vmem_shared>> -> memref<16x128xf32, #tpu.memory_space<vmem_shared>>
      %dma_wait3A_288 = arith.constant 0 : i32
      %dma_wait3A_289 = tpu.memref_slice %arg21[%add3A_34, %dma_wait3A_288] : memref<10240x128xf32, #tpu.memory_space<vmem_shared>> -> memref<16x128xf32, #tpu.memory_space<vmem_shared>>
      tpu.wait_dma2 semaphore(%run_scoped3A : memref<!tpu.dma_semaphore, #tpu.memory_space<semaphore_mem>>) src(%arg20 : memref<16x128xf32, #tpu.memory_space<vmem>>) dst(%dma_wait3A_289 : memref<16x128xf32, #tpu.memory_space<vmem_shared>>)
      tpu.yield
    }) : () -> ()
    %mul3A_35 = arith.constant 640 : i32
    %mul3A_36 = arith.muli %arg1, %mul3A_35 : i32
    %add3A_37 = arith.constant 112 : i32
    %add3A_38 = arith.addi %mul3A_36, %add3A_37 : i32
    "tpu.region"() ({
      %run_scoped3A = tpu.sem_alloc : memref<!tpu.dma_semaphore, #tpu.memory_space<semaphore_mem>>
      %dma_start3A_282 = arith.constant 0 : i32
      %dma_start3A_283 = tpu.memref_slice %arg21[%add3A_38, %dma_start3A_282] : memref<10240x128xf32, #tpu.memory_space<vmem_shared>> -> memref<16x128xf32, #tpu.memory_space<vmem_shared>>
      %dma_start3A_284 = arith.constant 0 : i32
      %dma_start3A_285 = tpu.memref_slice %arg21[%add3A_38, %dma_start3A_284] : memref<10240x128xf32, #tpu.memory_space<vmem_shared>> -> memref<16x128xf32, #tpu.memory_space<vmem_shared>>
      tpu.enqueue_dma source(%arg20 : memref<16x128xf32, #tpu.memory_space<vmem>>) target(%dma_start3A_285 : memref<16x128xf32, #tpu.memory_space<vmem_shared>>) target_semaphore(%run_scoped3A : memref<!tpu.dma_semaphore, #tpu.memory_space<semaphore_mem>>)
      %dma_wait3A_286 = arith.constant 0 : i32
      %dma_wait3A_287 = tpu.memref_slice %arg21[%add3A_38, %dma_wait3A_286] : memref<10240x128xf32, #tpu.memory_space<vmem_shared>> -> memref<16x128xf32, #tpu.memory_space<vmem_shared>>
      %dma_wait3A_288 = arith.constant 0 : i32
      %dma_wait3A_289 = tpu.memref_slice %arg21[%add3A_38, %dma_wait3A_288] : memref<10240x128xf32, #tpu.memory_space<vmem_shared>> -> memref<16x128xf32, #tpu.memory_space<vmem_shared>>
      tpu.wait_dma2 semaphore(%run_scoped3A : memref<!tpu.dma_semaphore, #tpu.memory_space<semaphore_mem>>) src(%arg20 : memref<16x128xf32, #tpu.memory_space<vmem>>) dst(%dma_wait3A_289 : memref<16x128xf32, #tpu.memory_space<vmem_shared>>)
      tpu.yield
    }) : () -> ()
    %mul3A_39 = arith.constant 640 : i32
    %mul3A_40 = arith.muli %arg1, %mul3A_39 : i32
    %add3A_41 = arith.constant 128 : i32
    %add3A_42 = arith.addi %mul3A_40, %add3A_41 : i32
    "tpu.region"() ({
      %run_scoped3A = tpu.sem_alloc : memref<!tpu.dma_semaphore, #tpu.memory_space<semaphore_mem>>
      %dma_start3A_282 = arith.constant 0 : i32
      %dma_start3A_283 = tpu.memref_slice %arg21[%add3A_42, %dma_start3A_282] : memref<10240x128xf32, #tpu.memory_space<vmem_shared>> -> memref<16x128xf32, #tpu.memory_space<vmem_shared>>
      %dma_start3A_284 = arith.constant 0 : i32
      %dma_start3A_285 = tpu.memref_slice %arg21[%add3A_42, %dma_start3A_284] : memref<10240x128xf32, #tpu.memory_space<vmem_shared>> -> memref<16x128xf32, #tpu.memory_space<vmem_shared>>
      tpu.enqueue_dma source(%arg20 : memref<16x128xf32, #tpu.memory_space<vmem>>) target(%dma_start3A_285 : memref<16x128xf32, #tpu.memory_space<vmem_shared>>) target_semaphore(%run_scoped3A : memref<!tpu.dma_semaphore, #tpu.memory_space<semaphore_mem>>)
      %dma_wait3A_286 = arith.constant 0 : i32
      %dma_wait3A_287 = tpu.memref_slice %arg21[%add3A_42, %dma_wait3A_286] : memref<10240x128xf32, #tpu.memory_space<vmem_shared>> -> memref<16x128xf32, #tpu.memory_space<vmem_shared>>
      %dma_wait3A_288 = arith.constant 0 : i32
      %dma_wait3A_289 = tpu.memref_slice %arg21[%add3A_42, %dma_wait3A_288] : memref<10240x128xf32, #tpu.memory_space<vmem_shared>> -> memref<16x128xf32, #tpu.memory_space<vmem_shared>>
      tpu.wait_dma2 semaphore(%run_scoped3A : memref<!tpu.dma_semaphore, #tpu.memory_space<semaphore_mem>>) src(%arg20 : memref<16x128xf32, #tpu.memory_space<vmem>>) dst(%dma_wait3A_289 : memref<16x128xf32, #tpu.memory_space<vmem_shared>>)
      tpu.yield
    }) : () -> ()
    %mul3A_43 = arith.constant 640 : i32
    %mul3A_44 = arith.muli %arg1, %mul3A_43 : i32
    %add3A_45 = arith.constant 144 : i32
    %add3A_46 = arith.addi %mul3A_44, %add3A_45 : i32
    "tpu.region"() ({
      %run_scoped3A = tpu.sem_alloc : memref<!tpu.dma_semaphore, #tpu.memory_space<semaphore_mem>>
      %dma_start3A_282 = arith.constant 0 : i32
      %dma_start3A_283 = tpu.memref_slice %arg21[%add3A_46, %dma_start3A_282] : memref<10240x128xf32, #tpu.memory_space<vmem_shared>> -> memref<16x128xf32, #tpu.memory_space<vmem_shared>>
      %dma_start3A_284 = arith.constant 0 : i32
      %dma_start3A_285 = tpu.memref_slice %arg21[%add3A_46, %dma_start3A_284] : memref<10240x128xf32, #tpu.memory_space<vmem_shared>> -> memref<16x128xf32, #tpu.memory_space<vmem_shared>>
      tpu.enqueue_dma source(%arg20 : memref<16x128xf32, #tpu.memory_space<vmem>>) target(%dma_start3A_285 : memref<16x128xf32, #tpu.memory_space<vmem_shared>>) target_semaphore(%run_scoped3A : memref<!tpu.dma_semaphore, #tpu.memory_space<semaphore_mem>>)
      %dma_wait3A_286 = arith.constant 0 : i32
      %dma_wait3A_287 = tpu.memref_slice %arg21[%add3A_46, %dma_wait3A_286] : memref<10240x128xf32, #tpu.memory_space<vmem_shared>> -> memref<16x128xf32, #tpu.memory_space<vmem_shared>>
      %dma_wait3A_288 = arith.constant 0 : i32
      %dma_wait3A_289 = tpu.memref_slice %arg21[%add3A_46, %dma_wait3A_288] : memref<10240x128xf32, #tpu.memory_space<vmem_shared>> -> memref<16x128xf32, #tpu.memory_space<vmem_shared>>
      tpu.wait_dma2 semaphore(%run_scoped3A : memref<!tpu.dma_semaphore, #tpu.memory_space<semaphore_mem>>) src(%arg20 : memref<16x128xf32, #tpu.memory_space<vmem>>) dst(%dma_wait3A_289 : memref<16x128xf32, #tpu.memory_space<vmem_shared>>)
      tpu.yield
    }) : () -> ()
    %mul3A_47 = arith.constant 640 : i32
    %mul3A_48 = arith.muli %arg1, %mul3A_47 : i32
    %add3A_49 = arith.constant 160 : i32
    %add3A_50 = arith.addi %mul3A_48, %add3A_49 : i32
    "tpu.region"() ({
      %run_scoped3A = tpu.sem_alloc : memref<!tpu.dma_semaphore, #tpu.memory_space<semaphore_mem>>
      %dma_start3A_282 = arith.constant 0 : i32
      %dma_start3A_283 = tpu.memref_slice %arg21[%add3A_50, %dma_start3A_282] : memref<10240x128xf32, #tpu.memory_space<vmem_shared>> -> memref<16x128xf32, #tpu.memory_space<vmem_shared>>
      %dma_start3A_284 = arith.constant 0 : i32
      %dma_start3A_285 = tpu.memref_slice %arg21[%add3A_50, %dma_start3A_284] : memref<10240x128xf32, #tpu.memory_space<vmem_shared>> -> memref<16x128xf32, #tpu.memory_space<vmem_shared>>
      tpu.enqueue_dma source(%arg20 : memref<16x128xf32, #tpu.memory_space<vmem>>) target(%dma_start3A_285 : memref<16x128xf32, #tpu.memory_space<vmem_shared>>) target_semaphore(%run_scoped3A : memref<!tpu.dma_semaphore, #tpu.memory_space<semaphore_mem>>)
      %dma_wait3A_286 = arith.constant 0 : i32
      %dma_wait3A_287 = tpu.memref_slice %arg21[%add3A_50, %dma_wait3A_286] : memref<10240x128xf32, #tpu.memory_space<vmem_shared>> -> memref<16x128xf32, #tpu.memory_space<vmem_shared>>
      %dma_wait3A_288 = arith.constant 0 : i32
      %dma_wait3A_289 = tpu.memref_slice %arg21[%add3A_50, %dma_wait3A_288] : memref<10240x128xf32, #tpu.memory_space<vmem_shared>> -> memref<16x128xf32, #tpu.memory_space<vmem_shared>>
      tpu.wait_dma2 semaphore(%run_scoped3A : memref<!tpu.dma_semaphore, #tpu.memory_space<semaphore_mem>>) src(%arg20 : memref<16x128xf32, #tpu.memory_space<vmem>>) dst(%dma_wait3A_289 : memref<16x128xf32, #tpu.memory_space<vmem_shared>>)
      tpu.yield
    }) : () -> ()
    %mul3A_51 = arith.constant 640 : i32
    %mul3A_52 = arith.muli %arg1, %mul3A_51 : i32
    %add3A_53 = arith.constant 176 : i32
    %add3A_54 = arith.addi %mul3A_52, %add3A_53 : i32
    "tpu.region"() ({
      %run_scoped3A = tpu.sem_alloc : memref<!tpu.dma_semaphore, #tpu.memory_space<semaphore_mem>>
      %dma_start3A_282 = arith.constant 0 : i32
      %dma_start3A_283 = tpu.memref_slice %arg21[%add3A_54, %dma_start3A_282] : memref<10240x128xf32, #tpu.memory_space<vmem_shared>> -> memref<16x128xf32, #tpu.memory_space<vmem_shared>>
      %dma_start3A_284 = arith.constant 0 : i32
      %dma_start3A_285 = tpu.memref_slice %arg21[%add3A_54, %dma_start3A_284] : memref<10240x128xf32, #tpu.memory_space<vmem_shared>> -> memref<16x128xf32, #tpu.memory_space<vmem_shared>>
      tpu.enqueue_dma source(%arg20 : memref<16x128xf32, #tpu.memory_space<vmem>>) target(%dma_start3A_285 : memref<16x128xf32, #tpu.memory_space<vmem_shared>>) target_semaphore(%run_scoped3A : memref<!tpu.dma_semaphore, #tpu.memory_space<semaphore_mem>>)
      %dma_wait3A_286 = arith.constant 0 : i32
      %dma_wait3A_287 = tpu.memref_slice %arg21[%add3A_54, %dma_wait3A_286] : memref<10240x128xf32, #tpu.memory_space<vmem_shared>> -> memref<16x128xf32, #tpu.memory_space<vmem_shared>>
      %dma_wait3A_288 = arith.constant 0 : i32
      %dma_wait3A_289 = tpu.memref_slice %arg21[%add3A_54, %dma_wait3A_288] : memref<10240x128xf32, #tpu.memory_space<vmem_shared>> -> memref<16x128xf32, #tpu.memory_space<vmem_shared>>
      tpu.wait_dma2 semaphore(%run_scoped3A : memref<!tpu.dma_semaphore, #tpu.memory_space<semaphore_mem>>) src(%arg20 : memref<16x128xf32, #tpu.memory_space<vmem>>) dst(%dma_wait3A_289 : memref<16x128xf32, #tpu.memory_space<vmem_shared>>)
      tpu.yield
    }) : () -> ()
    %mul3A_55 = arith.constant 640 : i32
    %mul3A_56 = arith.muli %arg1, %mul3A_55 : i32
    %add3A_57 = arith.constant 192 : i32
    %add3A_58 = arith.addi %mul3A_56, %add3A_57 : i32
    "tpu.region"() ({
      %run_scoped3A = tpu.sem_alloc : memref<!tpu.dma_semaphore, #tpu.memory_space<semaphore_mem>>
      %dma_start3A_282 = arith.constant 0 : i32
      %dma_start3A_283 = tpu.memref_slice %arg21[%add3A_58, %dma_start3A_282] : memref<10240x128xf32, #tpu.memory_space<vmem_shared>> -> memref<16x128xf32, #tpu.memory_space<vmem_shared>>
      %dma_start3A_284 = arith.constant 0 : i32
      %dma_start3A_285 = tpu.memref_slice %arg21[%add3A_58, %dma_start3A_284] : memref<10240x128xf32, #tpu.memory_space<vmem_shared>> -> memref<16x128xf32, #tpu.memory_space<vmem_shared>>
      tpu.enqueue_dma source(%arg20 : memref<16x128xf32, #tpu.memory_space<vmem>>) target(%dma_start3A_285 : memref<16x128xf32, #tpu.memory_space<vmem_shared>>) target_semaphore(%run_scoped3A : memref<!tpu.dma_semaphore, #tpu.memory_space<semaphore_mem>>)
      %dma_wait3A_286 = arith.constant 0 : i32
      %dma_wait3A_287 = tpu.memref_slice %arg21[%add3A_58, %dma_wait3A_286] : memref<10240x128xf32, #tpu.memory_space<vmem_shared>> -> memref<16x128xf32, #tpu.memory_space<vmem_shared>>
      %dma_wait3A_288 = arith.constant 0 : i32
      %dma_wait3A_289 = tpu.memref_slice %arg21[%add3A_58, %dma_wait3A_288] : memref<10240x128xf32, #tpu.memory_space<vmem_shared>> -> memref<16x128xf32, #tpu.memory_space<vmem_shared>>
      tpu.wait_dma2 semaphore(%run_scoped3A : memref<!tpu.dma_semaphore, #tpu.memory_space<semaphore_mem>>) src(%arg20 : memref<16x128xf32, #tpu.memory_space<vmem>>) dst(%dma_wait3A_289 : memref<16x128xf32, #tpu.memory_space<vmem_shared>>)
      tpu.yield
    }) : () -> ()
    %mul3A_59 = arith.constant 640 : i32
    %mul3A_60 = arith.muli %arg1, %mul3A_59 : i32
    %add3A_61 = arith.constant 208 : i32
    %add3A_62 = arith.addi %mul3A_60, %add3A_61 : i32
    "tpu.region"() ({
      %run_scoped3A = tpu.sem_alloc : memref<!tpu.dma_semaphore, #tpu.memory_space<semaphore_mem>>
      %dma_start3A_282 = arith.constant 0 : i32
      %dma_start3A_283 = tpu.memref_slice %arg21[%add3A_62, %dma_start3A_282] : memref<10240x128xf32, #tpu.memory_space<vmem_shared>> -> memref<16x128xf32, #tpu.memory_space<vmem_shared>>
      %dma_start3A_284 = arith.constant 0 : i32
      %dma_start3A_285 = tpu.memref_slice %arg21[%add3A_62, %dma_start3A_284] : memref<10240x128xf32, #tpu.memory_space<vmem_shared>> -> memref<16x128xf32, #tpu.memory_space<vmem_shared>>
      tpu.enqueue_dma source(%arg20 : memref<16x128xf32, #tpu.memory_space<vmem>>) target(%dma_start3A_285 : memref<16x128xf32, #tpu.memory_space<vmem_shared>>) target_semaphore(%run_scoped3A : memref<!tpu.dma_semaphore, #tpu.memory_space<semaphore_mem>>)
      %dma_wait3A_286 = arith.constant 0 : i32
      %dma_wait3A_287 = tpu.memref_slice %arg21[%add3A_62, %dma_wait3A_286] : memref<10240x128xf32, #tpu.memory_space<vmem_shared>> -> memref<16x128xf32, #tpu.memory_space<vmem_shared>>
      %dma_wait3A_288 = arith.constant 0 : i32
      %dma_wait3A_289 = tpu.memref_slice %arg21[%add3A_62, %dma_wait3A_288] : memref<10240x128xf32, #tpu.memory_space<vmem_shared>> -> memref<16x128xf32, #tpu.memory_space<vmem_shared>>
      tpu.wait_dma2 semaphore(%run_scoped3A : memref<!tpu.dma_semaphore, #tpu.memory_space<semaphore_mem>>) src(%arg20 : memref<16x128xf32, #tpu.memory_space<vmem>>) dst(%dma_wait3A_289 : memref<16x128xf32, #tpu.memory_space<vmem_shared>>)
      tpu.yield
    }) : () -> ()
    %mul3A_63 = arith.constant 640 : i32
    %mul3A_64 = arith.muli %arg1, %mul3A_63 : i32
    %add3A_65 = arith.constant 224 : i32
    %add3A_66 = arith.addi %mul3A_64, %add3A_65 : i32
    "tpu.region"() ({
      %run_scoped3A = tpu.sem_alloc : memref<!tpu.dma_semaphore, #tpu.memory_space<semaphore_mem>>
      %dma_start3A_282 = arith.constant 0 : i32
      %dma_start3A_283 = tpu.memref_slice %arg21[%add3A_66, %dma_start3A_282] : memref<10240x128xf32, #tpu.memory_space<vmem_shared>> -> memref<16x128xf32, #tpu.memory_space<vmem_shared>>
      %dma_start3A_284 = arith.constant 0 : i32
      %dma_start3A_285 = tpu.memref_slice %arg21[%add3A_66, %dma_start3A_284] : memref<10240x128xf32, #tpu.memory_space<vmem_shared>> -> memref<16x128xf32, #tpu.memory_space<vmem_shared>>
      tpu.enqueue_dma source(%arg20 : memref<16x128xf32, #tpu.memory_space<vmem>>) target(%dma_start3A_285 : memref<16x128xf32, #tpu.memory_space<vmem_shared>>) target_semaphore(%run_scoped3A : memref<!tpu.dma_semaphore, #tpu.memory_space<semaphore_mem>>)
      %dma_wait3A_286 = arith.constant 0 : i32
      %dma_wait3A_287 = tpu.memref_slice %arg21[%add3A_66, %dma_wait3A_286] : memref<10240x128xf32, #tpu.memory_space<vmem_shared>> -> memref<16x128xf32, #tpu.memory_space<vmem_shared>>
      %dma_wait3A_288 = arith.constant 0 : i32
      %dma_wait3A_289 = tpu.memref_slice %arg21[%add3A_66, %dma_wait3A_288] : memref<10240x128xf32, #tpu.memory_space<vmem_shared>> -> memref<16x128xf32, #tpu.memory_space<vmem_shared>>
      tpu.wait_dma2 semaphore(%run_scoped3A : memref<!tpu.dma_semaphore, #tpu.memory_space<semaphore_mem>>) src(%arg20 : memref<16x128xf32, #tpu.memory_space<vmem>>) dst(%dma_wait3A_289 : memref<16x128xf32, #tpu.memory_space<vmem_shared>>)
      tpu.yield
    }) : () -> ()
    %mul3A_67 = arith.constant 640 : i32
    %mul3A_68 = arith.muli %arg1, %mul3A_67 : i32
    %add3A_69 = arith.constant 240 : i32
    %add3A_70 = arith.addi %mul3A_68, %add3A_69 : i32
    "tpu.region"() ({
      %run_scoped3A = tpu.sem_alloc : memref<!tpu.dma_semaphore, #tpu.memory_space<semaphore_mem>>
      %dma_start3A_282 = arith.constant 0 : i32
      %dma_start3A_283 = tpu.memref_slice %arg21[%add3A_70, %dma_start3A_282] : memref<10240x128xf32, #tpu.memory_space<vmem_shared>> -> memref<16x128xf32, #tpu.memory_space<vmem_shared>>
      %dma_start3A_284 = arith.constant 0 : i32
      %dma_start3A_285 = tpu.memref_slice %arg21[%add3A_70, %dma_start3A_284] : memref<10240x128xf32, #tpu.memory_space<vmem_shared>> -> memref<16x128xf32, #tpu.memory_space<vmem_shared>>
      tpu.enqueue_dma source(%arg20 : memref<16x128xf32, #tpu.memory_space<vmem>>) target(%dma_start3A_285 : memref<16x128xf32, #tpu.memory_space<vmem_shared>>) target_semaphore(%run_scoped3A : memref<!tpu.dma_semaphore, #tpu.memory_space<semaphore_mem>>)
      %dma_wait3A_286 = arith.constant 0 : i32
      %dma_wait3A_287 = tpu.memref_slice %arg21[%add3A_70, %dma_wait3A_286] : memref<10240x128xf32, #tpu.memory_space<vmem_shared>> -> memref<16x128xf32, #tpu.memory_space<vmem_shared>>
      %dma_wait3A_288 = arith.constant 0 : i32
      %dma_wait3A_289 = tpu.memref_slice %arg21[%add3A_70, %dma_wait3A_288] : memref<10240x128xf32, #tpu.memory_space<vmem_shared>> -> memref<16x128xf32, #tpu.memory_space<vmem_shared>>
      tpu.wait_dma2 semaphore(%run_scoped3A : memref<!tpu.dma_semaphore, #tpu.memory_space<semaphore_mem>>) src(%arg20 : memref<16x128xf32, #tpu.memory_space<vmem>>) dst(%dma_wait3A_289 : memref<16x128xf32, #tpu.memory_space<vmem_shared>>)
      tpu.yield
    }) : () -> ()
    %mul3A_71 = arith.constant 640 : i32
    %mul3A_72 = arith.muli %arg1, %mul3A_71 : i32
    %add3A_73 = arith.constant 256 : i32
    %add3A_74 = arith.addi %mul3A_72, %add3A_73 : i32
    "tpu.region"() ({
      %run_scoped3A = tpu.sem_alloc : memref<!tpu.dma_semaphore, #tpu.memory_space<semaphore_mem>>
      %dma_start3A_282 = arith.constant 0 : i32
      %dma_start3A_283 = tpu.memref_slice %arg21[%add3A_74, %dma_start3A_282] : memref<10240x128xf32, #tpu.memory_space<vmem_shared>> -> memref<16x128xf32, #tpu.memory_space<vmem_shared>>
      %dma_start3A_284 = arith.constant 0 : i32
      %dma_start3A_285 = tpu.memref_slice %arg21[%add3A_74, %dma_start3A_284] : memref<10240x128xf32, #tpu.memory_space<vmem_shared>> -> memref<16x128xf32, #tpu.memory_space<vmem_shared>>
      tpu.enqueue_dma source(%arg20 : memref<16x128xf32, #tpu.memory_space<vmem>>) target(%dma_start3A_285 : memref<16x128xf32, #tpu.memory_space<vmem_shared>>) target_semaphore(%run_scoped3A : memref<!tpu.dma_semaphore, #tpu.memory_space<semaphore_mem>>)
      %dma_wait3A_286 = arith.constant 0 : i32
      %dma_wait3A_287 = tpu.memref_slice %arg21[%add3A_74, %dma_wait3A_286] : memref<10240x128xf32, #tpu.memory_space<vmem_shared>> -> memref<16x128xf32, #tpu.memory_space<vmem_shared>>
      %dma_wait3A_288 = arith.constant 0 : i32
      %dma_wait3A_289 = tpu.memref_slice %arg21[%add3A_74, %dma_wait3A_288] : memref<10240x128xf32, #tpu.memory_space<vmem_shared>> -> memref<16x128xf32, #tpu.memory_space<vmem_shared>>
      tpu.wait_dma2 semaphore(%run_scoped3A : memref<!tpu.dma_semaphore, #tpu.memory_space<semaphore_mem>>) src(%arg20 : memref<16x128xf32, #tpu.memory_space<vmem>>) dst(%dma_wait3A_289 : memref<16x128xf32, #tpu.memory_space<vmem_shared>>)
      tpu.yield
    }) : () -> ()
    %mul3A_75 = arith.constant 640 : i32
    %mul3A_76 = arith.muli %arg1, %mul3A_75 : i32
    %add3A_77 = arith.constant 272 : i32
    %add3A_78 = arith.addi %mul3A_76, %add3A_77 : i32
    "tpu.region"() ({
      %run_scoped3A = tpu.sem_alloc : memref<!tpu.dma_semaphore, #tpu.memory_space<semaphore_mem>>
      %dma_start3A_282 = arith.constant 0 : i32
      %dma_start3A_283 = tpu.memref_slice %arg21[%add3A_78, %dma_start3A_282] : memref<10240x128xf32, #tpu.memory_space<vmem_shared>> -> memref<16x128xf32, #tpu.memory_space<vmem_shared>>
      %dma_start3A_284 = arith.constant 0 : i32
      %dma_start3A_285 = tpu.memref_slice %arg21[%add3A_78, %dma_start3A_284] : memref<10240x128xf32, #tpu.memory_space<vmem_shared>> -> memref<16x128xf32, #tpu.memory_space<vmem_shared>>
      tpu.enqueue_dma source(%arg20 : memref<16x128xf32, #tpu.memory_space<vmem>>) target(%dma_start3A_285 : memref<16x128xf32, #tpu.memory_space<vmem_shared>>) target_semaphore(%run_scoped3A : memref<!tpu.dma_semaphore, #tpu.memory_space<semaphore_mem>>)
      %dma_wait3A_286 = arith.constant 0 : i32
      %dma_wait3A_287 = tpu.memref_slice %arg21[%add3A_78, %dma_wait3A_286] : memref<10240x128xf32, #tpu.memory_space<vmem_shared>> -> memref<16x128xf32, #tpu.memory_space<vmem_shared>>
      %dma_wait3A_288 = arith.constant 0 : i32
      %dma_wait3A_289 = tpu.memref_slice %arg21[%add3A_78, %dma_wait3A_288] : memref<10240x128xf32, #tpu.memory_space<vmem_shared>> -> memref<16x128xf32, #tpu.memory_space<vmem_shared>>
      tpu.wait_dma2 semaphore(%run_scoped3A : memref<!tpu.dma_semaphore, #tpu.memory_space<semaphore_mem>>) src(%arg20 : memref<16x128xf32, #tpu.memory_space<vmem>>) dst(%dma_wait3A_289 : memref<16x128xf32, #tpu.memory_space<vmem_shared>>)
      tpu.yield
    }) : () -> ()
    %mul3A_79 = arith.constant 640 : i32
    %mul3A_80 = arith.muli %arg1, %mul3A_79 : i32
    %add3A_81 = arith.constant 288 : i32
    %add3A_82 = arith.addi %mul3A_80, %add3A_81 : i32
    "tpu.region"() ({
      %run_scoped3A = tpu.sem_alloc : memref<!tpu.dma_semaphore, #tpu.memory_space<semaphore_mem>>
      %dma_start3A_282 = arith.constant 0 : i32
      %dma_start3A_283 = tpu.memref_slice %arg21[%add3A_82, %dma_start3A_282] : memref<10240x128xf32, #tpu.memory_space<vmem_shared>> -> memref<16x128xf32, #tpu.memory_space<vmem_shared>>
      %dma_start3A_284 = arith.constant 0 : i32
      %dma_start3A_285 = tpu.memref_slice %arg21[%add3A_82, %dma_start3A_284] : memref<10240x128xf32, #tpu.memory_space<vmem_shared>> -> memref<16x128xf32, #tpu.memory_space<vmem_shared>>
      tpu.enqueue_dma source(%arg20 : memref<16x128xf32, #tpu.memory_space<vmem>>) target(%dma_start3A_285 : memref<16x128xf32, #tpu.memory_space<vmem_shared>>) target_semaphore(%run_scoped3A : memref<!tpu.dma_semaphore, #tpu.memory_space<semaphore_mem>>)
      %dma_wait3A_286 = arith.constant 0 : i32
      %dma_wait3A_287 = tpu.memref_slice %arg21[%add3A_82, %dma_wait3A_286] : memref<10240x128xf32, #tpu.memory_space<vmem_shared>> -> memref<16x128xf32, #tpu.memory_space<vmem_shared>>
      %dma_wait3A_288 = arith.constant 0 : i32
      %dma_wait3A_289 = tpu.memref_slice %arg21[%add3A_82, %dma_wait3A_288] : memref<10240x128xf32, #tpu.memory_space<vmem_shared>> -> memref<16x128xf32, #tpu.memory_space<vmem_shared>>
      tpu.wait_dma2 semaphore(%run_scoped3A : memref<!tpu.dma_semaphore, #tpu.memory_space<semaphore_mem>>) src(%arg20 : memref<16x128xf32, #tpu.memory_space<vmem>>) dst(%dma_wait3A_289 : memref<16x128xf32, #tpu.memory_space<vmem_shared>>)
      tpu.yield
    }) : () -> ()
    %mul3A_83 = arith.constant 640 : i32
    %mul3A_84 = arith.muli %arg1, %mul3A_83 : i32
    %add3A_85 = arith.constant 304 : i32
    %add3A_86 = arith.addi %mul3A_84, %add3A_85 : i32
    "tpu.region"() ({
      %run_scoped3A = tpu.sem_alloc : memref<!tpu.dma_semaphore, #tpu.memory_space<semaphore_mem>>
      %dma_start3A_282 = arith.constant 0 : i32
      %dma_start3A_283 = tpu.memref_slice %arg21[%add3A_86, %dma_start3A_282] : memref<10240x128xf32, #tpu.memory_space<vmem_shared>> -> memref<16x128xf32, #tpu.memory_space<vmem_shared>>
      %dma_start3A_284 = arith.constant 0 : i32
      %dma_start3A_285 = tpu.memref_slice %arg21[%add3A_86, %dma_start3A_284] : memref<10240x128xf32, #tpu.memory_space<vmem_shared>> -> memref<16x128xf32, #tpu.memory_space<vmem_shared>>
      tpu.enqueue_dma source(%arg20 : memref<16x128xf32, #tpu.memory_space<vmem>>) target(%dma_start3A_285 : memref<16x128xf32, #tpu.memory_space<vmem_shared>>) target_semaphore(%run_scoped3A : memref<!tpu.dma_semaphore, #tpu.memory_space<semaphore_mem>>)
      %dma_wait3A_286 = arith.constant 0 : i32
      %dma_wait3A_287 = tpu.memref_slice %arg21[%add3A_86, %dma_wait3A_286] : memref<10240x128xf32, #tpu.memory_space<vmem_shared>> -> memref<16x128xf32, #tpu.memory_space<vmem_shared>>
      %dma_wait3A_288 = arith.constant 0 : i32
      %dma_wait3A_289 = tpu.memref_slice %arg21[%add3A_86, %dma_wait3A_288] : memref<10240x128xf32, #tpu.memory_space<vmem_shared>> -> memref<16x128xf32, #tpu.memory_space<vmem_shared>>
      tpu.wait_dma2 semaphore(%run_scoped3A : memref<!tpu.dma_semaphore, #tpu.memory_space<semaphore_mem>>) src(%arg20 : memref<16x128xf32, #tpu.memory_space<vmem>>) dst(%dma_wait3A_289 : memref<16x128xf32, #tpu.memory_space<vmem_shared>>)
      tpu.yield
    }) : () -> ()
    %mul3A_87 = arith.constant 640 : i32
    %mul3A_88 = arith.muli %arg1, %mul3A_87 : i32
    %add3A_89 = arith.constant 320 : i32
    %add3A_90 = arith.addi %mul3A_88, %add3A_89 : i32
    "tpu.region"() ({
      %run_scoped3A = tpu.sem_alloc : memref<!tpu.dma_semaphore, #tpu.memory_space<semaphore_mem>>
      %dma_start3A_282 = arith.constant 0 : i32
      %dma_start3A_283 = tpu.memref_slice %arg21[%add3A_90, %dma_start3A_282] : memref<10240x128xf32, #tpu.memory_space<vmem_shared>> -> memref<16x128xf32, #tpu.memory_space<vmem_shared>>
      %dma_start3A_284 = arith.constant 0 : i32
      %dma_start3A_285 = tpu.memref_slice %arg21[%add3A_90, %dma_start3A_284] : memref<10240x128xf32, #tpu.memory_space<vmem_shared>> -> memref<16x128xf32, #tpu.memory_space<vmem_shared>>
      tpu.enqueue_dma source(%arg20 : memref<16x128xf32, #tpu.memory_space<vmem>>) target(%dma_start3A_285 : memref<16x128xf32, #tpu.memory_space<vmem_shared>>) target_semaphore(%run_scoped3A : memref<!tpu.dma_semaphore, #tpu.memory_space<semaphore_mem>>)
      %dma_wait3A_286 = arith.constant 0 : i32
      %dma_wait3A_287 = tpu.memref_slice %arg21[%add3A_90, %dma_wait3A_286] : memref<10240x128xf32, #tpu.memory_space<vmem_shared>> -> memref<16x128xf32, #tpu.memory_space<vmem_shared>>
      %dma_wait3A_288 = arith.constant 0 : i32
      %dma_wait3A_289 = tpu.memref_slice %arg21[%add3A_90, %dma_wait3A_288] : memref<10240x128xf32, #tpu.memory_space<vmem_shared>> -> memref<16x128xf32, #tpu.memory_space<vmem_shared>>
      tpu.wait_dma2 semaphore(%run_scoped3A : memref<!tpu.dma_semaphore, #tpu.memory_space<semaphore_mem>>) src(%arg20 : memref<16x128xf32, #tpu.memory_space<vmem>>) dst(%dma_wait3A_289 : memref<16x128xf32, #tpu.memory_space<vmem_shared>>)
      tpu.yield
    }) : () -> ()
    %mul3A_91 = arith.constant 640 : i32
    %mul3A_92 = arith.muli %arg1, %mul3A_91 : i32
    %add3A_93 = arith.constant 336 : i32
    %add3A_94 = arith.addi %mul3A_92, %add3A_93 : i32
    "tpu.region"() ({
      %run_scoped3A = tpu.sem_alloc : memref<!tpu.dma_semaphore, #tpu.memory_space<semaphore_mem>>
      %dma_start3A_282 = arith.constant 0 : i32
      %dma_start3A_283 = tpu.memref_slice %arg21[%add3A_94, %dma_start3A_282] : memref<10240x128xf32, #tpu.memory_space<vmem_shared>> -> memref<16x128xf32, #tpu.memory_space<vmem_shared>>
      %dma_start3A_284 = arith.constant 0 : i32
      %dma_start3A_285 = tpu.memref_slice %arg21[%add3A_94, %dma_start3A_284] : memref<10240x128xf32, #tpu.memory_space<vmem_shared>> -> memref<16x128xf32, #tpu.memory_space<vmem_shared>>
      tpu.enqueue_dma source(%arg20 : memref<16x128xf32, #tpu.memory_space<vmem>>) target(%dma_start3A_285 : memref<16x128xf32, #tpu.memory_space<vmem_shared>>) target_semaphore(%run_scoped3A : memref<!tpu.dma_semaphore, #tpu.memory_space<semaphore_mem>>)
      %dma_wait3A_286 = arith.constant 0 : i32
      %dma_wait3A_287 = tpu.memref_slice %arg21[%add3A_94, %dma_wait3A_286] : memref<10240x128xf32, #tpu.memory_space<vmem_shared>> -> memref<16x128xf32, #tpu.memory_space<vmem_shared>>
      %dma_wait3A_288 = arith.constant 0 : i32
      %dma_wait3A_289 = tpu.memref_slice %arg21[%add3A_94, %dma_wait3A_288] : memref<10240x128xf32, #tpu.memory_space<vmem_shared>> -> memref<16x128xf32, #tpu.memory_space<vmem_shared>>
      tpu.wait_dma2 semaphore(%run_scoped3A : memref<!tpu.dma_semaphore, #tpu.memory_space<semaphore_mem>>) src(%arg20 : memref<16x128xf32, #tpu.memory_space<vmem>>) dst(%dma_wait3A_289 : memref<16x128xf32, #tpu.memory_space<vmem_shared>>)
      tpu.yield
    }) : () -> ()
    %mul3A_95 = arith.constant 640 : i32
    %mul3A_96 = arith.muli %arg1, %mul3A_95 : i32
    %add3A_97 = arith.constant 352 : i32
    %add3A_98 = arith.addi %mul3A_96, %add3A_97 : i32
    "tpu.region"() ({
      %run_scoped3A = tpu.sem_alloc : memref<!tpu.dma_semaphore, #tpu.memory_space<semaphore_mem>>
      %dma_start3A_282 = arith.constant 0 : i32
      %dma_start3A_283 = tpu.memref_slice %arg21[%add3A_98, %dma_start3A_282] : memref<10240x128xf32, #tpu.memory_space<vmem_shared>> -> memref<16x128xf32, #tpu.memory_space<vmem_shared>>
      %dma_start3A_284 = arith.constant 0 : i32
      %dma_start3A_285 = tpu.memref_slice %arg21[%add3A_98, %dma_start3A_284] : memref<10240x128xf32, #tpu.memory_space<vmem_shared>> -> memref<16x128xf32, #tpu.memory_space<vmem_shared>>
      tpu.enqueue_dma source(%arg20 : memref<16x128xf32, #tpu.memory_space<vmem>>) target(%dma_start3A_285 : memref<16x128xf32, #tpu.memory_space<vmem_shared>>) target_semaphore(%run_scoped3A : memref<!tpu.dma_semaphore, #tpu.memory_space<semaphore_mem>>)
      %dma_wait3A_286 = arith.constant 0 : i32
      %dma_wait3A_287 = tpu.memref_slice %arg21[%add3A_98, %dma_wait3A_286] : memref<10240x128xf32, #tpu.memory_space<vmem_shared>> -> memref<16x128xf32, #tpu.memory_space<vmem_shared>>
      %dma_wait3A_288 = arith.constant 0 : i32
      %dma_wait3A_289 = tpu.memref_slice %arg21[%add3A_98, %dma_wait3A_288] : memref<10240x128xf32, #tpu.memory_space<vmem_shared>> -> memref<16x128xf32, #tpu.memory_space<vmem_shared>>
      tpu.wait_dma2 semaphore(%run_scoped3A : memref<!tpu.dma_semaphore, #tpu.memory_space<semaphore_mem>>) src(%arg20 : memref<16x128xf32, #tpu.memory_space<vmem>>) dst(%dma_wait3A_289 : memref<16x128xf32, #tpu.memory_space<vmem_shared>>)
      tpu.yield
    }) : () -> ()
    %mul3A_99 = arith.constant 640 : i32
    %mul3A_100 = arith.muli %arg1, %mul3A_99 : i32
    %add3A_101 = arith.constant 368 : i32
    %add3A_102 = arith.addi %mul3A_100, %add3A_101 : i32
    "tpu.region"() ({
      %run_scoped3A = tpu.sem_alloc : memref<!tpu.dma_semaphore, #tpu.memory_space<semaphore_mem>>
      %dma_start3A_282 = arith.constant 0 : i32
      %dma_start3A_283 = tpu.memref_slice %arg21[%add3A_102, %dma_start3A_282] : memref<10240x128xf32, #tpu.memory_space<vmem_shared>> -> memref<16x128xf32, #tpu.memory_space<vmem_shared>>
      %dma_start3A_284 = arith.constant 0 : i32
      %dma_start3A_285 = tpu.memref_slice %arg21[%add3A_102, %dma_start3A_284] : memref<10240x128xf32, #tpu.memory_space<vmem_shared>> -> memref<16x128xf32, #tpu.memory_space<vmem_shared>>
      tpu.enqueue_dma source(%arg20 : memref<16x128xf32, #tpu.memory_space<vmem>>) target(%dma_start3A_285 : memref<16x128xf32, #tpu.memory_space<vmem_shared>>) target_semaphore(%run_scoped3A : memref<!tpu.dma_semaphore, #tpu.memory_space<semaphore_mem>>)
      %dma_wait3A_286 = arith.constant 0 : i32
      %dma_wait3A_287 = tpu.memref_slice %arg21[%add3A_102, %dma_wait3A_286] : memref<10240x128xf32, #tpu.memory_space<vmem_shared>> -> memref<16x128xf32, #tpu.memory_space<vmem_shared>>
      %dma_wait3A_288 = arith.constant 0 : i32
      %dma_wait3A_289 = tpu.memref_slice %arg21[%add3A_102, %dma_wait3A_288] : memref<10240x128xf32, #tpu.memory_space<vmem_shared>> -> memref<16x128xf32, #tpu.memory_space<vmem_shared>>
      tpu.wait_dma2 semaphore(%run_scoped3A : memref<!tpu.dma_semaphore, #tpu.memory_space<semaphore_mem>>) src(%arg20 : memref<16x128xf32, #tpu.memory_space<vmem>>) dst(%dma_wait3A_289 : memref<16x128xf32, #tpu.memory_space<vmem_shared>>)
      tpu.yield
    }) : () -> ()
    %mul3A_103 = arith.constant 640 : i32
    %mul3A_104 = arith.muli %arg1, %mul3A_103 : i32
    %add3A_105 = arith.constant 384 : i32
    %add3A_106 = arith.addi %mul3A_104, %add3A_105 : i32
    "tpu.region"() ({
      %run_scoped3A = tpu.sem_alloc : memref<!tpu.dma_semaphore, #tpu.memory_space<semaphore_mem>>
      %dma_start3A_282 = arith.constant 0 : i32
      %dma_start3A_283 = tpu.memref_slice %arg21[%add3A_106, %dma_start3A_282] : memref<10240x128xf32, #tpu.memory_space<vmem_shared>> -> memref<16x128xf32, #tpu.memory_space<vmem_shared>>
      %dma_start3A_284 = arith.constant 0 : i32
      %dma_start3A_285 = tpu.memref_slice %arg21[%add3A_106, %dma_start3A_284] : memref<10240x128xf32, #tpu.memory_space<vmem_shared>> -> memref<16x128xf32, #tpu.memory_space<vmem_shared>>
      tpu.enqueue_dma source(%arg20 : memref<16x128xf32, #tpu.memory_space<vmem>>) target(%dma_start3A_285 : memref<16x128xf32, #tpu.memory_space<vmem_shared>>) target_semaphore(%run_scoped3A : memref<!tpu.dma_semaphore, #tpu.memory_space<semaphore_mem>>)
      %dma_wait3A_286 = arith.constant 0 : i32
      %dma_wait3A_287 = tpu.memref_slice %arg21[%add3A_106, %dma_wait3A_286] : memref<10240x128xf32, #tpu.memory_space<vmem_shared>> -> memref<16x128xf32, #tpu.memory_space<vmem_shared>>
      %dma_wait3A_288 = arith.constant 0 : i32
      %dma_wait3A_289 = tpu.memref_slice %arg21[%add3A_106, %dma_wait3A_288] : memref<10240x128xf32, #tpu.memory_space<vmem_shared>> -> memref<16x128xf32, #tpu.memory_space<vmem_shared>>
      tpu.wait_dma2 semaphore(%run_scoped3A : memref<!tpu.dma_semaphore, #tpu.memory_space<semaphore_mem>>) src(%arg20 : memref<16x128xf32, #tpu.memory_space<vmem>>) dst(%dma_wait3A_289 : memref<16x128xf32, #tpu.memory_space<vmem_shared>>)
      tpu.yield
    }) : () -> ()
    %mul3A_107 = arith.constant 640 : i32
    %mul3A_108 = arith.muli %arg1, %mul3A_107 : i32
    %add3A_109 = arith.constant 400 : i32
    %add3A_110 = arith.addi %mul3A_108, %add3A_109 : i32
    "tpu.region"() ({
      %run_scoped3A = tpu.sem_alloc : memref<!tpu.dma_semaphore, #tpu.memory_space<semaphore_mem>>
      %dma_start3A_282 = arith.constant 0 : i32
      %dma_start3A_283 = tpu.memref_slice %arg21[%add3A_110, %dma_start3A_282] : memref<10240x128xf32, #tpu.memory_space<vmem_shared>> -> memref<16x128xf32, #tpu.memory_space<vmem_shared>>
      %dma_start3A_284 = arith.constant 0 : i32
      %dma_start3A_285 = tpu.memref_slice %arg21[%add3A_110, %dma_start3A_284] : memref<10240x128xf32, #tpu.memory_space<vmem_shared>> -> memref<16x128xf32, #tpu.memory_space<vmem_shared>>
      tpu.enqueue_dma source(%arg20 : memref<16x128xf32, #tpu.memory_space<vmem>>) target(%dma_start3A_285 : memref<16x128xf32, #tpu.memory_space<vmem_shared>>) target_semaphore(%run_scoped3A : memref<!tpu.dma_semaphore, #tpu.memory_space<semaphore_mem>>)
      %dma_wait3A_286 = arith.constant 0 : i32
      %dma_wait3A_287 = tpu.memref_slice %arg21[%add3A_110, %dma_wait3A_286] : memref<10240x128xf32, #tpu.memory_space<vmem_shared>> -> memref<16x128xf32, #tpu.memory_space<vmem_shared>>
      %dma_wait3A_288 = arith.constant 0 : i32
      %dma_wait3A_289 = tpu.memref_slice %arg21[%add3A_110, %dma_wait3A_288] : memref<10240x128xf32, #tpu.memory_space<vmem_shared>> -> memref<16x128xf32, #tpu.memory_space<vmem_shared>>
      tpu.wait_dma2 semaphore(%run_scoped3A : memref<!tpu.dma_semaphore, #tpu.memory_space<semaphore_mem>>) src(%arg20 : memref<16x128xf32, #tpu.memory_space<vmem>>) dst(%dma_wait3A_289 : memref<16x128xf32, #tpu.memory_space<vmem_shared>>)
      tpu.yield
    }) : () -> ()
    %mul3A_111 = arith.constant 640 : i32
    %mul3A_112 = arith.muli %arg1, %mul3A_111 : i32
    %add3A_113 = arith.constant 416 : i32
    %add3A_114 = arith.addi %mul3A_112, %add3A_113 : i32
    "tpu.region"() ({
      %run_scoped3A = tpu.sem_alloc : memref<!tpu.dma_semaphore, #tpu.memory_space<semaphore_mem>>
      %dma_start3A_282 = arith.constant 0 : i32
      %dma_start3A_283 = tpu.memref_slice %arg21[%add3A_114, %dma_start3A_282] : memref<10240x128xf32, #tpu.memory_space<vmem_shared>> -> memref<16x128xf32, #tpu.memory_space<vmem_shared>>
      %dma_start3A_284 = arith.constant 0 : i32
      %dma_start3A_285 = tpu.memref_slice %arg21[%add3A_114, %dma_start3A_284] : memref<10240x128xf32, #tpu.memory_space<vmem_shared>> -> memref<16x128xf32, #tpu.memory_space<vmem_shared>>
      tpu.enqueue_dma source(%arg20 : memref<16x128xf32, #tpu.memory_space<vmem>>) target(%dma_start3A_285 : memref<16x128xf32, #tpu.memory_space<vmem_shared>>) target_semaphore(%run_scoped3A : memref<!tpu.dma_semaphore, #tpu.memory_space<semaphore_mem>>)
      %dma_wait3A_286 = arith.constant 0 : i32
      %dma_wait3A_287 = tpu.memref_slice %arg21[%add3A_114, %dma_wait3A_286] : memref<10240x128xf32, #tpu.memory_space<vmem_shared>> -> memref<16x128xf32, #tpu.memory_space<vmem_shared>>
      %dma_wait3A_288 = arith.constant 0 : i32
      %dma_wait3A_289 = tpu.memref_slice %arg21[%add3A_114, %dma_wait3A_288] : memref<10240x128xf32, #tpu.memory_space<vmem_shared>> -> memref<16x128xf32, #tpu.memory_space<vmem_shared>>
      tpu.wait_dma2 semaphore(%run_scoped3A : memref<!tpu.dma_semaphore, #tpu.memory_space<semaphore_mem>>) src(%arg20 : memref<16x128xf32, #tpu.memory_space<vmem>>) dst(%dma_wait3A_289 : memref<16x128xf32, #tpu.memory_space<vmem_shared>>)
      tpu.yield
    }) : () -> ()
    %mul3A_115 = arith.constant 640 : i32
    %mul3A_116 = arith.muli %arg1, %mul3A_115 : i32
    %add3A_117 = arith.constant 432 : i32
    %add3A_118 = arith.addi %mul3A_116, %add3A_117 : i32
    "tpu.region"() ({
      %run_scoped3A = tpu.sem_alloc : memref<!tpu.dma_semaphore, #tpu.memory_space<semaphore_mem>>
      %dma_start3A_282 = arith.constant 0 : i32
      %dma_start3A_283 = tpu.memref_slice %arg21[%add3A_118, %dma_start3A_282] : memref<10240x128xf32, #tpu.memory_space<vmem_shared>> -> memref<16x128xf32, #tpu.memory_space<vmem_shared>>
      %dma_start3A_284 = arith.constant 0 : i32
      %dma_start3A_285 = tpu.memref_slice %arg21[%add3A_118, %dma_start3A_284] : memref<10240x128xf32, #tpu.memory_space<vmem_shared>> -> memref<16x128xf32, #tpu.memory_space<vmem_shared>>
      tpu.enqueue_dma source(%arg20 : memref<16x128xf32, #tpu.memory_space<vmem>>) target(%dma_start3A_285 : memref<16x128xf32, #tpu.memory_space<vmem_shared>>) target_semaphore(%run_scoped3A : memref<!tpu.dma_semaphore, #tpu.memory_space<semaphore_mem>>)
      %dma_wait3A_286 = arith.constant 0 : i32
      %dma_wait3A_287 = tpu.memref_slice %arg21[%add3A_118, %dma_wait3A_286] : memref<10240x128xf32, #tpu.memory_space<vmem_shared>> -> memref<16x128xf32, #tpu.memory_space<vmem_shared>>
      %dma_wait3A_288 = arith.constant 0 : i32
      %dma_wait3A_289 = tpu.memref_slice %arg21[%add3A_118, %dma_wait3A_288] : memref<10240x128xf32, #tpu.memory_space<vmem_shared>> -> memref<16x128xf32, #tpu.memory_space<vmem_shared>>
      tpu.wait_dma2 semaphore(%run_scoped3A : memref<!tpu.dma_semaphore, #tpu.memory_space<semaphore_mem>>) src(%arg20 : memref<16x128xf32, #tpu.memory_space<vmem>>) dst(%dma_wait3A_289 : memref<16x128xf32, #tpu.memory_space<vmem_shared>>)
      tpu.yield
    }) : () -> ()
    %mul3A_119 = arith.constant 640 : i32
    %mul3A_120 = arith.muli %arg1, %mul3A_119 : i32
    %add3A_121 = arith.constant 448 : i32
    %add3A_122 = arith.addi %mul3A_120, %add3A_121 : i32
    "tpu.region"() ({
      %run_scoped3A = tpu.sem_alloc : memref<!tpu.dma_semaphore, #tpu.memory_space<semaphore_mem>>
      %dma_start3A_282 = arith.constant 0 : i32
      %dma_start3A_283 = tpu.memref_slice %arg21[%add3A_122, %dma_start3A_282] : memref<10240x128xf32, #tpu.memory_space<vmem_shared>> -> memref<16x128xf32, #tpu.memory_space<vmem_shared>>
      %dma_start3A_284 = arith.constant 0 : i32
      %dma_start3A_285 = tpu.memref_slice %arg21[%add3A_122, %dma_start3A_284] : memref<10240x128xf32, #tpu.memory_space<vmem_shared>> -> memref<16x128xf32, #tpu.memory_space<vmem_shared>>
      tpu.enqueue_dma source(%arg20 : memref<16x128xf32, #tpu.memory_space<vmem>>) target(%dma_start3A_285 : memref<16x128xf32, #tpu.memory_space<vmem_shared>>) target_semaphore(%run_scoped3A : memref<!tpu.dma_semaphore, #tpu.memory_space<semaphore_mem>>)
      %dma_wait3A_286 = arith.constant 0 : i32
      %dma_wait3A_287 = tpu.memref_slice %arg21[%add3A_122, %dma_wait3A_286] : memref<10240x128xf32, #tpu.memory_space<vmem_shared>> -> memref<16x128xf32, #tpu.memory_space<vmem_shared>>
      %dma_wait3A_288 = arith.constant 0 : i32
      %dma_wait3A_289 = tpu.memref_slice %arg21[%add3A_122, %dma_wait3A_288] : memref<10240x128xf32, #tpu.memory_space<vmem_shared>> -> memref<16x128xf32, #tpu.memory_space<vmem_shared>>
      tpu.wait_dma2 semaphore(%run_scoped3A : memref<!tpu.dma_semaphore, #tpu.memory_space<semaphore_mem>>) src(%arg20 : memref<16x128xf32, #tpu.memory_space<vmem>>) dst(%dma_wait3A_289 : memref<16x128xf32, #tpu.memory_space<vmem_shared>>)
      tpu.yield
    }) : () -> ()
    %mul3A_123 = arith.constant 640 : i32
    %mul3A_124 = arith.muli %arg1, %mul3A_123 : i32
    %add3A_125 = arith.constant 464 : i32
    %add3A_126 = arith.addi %mul3A_124, %add3A_125 : i32
    "tpu.region"() ({
      %run_scoped3A = tpu.sem_alloc : memref<!tpu.dma_semaphore, #tpu.memory_space<semaphore_mem>>
      %dma_start3A_282 = arith.constant 0 : i32
      %dma_start3A_283 = tpu.memref_slice %arg21[%add3A_126, %dma_start3A_282] : memref<10240x128xf32, #tpu.memory_space<vmem_shared>> -> memref<16x128xf32, #tpu.memory_space<vmem_shared>>
      %dma_start3A_284 = arith.constant 0 : i32
      %dma_start3A_285 = tpu.memref_slice %arg21[%add3A_126, %dma_start3A_284] : memref<10240x128xf32, #tpu.memory_space<vmem_shared>> -> memref<16x128xf32, #tpu.memory_space<vmem_shared>>
      tpu.enqueue_dma source(%arg20 : memref<16x128xf32, #tpu.memory_space<vmem>>) target(%dma_start3A_285 : memref<16x128xf32, #tpu.memory_space<vmem_shared>>) target_semaphore(%run_scoped3A : memref<!tpu.dma_semaphore, #tpu.memory_space<semaphore_mem>>)
      %dma_wait3A_286 = arith.constant 0 : i32
      %dma_wait3A_287 = tpu.memref_slice %arg21[%add3A_126, %dma_wait3A_286] : memref<10240x128xf32, #tpu.memory_space<vmem_shared>> -> memref<16x128xf32, #tpu.memory_space<vmem_shared>>
      %dma_wait3A_288 = arith.constant 0 : i32
      %dma_wait3A_289 = tpu.memref_slice %arg21[%add3A_126, %dma_wait3A_288] : memref<10240x128xf32, #tpu.memory_space<vmem_shared>> -> memref<16x128xf32, #tpu.memory_space<vmem_shared>>
      tpu.wait_dma2 semaphore(%run_scoped3A : memref<!tpu.dma_semaphore, #tpu.memory_space<semaphore_mem>>) src(%arg20 : memref<16x128xf32, #tpu.memory_space<vmem>>) dst(%dma_wait3A_289 : memref<16x128xf32, #tpu.memory_space<vmem_shared>>)
      tpu.yield
    }) : () -> ()
    %mul3A_127 = arith.constant 640 : i32
    %mul3A_128 = arith.muli %arg1, %mul3A_127 : i32
    %add3A_129 = arith.constant 480 : i32
    %add3A_130 = arith.addi %mul3A_128, %add3A_129 : i32
    "tpu.region"() ({
      %run_scoped3A = tpu.sem_alloc : memref<!tpu.dma_semaphore, #tpu.memory_space<semaphore_mem>>
      %dma_start3A_282 = arith.constant 0 : i32
      %dma_start3A_283 = tpu.memref_slice %arg21[%add3A_130, %dma_start3A_282] : memref<10240x128xf32, #tpu.memory_space<vmem_shared>> -> memref<16x128xf32, #tpu.memory_space<vmem_shared>>
      %dma_start3A_284 = arith.constant 0 : i32
      %dma_start3A_285 = tpu.memref_slice %arg21[%add3A_130, %dma_start3A_284] : memref<10240x128xf32, #tpu.memory_space<vmem_shared>> -> memref<16x128xf32, #tpu.memory_space<vmem_shared>>
      tpu.enqueue_dma source(%arg20 : memref<16x128xf32, #tpu.memory_space<vmem>>) target(%dma_start3A_285 : memref<16x128xf32, #tpu.memory_space<vmem_shared>>) target_semaphore(%run_scoped3A : memref<!tpu.dma_semaphore, #tpu.memory_space<semaphore_mem>>)
      %dma_wait3A_286 = arith.constant 0 : i32
      %dma_wait3A_287 = tpu.memref_slice %arg21[%add3A_130, %dma_wait3A_286] : memref<10240x128xf32, #tpu.memory_space<vmem_shared>> -> memref<16x128xf32, #tpu.memory_space<vmem_shared>>
      %dma_wait3A_288 = arith.constant 0 : i32
      %dma_wait3A_289 = tpu.memref_slice %arg21[%add3A_130, %dma_wait3A_288] : memref<10240x128xf32, #tpu.memory_space<vmem_shared>> -> memref<16x128xf32, #tpu.memory_space<vmem_shared>>
      tpu.wait_dma2 semaphore(%run_scoped3A : memref<!tpu.dma_semaphore, #tpu.memory_space<semaphore_mem>>) src(%arg20 : memref<16x128xf32, #tpu.memory_space<vmem>>) dst(%dma_wait3A_289 : memref<16x128xf32, #tpu.memory_space<vmem_shared>>)
      tpu.yield
    }) : () -> ()
    %mul3A_131 = arith.constant 640 : i32
    %mul3A_132 = arith.muli %arg1, %mul3A_131 : i32
    %add3A_133 = arith.constant 496 : i32
    %add3A_134 = arith.addi %mul3A_132, %add3A_133 : i32
    "tpu.region"() ({
      %run_scoped3A = tpu.sem_alloc : memref<!tpu.dma_semaphore, #tpu.memory_space<semaphore_mem>>
      %dma_start3A_282 = arith.constant 0 : i32
      %dma_start3A_283 = tpu.memref_slice %arg21[%add3A_134, %dma_start3A_282] : memref<10240x128xf32, #tpu.memory_space<vmem_shared>> -> memref<16x128xf32, #tpu.memory_space<vmem_shared>>
      %dma_start3A_284 = arith.constant 0 : i32
      %dma_start3A_285 = tpu.memref_slice %arg21[%add3A_134, %dma_start3A_284] : memref<10240x128xf32, #tpu.memory_space<vmem_shared>> -> memref<16x128xf32, #tpu.memory_space<vmem_shared>>
      tpu.enqueue_dma source(%arg20 : memref<16x128xf32, #tpu.memory_space<vmem>>) target(%dma_start3A_285 : memref<16x128xf32, #tpu.memory_space<vmem_shared>>) target_semaphore(%run_scoped3A : memref<!tpu.dma_semaphore, #tpu.memory_space<semaphore_mem>>)
      %dma_wait3A_286 = arith.constant 0 : i32
      %dma_wait3A_287 = tpu.memref_slice %arg21[%add3A_134, %dma_wait3A_286] : memref<10240x128xf32, #tpu.memory_space<vmem_shared>> -> memref<16x128xf32, #tpu.memory_space<vmem_shared>>
      %dma_wait3A_288 = arith.constant 0 : i32
      %dma_wait3A_289 = tpu.memref_slice %arg21[%add3A_134, %dma_wait3A_288] : memref<10240x128xf32, #tpu.memory_space<vmem_shared>> -> memref<16x128xf32, #tpu.memory_space<vmem_shared>>
      tpu.wait_dma2 semaphore(%run_scoped3A : memref<!tpu.dma_semaphore, #tpu.memory_space<semaphore_mem>>) src(%arg20 : memref<16x128xf32, #tpu.memory_space<vmem>>) dst(%dma_wait3A_289 : memref<16x128xf32, #tpu.memory_space<vmem_shared>>)
      tpu.yield
    }) : () -> ()
    %mul3A_135 = arith.constant 640 : i32
    %mul3A_136 = arith.muli %arg1, %mul3A_135 : i32
    %add3A_137 = arith.constant 512 : i32
    %add3A_138 = arith.addi %mul3A_136, %add3A_137 : i32
    "tpu.region"() ({
      %run_scoped3A = tpu.sem_alloc : memref<!tpu.dma_semaphore, #tpu.memory_space<semaphore_mem>>
      %dma_start3A_282 = arith.constant 0 : i32
      %dma_start3A_283 = tpu.memref_slice %arg21[%add3A_138, %dma_start3A_282] : memref<10240x128xf32, #tpu.memory_space<vmem_shared>> -> memref<16x128xf32, #tpu.memory_space<vmem_shared>>
      %dma_start3A_284 = arith.constant 0 : i32
      %dma_start3A_285 = tpu.memref_slice %arg21[%add3A_138, %dma_start3A_284] : memref<10240x128xf32, #tpu.memory_space<vmem_shared>> -> memref<16x128xf32, #tpu.memory_space<vmem_shared>>
      tpu.enqueue_dma source(%arg20 : memref<16x128xf32, #tpu.memory_space<vmem>>) target(%dma_start3A_285 : memref<16x128xf32, #tpu.memory_space<vmem_shared>>) target_semaphore(%run_scoped3A : memref<!tpu.dma_semaphore, #tpu.memory_space<semaphore_mem>>)
      %dma_wait3A_286 = arith.constant 0 : i32
      %dma_wait3A_287 = tpu.memref_slice %arg21[%add3A_138, %dma_wait3A_286] : memref<10240x128xf32, #tpu.memory_space<vmem_shared>> -> memref<16x128xf32, #tpu.memory_space<vmem_shared>>
      %dma_wait3A_288 = arith.constant 0 : i32
      %dma_wait3A_289 = tpu.memref_slice %arg21[%add3A_138, %dma_wait3A_288] : memref<10240x128xf32, #tpu.memory_space<vmem_shared>> -> memref<16x128xf32, #tpu.memory_space<vmem_shared>>
      tpu.wait_dma2 semaphore(%run_scoped3A : memref<!tpu.dma_semaphore, #tpu.memory_space<semaphore_mem>>) src(%arg20 : memref<16x128xf32, #tpu.memory_space<vmem>>) dst(%dma_wait3A_289 : memref<16x128xf32, #tpu.memory_space<vmem_shared>>)
      tpu.yield
    }) : () -> ()
    %mul3A_139 = arith.constant 640 : i32
    %mul3A_140 = arith.muli %arg1, %mul3A_139 : i32
    %add3A_141 = arith.constant 528 : i32
    %add3A_142 = arith.addi %mul3A_140, %add3A_141 : i32
    "tpu.region"() ({
      %run_scoped3A = tpu.sem_alloc : memref<!tpu.dma_semaphore, #tpu.memory_space<semaphore_mem>>
      %dma_start3A_282 = arith.constant 0 : i32
      %dma_start3A_283 = tpu.memref_slice %arg21[%add3A_142, %dma_start3A_282] : memref<10240x128xf32, #tpu.memory_space<vmem_shared>> -> memref<16x128xf32, #tpu.memory_space<vmem_shared>>
      %dma_start3A_284 = arith.constant 0 : i32
      %dma_start3A_285 = tpu.memref_slice %arg21[%add3A_142, %dma_start3A_284] : memref<10240x128xf32, #tpu.memory_space<vmem_shared>> -> memref<16x128xf32, #tpu.memory_space<vmem_shared>>
      tpu.enqueue_dma source(%arg20 : memref<16x128xf32, #tpu.memory_space<vmem>>) target(%dma_start3A_285 : memref<16x128xf32, #tpu.memory_space<vmem_shared>>) target_semaphore(%run_scoped3A : memref<!tpu.dma_semaphore, #tpu.memory_space<semaphore_mem>>)
      %dma_wait3A_286 = arith.constant 0 : i32
      %dma_wait3A_287 = tpu.memref_slice %arg21[%add3A_142, %dma_wait3A_286] : memref<10240x128xf32, #tpu.memory_space<vmem_shared>> -> memref<16x128xf32, #tpu.memory_space<vmem_shared>>
      %dma_wait3A_288 = arith.constant 0 : i32
      %dma_wait3A_289 = tpu.memref_slice %arg21[%add3A_142, %dma_wait3A_288] : memref<10240x128xf32, #tpu.memory_space<vmem_shared>> -> memref<16x128xf32, #tpu.memory_space<vmem_shared>>
      tpu.wait_dma2 semaphore(%run_scoped3A : memref<!tpu.dma_semaphore, #tpu.memory_space<semaphore_mem>>) src(%arg20 : memref<16x128xf32, #tpu.memory_space<vmem>>) dst(%dma_wait3A_289 : memref<16x128xf32, #tpu.memory_space<vmem_shared>>)
      tpu.yield
    }) : () -> ()
    %mul3A_143 = arith.constant 640 : i32
    %mul3A_144 = arith.muli %arg1, %mul3A_143 : i32
    %add3A_145 = arith.constant 544 : i32
    %add3A_146 = arith.addi %mul3A_144, %add3A_145 : i32
    "tpu.region"() ({
      %run_scoped3A = tpu.sem_alloc : memref<!tpu.dma_semaphore, #tpu.memory_space<semaphore_mem>>
      %dma_start3A_282 = arith.constant 0 : i32
      %dma_start3A_283 = tpu.memref_slice %arg21[%add3A_146, %dma_start3A_282] : memref<10240x128xf32, #tpu.memory_space<vmem_shared>> -> memref<16x128xf32, #tpu.memory_space<vmem_shared>>
      %dma_start3A_284 = arith.constant 0 : i32
      %dma_start3A_285 = tpu.memref_slice %arg21[%add3A_146, %dma_start3A_284] : memref<10240x128xf32, #tpu.memory_space<vmem_shared>> -> memref<16x128xf32, #tpu.memory_space<vmem_shared>>
      tpu.enqueue_dma source(%arg20 : memref<16x128xf32, #tpu.memory_space<vmem>>) target(%dma_start3A_285 : memref<16x128xf32, #tpu.memory_space<vmem_shared>>) target_semaphore(%run_scoped3A : memref<!tpu.dma_semaphore, #tpu.memory_space<semaphore_mem>>)
      %dma_wait3A_286 = arith.constant 0 : i32
      %dma_wait3A_287 = tpu.memref_slice %arg21[%add3A_146, %dma_wait3A_286] : memref<10240x128xf32, #tpu.memory_space<vmem_shared>> -> memref<16x128xf32, #tpu.memory_space<vmem_shared>>
      %dma_wait3A_288 = arith.constant 0 : i32
      %dma_wait3A_289 = tpu.memref_slice %arg21[%add3A_146, %dma_wait3A_288] : memref<10240x128xf32, #tpu.memory_space<vmem_shared>> -> memref<16x128xf32, #tpu.memory_space<vmem_shared>>
      tpu.wait_dma2 semaphore(%run_scoped3A : memref<!tpu.dma_semaphore, #tpu.memory_space<semaphore_mem>>) src(%arg20 : memref<16x128xf32, #tpu.memory_space<vmem>>) dst(%dma_wait3A_289 : memref<16x128xf32, #tpu.memory_space<vmem_shared>>)
      tpu.yield
    }) : () -> ()
    %mul3A_147 = arith.constant 640 : i32
    %mul3A_148 = arith.muli %arg1, %mul3A_147 : i32
    %add3A_149 = arith.constant 560 : i32
    %add3A_150 = arith.addi %mul3A_148, %add3A_149 : i32
    "tpu.region"() ({
      %run_scoped3A = tpu.sem_alloc : memref<!tpu.dma_semaphore, #tpu.memory_space<semaphore_mem>>
      %dma_start3A_282 = arith.constant 0 : i32
      %dma_start3A_283 = tpu.memref_slice %arg21[%add3A_150, %dma_start3A_282] : memref<10240x128xf32, #tpu.memory_space<vmem_shared>> -> memref<16x128xf32, #tpu.memory_space<vmem_shared>>
      %dma_start3A_284 = arith.constant 0 : i32
      %dma_start3A_285 = tpu.memref_slice %arg21[%add3A_150, %dma_start3A_284] : memref<10240x128xf32, #tpu.memory_space<vmem_shared>> -> memref<16x128xf32, #tpu.memory_space<vmem_shared>>
      tpu.enqueue_dma source(%arg20 : memref<16x128xf32, #tpu.memory_space<vmem>>) target(%dma_start3A_285 : memref<16x128xf32, #tpu.memory_space<vmem_shared>>) target_semaphore(%run_scoped3A : memref<!tpu.dma_semaphore, #tpu.memory_space<semaphore_mem>>)
      %dma_wait3A_286 = arith.constant 0 : i32
      %dma_wait3A_287 = tpu.memref_slice %arg21[%add3A_150, %dma_wait3A_286] : memref<10240x128xf32, #tpu.memory_space<vmem_shared>> -> memref<16x128xf32, #tpu.memory_space<vmem_shared>>
      %dma_wait3A_288 = arith.constant 0 : i32
      %dma_wait3A_289 = tpu.memref_slice %arg21[%add3A_150, %dma_wait3A_288] : memref<10240x128xf32, #tpu.memory_space<vmem_shared>> -> memref<16x128xf32, #tpu.memory_space<vmem_shared>>
      tpu.wait_dma2 semaphore(%run_scoped3A : memref<!tpu.dma_semaphore, #tpu.memory_space<semaphore_mem>>) src(%arg20 : memref<16x128xf32, #tpu.memory_space<vmem>>) dst(%dma_wait3A_289 : memref<16x128xf32, #tpu.memory_space<vmem_shared>>)
      tpu.yield
    }) : () -> ()
    %mul3A_151 = arith.constant 640 : i32
    %mul3A_152 = arith.muli %arg1, %mul3A_151 : i32
    %add3A_153 = arith.constant 576 : i32
    %add3A_154 = arith.addi %mul3A_152, %add3A_153 : i32
    "tpu.region"() ({
      %run_scoped3A = tpu.sem_alloc : memref<!tpu.dma_semaphore, #tpu.memory_space<semaphore_mem>>
      %dma_start3A_282 = arith.constant 0 : i32
      %dma_start3A_283 = tpu.memref_slice %arg21[%add3A_154, %dma_start3A_282] : memref<10240x128xf32, #tpu.memory_space<vmem_shared>> -> memref<16x128xf32, #tpu.memory_space<vmem_shared>>
      %dma_start3A_284 = arith.constant 0 : i32
      %dma_start3A_285 = tpu.memref_slice %arg21[%add3A_154, %dma_start3A_284] : memref<10240x128xf32, #tpu.memory_space<vmem_shared>> -> memref<16x128xf32, #tpu.memory_space<vmem_shared>>
      tpu.enqueue_dma source(%arg20 : memref<16x128xf32, #tpu.memory_space<vmem>>) target(%dma_start3A_285 : memref<16x128xf32, #tpu.memory_space<vmem_shared>>) target_semaphore(%run_scoped3A : memref<!tpu.dma_semaphore, #tpu.memory_space<semaphore_mem>>)
      %dma_wait3A_286 = arith.constant 0 : i32
      %dma_wait3A_287 = tpu.memref_slice %arg21[%add3A_154, %dma_wait3A_286] : memref<10240x128xf32, #tpu.memory_space<vmem_shared>> -> memref<16x128xf32, #tpu.memory_space<vmem_shared>>
      %dma_wait3A_288 = arith.constant 0 : i32
      %dma_wait3A_289 = tpu.memref_slice %arg21[%add3A_154, %dma_wait3A_288] : memref<10240x128xf32, #tpu.memory_space<vmem_shared>> -> memref<16x128xf32, #tpu.memory_space<vmem_shared>>
      tpu.wait_dma2 semaphore(%run_scoped3A : memref<!tpu.dma_semaphore, #tpu.memory_space<semaphore_mem>>) src(%arg20 : memref<16x128xf32, #tpu.memory_space<vmem>>) dst(%dma_wait3A_289 : memref<16x128xf32, #tpu.memory_space<vmem_shared>>)
      tpu.yield
    }) : () -> ()
    %mul3A_155 = arith.constant 640 : i32
    %mul3A_156 = arith.muli %arg1, %mul3A_155 : i32
    %add3A_157 = arith.constant 592 : i32
    %add3A_158 = arith.addi %mul3A_156, %add3A_157 : i32
    "tpu.region"() ({
      %run_scoped3A = tpu.sem_alloc : memref<!tpu.dma_semaphore, #tpu.memory_space<semaphore_mem>>
      %dma_start3A_282 = arith.constant 0 : i32
      %dma_start3A_283 = tpu.memref_slice %arg21[%add3A_158, %dma_start3A_282] : memref<10240x128xf32, #tpu.memory_space<vmem_shared>> -> memref<16x128xf32, #tpu.memory_space<vmem_shared>>
      %dma_start3A_284 = arith.constant 0 : i32
      %dma_start3A_285 = tpu.memref_slice %arg21[%add3A_158, %dma_start3A_284] : memref<10240x128xf32, #tpu.memory_space<vmem_shared>> -> memref<16x128xf32, #tpu.memory_space<vmem_shared>>
      tpu.enqueue_dma source(%arg20 : memref<16x128xf32, #tpu.memory_space<vmem>>) target(%dma_start3A_285 : memref<16x128xf32, #tpu.memory_space<vmem_shared>>) target_semaphore(%run_scoped3A : memref<!tpu.dma_semaphore, #tpu.memory_space<semaphore_mem>>)
      %dma_wait3A_286 = arith.constant 0 : i32
      %dma_wait3A_287 = tpu.memref_slice %arg21[%add3A_158, %dma_wait3A_286] : memref<10240x128xf32, #tpu.memory_space<vmem_shared>> -> memref<16x128xf32, #tpu.memory_space<vmem_shared>>
      %dma_wait3A_288 = arith.constant 0 : i32
      %dma_wait3A_289 = tpu.memref_slice %arg21[%add3A_158, %dma_wait3A_288] : memref<10240x128xf32, #tpu.memory_space<vmem_shared>> -> memref<16x128xf32, #tpu.memory_space<vmem_shared>>
      tpu.wait_dma2 semaphore(%run_scoped3A : memref<!tpu.dma_semaphore, #tpu.memory_space<semaphore_mem>>) src(%arg20 : memref<16x128xf32, #tpu.memory_space<vmem>>) dst(%dma_wait3A_289 : memref<16x128xf32, #tpu.memory_space<vmem_shared>>)
      tpu.yield
    }) : () -> ()
    %mul3A_159 = arith.constant 640 : i32
    %mul3A_160 = arith.muli %arg1, %mul3A_159 : i32
    %add3A_161 = arith.constant 608 : i32
    %add3A_162 = arith.addi %mul3A_160, %add3A_161 : i32
    "tpu.region"() ({
      %run_scoped3A = tpu.sem_alloc : memref<!tpu.dma_semaphore, #tpu.memory_space<semaphore_mem>>
      %dma_start3A_282 = arith.constant 0 : i32
      %dma_start3A_283 = tpu.memref_slice %arg21[%add3A_162, %dma_start3A_282] : memref<10240x128xf32, #tpu.memory_space<vmem_shared>> -> memref<16x128xf32, #tpu.memory_space<vmem_shared>>
      %dma_start3A_284 = arith.constant 0 : i32
      %dma_start3A_285 = tpu.memref_slice %arg21[%add3A_162, %dma_start3A_284] : memref<10240x128xf32, #tpu.memory_space<vmem_shared>> -> memref<16x128xf32, #tpu.memory_space<vmem_shared>>
      tpu.enqueue_dma source(%arg20 : memref<16x128xf32, #tpu.memory_space<vmem>>) target(%dma_start3A_285 : memref<16x128xf32, #tpu.memory_space<vmem_shared>>) target_semaphore(%run_scoped3A : memref<!tpu.dma_semaphore, #tpu.memory_space<semaphore_mem>>)
      %dma_wait3A_286 = arith.constant 0 : i32
      %dma_wait3A_287 = tpu.memref_slice %arg21[%add3A_162, %dma_wait3A_286] : memref<10240x128xf32, #tpu.memory_space<vmem_shared>> -> memref<16x128xf32, #tpu.memory_space<vmem_shared>>
      %dma_wait3A_288 = arith.constant 0 : i32
      %dma_wait3A_289 = tpu.memref_slice %arg21[%add3A_162, %dma_wait3A_288] : memref<10240x128xf32, #tpu.memory_space<vmem_shared>> -> memref<16x128xf32, #tpu.memory_space<vmem_shared>>
      tpu.wait_dma2 semaphore(%run_scoped3A : memref<!tpu.dma_semaphore, #tpu.memory_space<semaphore_mem>>) src(%arg20 : memref<16x128xf32, #tpu.memory_space<vmem>>) dst(%dma_wait3A_289 : memref<16x128xf32, #tpu.memory_space<vmem_shared>>)
      tpu.yield
    }) : () -> ()
    %mul3A_163 = arith.constant 640 : i32
    %mul3A_164 = arith.muli %arg1, %mul3A_163 : i32
    %add3A_165 = arith.constant 624 : i32
    %add3A_166 = arith.addi %mul3A_164, %add3A_165 : i32
    "tpu.region"() ({
      %run_scoped3A = tpu.sem_alloc : memref<!tpu.dma_semaphore, #tpu.memory_space<semaphore_mem>>
      %dma_start3A_282 = arith.constant 0 : i32
      %dma_start3A_283 = tpu.memref_slice %arg21[%add3A_166, %dma_start3A_282] : memref<10240x128xf32, #tpu.memory_space<vmem_shared>> -> memref<16x128xf32, #tpu.memory_space<vmem_shared>>
      %dma_start3A_284 = arith.constant 0 : i32
      %dma_start3A_285 = tpu.memref_slice %arg21[%add3A_166, %dma_start3A_284] : memref<10240x128xf32, #tpu.memory_space<vmem_shared>> -> memref<16x128xf32, #tpu.memory_space<vmem_shared>>
      tpu.enqueue_dma source(%arg20 : memref<16x128xf32, #tpu.memory_space<vmem>>) target(%dma_start3A_285 : memref<16x128xf32, #tpu.memory_space<vmem_shared>>) target_semaphore(%run_scoped3A : memref<!tpu.dma_semaphore, #tpu.memory_space<semaphore_mem>>)
      %dma_wait3A_286 = arith.constant 0 : i32
      %dma_wait3A_287 = tpu.memref_slice %arg21[%add3A_166, %dma_wait3A_286] : memref<10240x128xf32, #tpu.memory_space<vmem_shared>> -> memref<16x128xf32, #tpu.memory_space<vmem_shared>>
      %dma_wait3A_288 = arith.constant 0 : i32
      %dma_wait3A_289 = tpu.memref_slice %arg21[%add3A_166, %dma_wait3A_288] : memref<10240x128xf32, #tpu.memory_space<vmem_shared>> -> memref<16x128xf32, #tpu.memory_space<vmem_shared>>
      tpu.wait_dma2 semaphore(%run_scoped3A : memref<!tpu.dma_semaphore, #tpu.memory_space<semaphore_mem>>) src(%arg20 : memref<16x128xf32, #tpu.memory_space<vmem>>) dst(%dma_wait3A_289 : memref<16x128xf32, #tpu.memory_space<vmem_shared>>)
      tpu.yield
    }) : () -> ()
    %barrier3A = arith.constant 0 : index
    tpu.barrier barrier_id(%barrier3A)
    %add3A_167 = arith.constant 0 : i32
    %add3A_168 = arith.addi %mul3A_2, %add3A_167 : i32
    %multiple_of3A = tpu.assume_multiple %add3A_168, 8 : i32
    %dma_start3A = tpu.memref_slice %arg4[%multiple_of3A] : memref<320000xi32, #tpu.memory_space<hbm>> -> memref<80xi32, #tpu.memory_space<hbm>>
    %dma_start3A_169 = tpu.memref_slice %arg4[%multiple_of3A] : memref<320000xi32, #tpu.memory_space<hbm>> -> memref<80xi32, #tpu.memory_space<hbm>>
    tpu.enqueue_dma source(%dma_start3A_169 : memref<80xi32, #tpu.memory_space<hbm>>) target(%arg8 : memref<80xi32, #tpu.memory_space<vmem>>) target_semaphore(%arg22 : memref<!tpu.dma_semaphore, #tpu.memory_space<semaphore_mem>>)
    %dma_start3A_170 = tpu.memref_slice %arg5[%multiple_of3A] : memref<320000xi32, #tpu.memory_space<hbm>> -> memref<80xi32, #tpu.memory_space<hbm>>
    %dma_start3A_171 = tpu.memref_slice %arg5[%multiple_of3A] : memref<320000xi32, #tpu.memory_space<hbm>> -> memref<80xi32, #tpu.memory_space<hbm>>
    tpu.enqueue_dma source(%dma_start3A_171 : memref<80xi32, #tpu.memory_space<hbm>>) target(%arg10 : memref<80xi32, #tpu.memory_space<vmem>>) target_semaphore(%arg22 : memref<!tpu.dma_semaphore, #tpu.memory_space<semaphore_mem>>)
    %add3A_172 = arith.constant 0 : i32
    %add3A_173 = arith.addi %mul3A_2, %add3A_172 : i32
    %multiple_of3A_174 = tpu.assume_multiple %add3A_173, 8 : i32
    %dma_start3A_175 = tpu.memref_slice %arg6[%multiple_of3A_174] : memref<320000xi32, #tpu.memory_space<hbm>> -> memref<40xi32, #tpu.memory_space<hbm>>
    %dma_start3A_176 = tpu.memref_slice %arg6[%multiple_of3A_174] : memref<320000xi32, #tpu.memory_space<hbm>> -> memref<40xi32, #tpu.memory_space<hbm>>
    tpu.enqueue_dma source(%dma_start3A_176 : memref<40xi32, #tpu.memory_space<hbm>>) target(%arg12 : memref<40xi32, #tpu.memory_space<vmem>>) target_semaphore(%arg24 : memref<!tpu.dma_semaphore, #tpu.memory_space<semaphore_mem>>)
    %add3A_177 = arith.constant 40 : i32
    %add3A_178 = arith.addi %multiple_of3A_174, %add3A_177 : i32
    %dma_start3A_179 = tpu.memref_slice %arg6[%add3A_178] : memref<320000xi32, #tpu.memory_space<hbm>> -> memref<40xi32, #tpu.memory_space<hbm>>
    %dma_start3A_180 = tpu.memref_slice %arg6[%add3A_178] : memref<320000xi32, #tpu.memory_space<hbm>> -> memref<40xi32, #tpu.memory_space<hbm>>
    tpu.enqueue_dma source(%dma_start3A_180 : memref<40xi32, #tpu.memory_space<hbm>>) target(%arg13 : memref<40xi32, #tpu.memory_space<vmem>>) target_semaphore(%arg24 : memref<!tpu.dma_semaphore, #tpu.memory_space<semaphore_mem>>)
    %add3A_181 = arith.constant 80 : i32
    %add3A_182 = arith.addi %mul3A_2, %add3A_181 : i32
    %multiple_of3A_183 = tpu.assume_multiple %add3A_182, 8 : i32
    %dma_start3A_184 = tpu.memref_slice %arg4[%multiple_of3A_183] : memref<320000xi32, #tpu.memory_space<hbm>> -> memref<80xi32, #tpu.memory_space<hbm>>
    %dma_start3A_185 = tpu.memref_slice %arg4[%multiple_of3A_183] : memref<320000xi32, #tpu.memory_space<hbm>> -> memref<80xi32, #tpu.memory_space<hbm>>
    tpu.enqueue_dma source(%dma_start3A_185 : memref<80xi32, #tpu.memory_space<hbm>>) target(%arg9 : memref<80xi32, #tpu.memory_space<vmem>>) target_semaphore(%arg23 : memref<!tpu.dma_semaphore, #tpu.memory_space<semaphore_mem>>)
    %dma_start3A_186 = tpu.memref_slice %arg5[%multiple_of3A_183] : memref<320000xi32, #tpu.memory_space<hbm>> -> memref<80xi32, #tpu.memory_space<hbm>>
    %dma_start3A_187 = tpu.memref_slice %arg5[%multiple_of3A_183] : memref<320000xi32, #tpu.memory_space<hbm>> -> memref<80xi32, #tpu.memory_space<hbm>>
    tpu.enqueue_dma source(%dma_start3A_187 : memref<80xi32, #tpu.memory_space<hbm>>) target(%arg11 : memref<80xi32, #tpu.memory_space<vmem>>) target_semaphore(%arg23 : memref<!tpu.dma_semaphore, #tpu.memory_space<semaphore_mem>>)
    %add3A_188 = arith.constant 80 : i32
    %add3A_189 = arith.addi %mul3A_2, %add3A_188 : i32
    %multiple_of3A_190 = tpu.assume_multiple %add3A_189, 8 : i32
    %dma_start3A_191 = tpu.memref_slice %arg6[%multiple_of3A_190] : memref<320000xi32, #tpu.memory_space<hbm>> -> memref<40xi32, #tpu.memory_space<hbm>>
    %dma_start3A_192 = tpu.memref_slice %arg6[%multiple_of3A_190] : memref<320000xi32, #tpu.memory_space<hbm>> -> memref<40xi32, #tpu.memory_space<hbm>>
    tpu.enqueue_dma source(%dma_start3A_192 : memref<40xi32, #tpu.memory_space<hbm>>) target(%arg14 : memref<40xi32, #tpu.memory_space<vmem>>) target_semaphore(%arg25 : memref<!tpu.dma_semaphore, #tpu.memory_space<semaphore_mem>>)
    %add3A_193 = arith.constant 40 : i32
    %add3A_194 = arith.addi %multiple_of3A_190, %add3A_193 : i32
    %dma_start3A_195 = tpu.memref_slice %arg6[%add3A_194] : memref<320000xi32, #tpu.memory_space<hbm>> -> memref<40xi32, #tpu.memory_space<hbm>>
    %dma_start3A_196 = tpu.memref_slice %arg6[%add3A_194] : memref<320000xi32, #tpu.memory_space<hbm>> -> memref<40xi32, #tpu.memory_space<hbm>>
    tpu.enqueue_dma source(%dma_start3A_196 : memref<40xi32, #tpu.memory_space<hbm>>) target(%arg15 : memref<40xi32, #tpu.memory_space<vmem>>) target_semaphore(%arg25 : memref<!tpu.dma_semaphore, #tpu.memory_space<semaphore_mem>>)
    %dma_wait3A = arith.constant 0 : i32
    %dma_wait3A_197 = tpu.memref_slice %arg4[%dma_wait3A] : memref<320000xi32, #tpu.memory_space<hbm>> -> memref<80xi32, #tpu.memory_space<hbm>>
    %dma_wait3A_198 = arith.constant 0 : i32
    %dma_wait3A_199 = tpu.memref_slice %arg4[%dma_wait3A_198] : memref<320000xi32, #tpu.memory_space<hbm>> -> memref<80xi32, #tpu.memory_space<hbm>>
    tpu.wait_dma2 semaphore(%arg22 : memref<!tpu.dma_semaphore, #tpu.memory_space<semaphore_mem>>) src(%dma_wait3A_199 : memref<80xi32, #tpu.memory_space<hbm>>) dst(%arg8 : memref<80xi32, #tpu.memory_space<vmem>>)
    %dma_wait3A_200 = arith.constant 0 : i32
    %dma_wait3A_201 = tpu.memref_slice %arg5[%dma_wait3A_200] : memref<320000xi32, #tpu.memory_space<hbm>> -> memref<80xi32, #tpu.memory_space<hbm>>
    %dma_wait3A_202 = arith.constant 0 : i32
    %dma_wait3A_203 = tpu.memref_slice %arg5[%dma_wait3A_202] : memref<320000xi32, #tpu.memory_space<hbm>> -> memref<80xi32, #tpu.memory_space<hbm>>
    tpu.wait_dma2 semaphore(%arg22 : memref<!tpu.dma_semaphore, #tpu.memory_space<semaphore_mem>>) src(%dma_wait3A_203 : memref<80xi32, #tpu.memory_space<hbm>>) dst(%arg10 : memref<80xi32, #tpu.memory_space<vmem>>)
    %dma_start3A_204 = arith.constant 0 : i32
    %dma_start3A_205 = arith.constant 0 : i32
    %dma_start3A_206 = tpu.memref_slice %arg2[%dma_start3A_204, %dma_start3A_205] : memref<10000x128xf32, #tpu.memory_space<hbm>> -> memref<10000x128xf32, #tpu.memory_space<hbm>>
    tpu.enqueue_indirect_dma source(%dma_start3A_206 : memref<10000x128xf32, #tpu.memory_space<hbm>>) target(%arg16 : memref<80x128xf32, #tpu.memory_space<vmem>>) offsets(%arg8 : memref<80xi32, #tpu.memory_space<vmem>>) semaphore(%arg26 : memref<!tpu.dma_semaphore, #tpu.memory_space<semaphore_mem>>)
    %dma_start3A_207 = arith.constant 0 : i32
    %dma_start3A_208 = arith.constant 0 : i32
    %dma_start3A_209 = tpu.memref_slice %arg3[%dma_start3A_207, %dma_start3A_208] : memref<12864x128xf32, #tpu.memory_space<hbm>> -> memref<12864x128xf32, #tpu.memory_space<hbm>>
    tpu.enqueue_indirect_dma source(%dma_start3A_209 : memref<12864x128xf32, #tpu.memory_space<hbm>>) target(%arg18 : memref<80x128xf32, #tpu.memory_space<vmem>>) offsets(%arg10 : memref<80xi32, #tpu.memory_space<vmem>>) semaphore(%arg28 : memref<!tpu.dma_semaphore, #tpu.memory_space<semaphore_mem>>)
    %dma_wait3A_210 = arith.constant 0 : i32
    %dma_wait3A_211 = tpu.memref_slice %arg4[%dma_wait3A_210] : memref<320000xi32, #tpu.memory_space<hbm>> -> memref<80xi32, #tpu.memory_space<hbm>>
    %dma_wait3A_212 = arith.constant 0 : i32
    %dma_wait3A_213 = tpu.memref_slice %arg4[%dma_wait3A_212] : memref<320000xi32, #tpu.memory_space<hbm>> -> memref<80xi32, #tpu.memory_space<hbm>>
    tpu.wait_dma2 semaphore(%arg23 : memref<!tpu.dma_semaphore, #tpu.memory_space<semaphore_mem>>) src(%dma_wait3A_213 : memref<80xi32, #tpu.memory_space<hbm>>) dst(%arg9 : memref<80xi32, #tpu.memory_space<vmem>>)
    %dma_wait3A_214 = arith.constant 0 : i32
    %dma_wait3A_215 = tpu.memref_slice %arg5[%dma_wait3A_214] : memref<320000xi32, #tpu.memory_space<hbm>> -> memref<80xi32, #tpu.memory_space<hbm>>
    %dma_wait3A_216 = arith.constant 0 : i32
    %dma_wait3A_217 = tpu.memref_slice %arg5[%dma_wait3A_216] : memref<320000xi32, #tpu.memory_space<hbm>> -> memref<80xi32, #tpu.memory_space<hbm>>
    tpu.wait_dma2 semaphore(%arg23 : memref<!tpu.dma_semaphore, #tpu.memory_space<semaphore_mem>>) src(%dma_wait3A_217 : memref<80xi32, #tpu.memory_space<hbm>>) dst(%arg11 : memref<80xi32, #tpu.memory_space<vmem>>)
    %dma_start3A_218 = arith.constant 0 : i32
    %dma_start3A_219 = arith.constant 0 : i32
    %dma_start3A_220 = tpu.memref_slice %arg2[%dma_start3A_218, %dma_start3A_219] : memref<10000x128xf32, #tpu.memory_space<hbm>> -> memref<10000x128xf32, #tpu.memory_space<hbm>>
    tpu.enqueue_indirect_dma source(%dma_start3A_220 : memref<10000x128xf32, #tpu.memory_space<hbm>>) target(%arg17 : memref<80x128xf32, #tpu.memory_space<vmem>>) offsets(%arg9 : memref<80xi32, #tpu.memory_space<vmem>>) semaphore(%arg27 : memref<!tpu.dma_semaphore, #tpu.memory_space<semaphore_mem>>)
    %dma_start3A_221 = arith.constant 0 : i32
    %dma_start3A_222 = arith.constant 0 : i32
    %dma_start3A_223 = tpu.memref_slice %arg3[%dma_start3A_221, %dma_start3A_222] : memref<12864x128xf32, #tpu.memory_space<hbm>> -> memref<12864x128xf32, #tpu.memory_space<hbm>>
    tpu.enqueue_indirect_dma source(%dma_start3A_223 : memref<12864x128xf32, #tpu.memory_space<hbm>>) target(%arg19 : memref<80x128xf32, #tpu.memory_space<vmem>>) offsets(%arg11 : memref<80xi32, #tpu.memory_space<vmem>>) semaphore(%arg29 : memref<!tpu.dma_semaphore, #tpu.memory_space<semaphore_mem>>)
    %scan3A_224 = arith.constant 0 : i32
    %scan3A_225 = arith.constant 62 : i32
    %scan3A_226 = arith.addi %scan3A_224, %scan3A_225 : i32
    %scan3A_227 = arith.constant 1 : i32
    scf.for %scan3A_282 = %scan3A_224 to %scan3A_226 step %scan3A_227  : i32 {
      %mul3A_283 = arith.constant 2 : i32
      %mul3A_284 = arith.muli %scan3A_282, %mul3A_283 : i32
      %add3A_285 = arith.constant 0 : i32
      %add3A_286 = arith.addi %mul3A_284, %add3A_285 : i32
      %dma_wait3A_287 = arith.constant 0 : i32
      %dma_wait3A_288 = arith.constant 0 : i32
      %dma_wait3A_289 = tpu.memref_slice %arg2[%dma_wait3A_287, %dma_wait3A_288] : memref<10000x128xf32, #tpu.memory_space<hbm>> -> memref<10000x128xf32, #tpu.memory_space<hbm>>
      tpu.wait_indirect_dma semaphore(%arg26 : memref<!tpu.dma_semaphore, #tpu.memory_space<semaphore_mem>>) src(%dma_wait3A_289 : memref<10000x128xf32, #tpu.memory_space<hbm>>) dst(%arg16 : memref<80x128xf32, #tpu.memory_space<vmem>>)
      %dma_wait3A_290 = arith.constant 0 : i32
      %dma_wait3A_291 = arith.constant 0 : i32
      %dma_wait3A_292 = tpu.memref_slice %arg3[%dma_wait3A_290, %dma_wait3A_291] : memref<12864x128xf32, #tpu.memory_space<hbm>> -> memref<12864x128xf32, #tpu.memory_space<hbm>>
      tpu.wait_indirect_dma semaphore(%arg28 : memref<!tpu.dma_semaphore, #tpu.memory_space<semaphore_mem>>) src(%dma_wait3A_292 : memref<12864x128xf32, #tpu.memory_space<hbm>>) dst(%arg18 : memref<80x128xf32, #tpu.memory_space<vmem>>)
      %add3A_293 = arith.constant 2 : i32
      %add3A_294 = arith.addi %add3A_286, %add3A_293 : i32
      %lt3A = arith.constant 125 : i32
      %lt3A_295 = arith.cmpi slt, %add3A_294, %lt3A : i32
      %convert_element_type3A = arith.extui %lt3A_295 : i1 to i32
      %cond3A = arith.constant 0 : i32
      %cond3A_296 = arith.cmpi ne, %convert_element_type3A, %cond3A : i32
      scf.if %cond3A_296 {
        %add3A_412 = arith.constant 2 : i32
        %add3A_413 = arith.addi %add3A_286, %add3A_412 : i32
        %mul3A_414 = arith.constant 80 : i32
        %mul3A_415 = arith.muli %add3A_413, %mul3A_414 : i32
        %add3A_416 = arith.addi %mul3A_2, %mul3A_415 : i32
        %multiple_of3A_417 = tpu.assume_multiple %add3A_416, 8 : i32
        %dma_start3A_418 = tpu.memref_slice %arg4[%multiple_of3A_417] : memref<320000xi32, #tpu.memory_space<hbm>> -> memref<80xi32, #tpu.memory_space<hbm>>
        %dma_start3A_419 = tpu.memref_slice %arg4[%multiple_of3A_417] : memref<320000xi32, #tpu.memory_space<hbm>> -> memref<80xi32, #tpu.memory_space<hbm>>
        tpu.enqueue_dma source(%dma_start3A_419 : memref<80xi32, #tpu.memory_space<hbm>>) target(%arg8 : memref<80xi32, #tpu.memory_space<vmem>>) target_semaphore(%arg22 : memref<!tpu.dma_semaphore, #tpu.memory_space<semaphore_mem>>)
        %dma_start3A_420 = tpu.memref_slice %arg5[%multiple_of3A_417] : memref<320000xi32, #tpu.memory_space<hbm>> -> memref<80xi32, #tpu.memory_space<hbm>>
        %dma_start3A_421 = tpu.memref_slice %arg5[%multiple_of3A_417] : memref<320000xi32, #tpu.memory_space<hbm>> -> memref<80xi32, #tpu.memory_space<hbm>>
        tpu.enqueue_dma source(%dma_start3A_421 : memref<80xi32, #tpu.memory_space<hbm>>) target(%arg10 : memref<80xi32, #tpu.memory_space<vmem>>) target_semaphore(%arg22 : memref<!tpu.dma_semaphore, #tpu.memory_space<semaphore_mem>>)
      } else {
      }
      %scan3A_297 = arith.constant 0 : i32
      %scan3A_298 = arith.constant 40 : i32
      %scan3A_299 = arith.addi %scan3A_297, %scan3A_298 : i32
      %scan3A_300 = arith.constant 1 : i32
      scf.for %scan3A_412 = %scan3A_297 to %scan3A_299 step %scan3A_300  : i32 {
        %get3A = arith.index_cast %scan3A_412 : i32 to index
        %get3A_413 = arith.constant 0 : index
        %get3A_414 = tpu.vector_load %arg16[%get3A, %get3A_413] {strides = array<i32>} : memref<80x128xf32, #tpu.memory_space<vmem>>, vector<1x16xf32>,
        %get3A_415 = vector.shape_cast %get3A_414 : vector<1x16xf32> to vector<16xf32>
        %get3A_416 = arith.index_cast %scan3A_412 : i32 to index
        %get3A_417 = arith.constant 0 : index
        %get3A_418 = tpu.vector_load %arg18[%get3A_416, %get3A_417] {strides = array<i32>} : memref<80x128xf32, #tpu.memory_space<vmem>>, vector<1x16xf32>,
        %get3A_419 = vector.shape_cast %get3A_418 : vector<1x16xf32> to vector<16xf32>
        %mul3A_420 = arith.mulf %get3A_415, %get3A_419 : vector<16xf32>
        %swap3A = arith.index_cast %scan3A_412 : i32 to index
        %swap3A_421 = arith.constant 0 : index
        %swap3A_422 = tpu.vector_load %arg16[%swap3A, %swap3A_421] {strides = array<i32>} : memref<80x128xf32, #tpu.memory_space<vmem>>, vector<1x16xf32>,
        %swap3A_423 = vector.shape_cast %swap3A_422 : vector<1x16xf32> to vector<16xf32>
        %swap3A_424 = vector.shape_cast %mul3A_420 : vector<16xf32> to vector<1x16xf32>
        tpu.vector_store %arg16[%swap3A, %swap3A_421], %swap3A_424 {strides = array<i32>} : memref<80x128xf32, #tpu.memory_space<vmem>>, vector<1x16xf32>,
        %get3A_425 = arith.index_cast %scan3A_412 : i32 to index
        %get3A_426 = arith.constant 16 : index
        %get3A_427 = tpu.vector_load %arg16[%get3A_425, %get3A_426] {strides = array<i32>} : memref<80x128xf32, #tpu.memory_space<vmem>>, vector<1x16xf32>,
        %get3A_428 = vector.shape_cast %get3A_427 : vector<1x16xf32> to vector<16xf32>
        %get3A_429 = arith.index_cast %scan3A_412 : i32 to index
        %get3A_430 = arith.constant 16 : index
        %get3A_431 = tpu.vector_load %arg18[%get3A_429, %get3A_430] {strides = array<i32>} : memref<80x128xf32, #tpu.memory_space<vmem>>, vector<1x16xf32>,
        %get3A_432 = vector.shape_cast %get3A_431 : vector<1x16xf32> to vector<16xf32>
        %mul3A_433 = arith.mulf %get3A_428, %get3A_432 : vector<16xf32>
        %swap3A_434 = arith.index_cast %scan3A_412 : i32 to index
        %swap3A_435 = arith.constant 16 : index
        %swap3A_436 = tpu.vector_load %arg16[%swap3A_434, %swap3A_435] {strides = array<i32>} : memref<80x128xf32, #tpu.memory_space<vmem>>, vector<1x16xf32>,
        %swap3A_437 = vector.shape_cast %swap3A_436 : vector<1x16xf32> to vector<16xf32>
        %swap3A_438 = vector.shape_cast %mul3A_433 : vector<16xf32> to vector<1x16xf32>
        tpu.vector_store %arg16[%swap3A_434, %swap3A_435], %swap3A_438 {strides = array<i32>} : memref<80x128xf32, #tpu.memory_space<vmem>>, vector<1x16xf32>,
        %get3A_439 = arith.index_cast %scan3A_412 : i32 to index
        %get3A_440 = arith.constant 32 : index
        %get3A_441 = tpu.vector_load %arg16[%get3A_439, %get3A_440] {strides = array<i32>} : memref<80x128xf32, #tpu.memory_space<vmem>>, vector<1x16xf32>,
        %get3A_442 = vector.shape_cast %get3A_441 : vector<1x16xf32> to vector<16xf32>
        %get3A_443 = arith.index_cast %scan3A_412 : i32 to index
        %get3A_444 = arith.constant 32 : index
        %get3A_445 = tpu.vector_load %arg18[%get3A_443, %get3A_444] {strides = array<i32>} : memref<80x128xf32, #tpu.memory_space<vmem>>, vector<1x16xf32>,
        %get3A_446 = vector.shape_cast %get3A_445 : vector<1x16xf32> to vector<16xf32>
        %mul3A_447 = arith.mulf %get3A_442, %get3A_446 : vector<16xf32>
        %swap3A_448 = arith.index_cast %scan3A_412 : i32 to index
        %swap3A_449 = arith.constant 32 : index
        %swap3A_450 = tpu.vector_load %arg16[%swap3A_448, %swap3A_449] {strides = array<i32>} : memref<80x128xf32, #tpu.memory_space<vmem>>, vector<1x16xf32>,
        %swap3A_451 = vector.shape_cast %swap3A_450 : vector<1x16xf32> to vector<16xf32>
        %swap3A_452 = vector.shape_cast %mul3A_447 : vector<16xf32> to vector<1x16xf32>
        tpu.vector_store %arg16[%swap3A_448, %swap3A_449], %swap3A_452 {strides = array<i32>} : memref<80x128xf32, #tpu.memory_space<vmem>>, vector<1x16xf32>,
        %get3A_453 = arith.index_cast %scan3A_412 : i32 to index
        %get3A_454 = arith.constant 48 : index
        %get3A_455 = tpu.vector_load %arg16[%get3A_453, %get3A_454] {strides = array<i32>} : memref<80x128xf32, #tpu.memory_space<vmem>>, vector<1x16xf32>,
        %get3A_456 = vector.shape_cast %get3A_455 : vector<1x16xf32> to vector<16xf32>
        %get3A_457 = arith.index_cast %scan3A_412 : i32 to index
        %get3A_458 = arith.constant 48 : index
        %get3A_459 = tpu.vector_load %arg18[%get3A_457, %get3A_458] {strides = array<i32>} : memref<80x128xf32, #tpu.memory_space<vmem>>, vector<1x16xf32>,
        %get3A_460 = vector.shape_cast %get3A_459 : vector<1x16xf32> to vector<16xf32>
        %mul3A_461 = arith.mulf %get3A_456, %get3A_460 : vector<16xf32>
        %swap3A_462 = arith.index_cast %scan3A_412 : i32 to index
        %swap3A_463 = arith.constant 48 : index
        %swap3A_464 = tpu.vector_load %arg16[%swap3A_462, %swap3A_463] {strides = array<i32>} : memref<80x128xf32, #tpu.memory_space<vmem>>, vector<1x16xf32>,
        %swap3A_465 = vector.shape_cast %swap3A_464 : vector<1x16xf32> to vector<16xf32>
        %swap3A_466 = vector.shape_cast %mul3A_461 : vector<16xf32> to vector<1x16xf32>
        tpu.vector_store %arg16[%swap3A_462, %swap3A_463], %swap3A_466 {strides = array<i32>} : memref<80x128xf32, #tpu.memory_space<vmem>>, vector<1x16xf32>,
        %get3A_467 = arith.index_cast %scan3A_412 : i32 to index
        %get3A_468 = arith.constant 64 : index
        %get3A_469 = tpu.vector_load %arg16[%get3A_467, %get3A_468] {strides = array<i32>} : memref<80x128xf32, #tpu.memory_space<vmem>>, vector<1x16xf32>,
        %get3A_470 = vector.shape_cast %get3A_469 : vector<1x16xf32> to vector<16xf32>
        %get3A_471 = arith.index_cast %scan3A_412 : i32 to index
        %get3A_472 = arith.constant 64 : index
        %get3A_473 = tpu.vector_load %arg18[%get3A_471, %get3A_472] {strides = array<i32>} : memref<80x128xf32, #tpu.memory_space<vmem>>, vector<1x16xf32>,
        %get3A_474 = vector.shape_cast %get3A_473 : vector<1x16xf32> to vector<16xf32>
        %mul3A_475 = arith.mulf %get3A_470, %get3A_474 : vector<16xf32>
        %swap3A_476 = arith.index_cast %scan3A_412 : i32 to index
        %swap3A_477 = arith.constant 64 : index
        %swap3A_478 = tpu.vector_load %arg16[%swap3A_476, %swap3A_477] {strides = array<i32>} : memref<80x128xf32, #tpu.memory_space<vmem>>, vector<1x16xf32>,
        %swap3A_479 = vector.shape_cast %swap3A_478 : vector<1x16xf32> to vector<16xf32>
        %swap3A_480 = vector.shape_cast %mul3A_475 : vector<16xf32> to vector<1x16xf32>
        tpu.vector_store %arg16[%swap3A_476, %swap3A_477], %swap3A_480 {strides = array<i32>} : memref<80x128xf32, #tpu.memory_space<vmem>>, vector<1x16xf32>,
        %get3A_481 = arith.index_cast %scan3A_412 : i32 to index
        %get3A_482 = arith.constant 80 : index
        %get3A_483 = tpu.vector_load %arg16[%get3A_481, %get3A_482] {strides = array<i32>} : memref<80x128xf32, #tpu.memory_space<vmem>>, vector<1x16xf32>,
        %get3A_484 = vector.shape_cast %get3A_483 : vector<1x16xf32> to vector<16xf32>
        %get3A_485 = arith.index_cast %scan3A_412 : i32 to index
        %get3A_486 = arith.constant 80 : index
        %get3A_487 = tpu.vector_load %arg18[%get3A_485, %get3A_486] {strides = array<i32>} : memref<80x128xf32, #tpu.memory_space<vmem>>, vector<1x16xf32>,
        %get3A_488 = vector.shape_cast %get3A_487 : vector<1x16xf32> to vector<16xf32>
        %mul3A_489 = arith.mulf %get3A_484, %get3A_488 : vector<16xf32>
        %swap3A_490 = arith.index_cast %scan3A_412 : i32 to index
        %swap3A_491 = arith.constant 80 : index
        %swap3A_492 = tpu.vector_load %arg16[%swap3A_490, %swap3A_491] {strides = array<i32>} : memref<80x128xf32, #tpu.memory_space<vmem>>, vector<1x16xf32>,
        %swap3A_493 = vector.shape_cast %swap3A_492 : vector<1x16xf32> to vector<16xf32>
        %swap3A_494 = vector.shape_cast %mul3A_489 : vector<16xf32> to vector<1x16xf32>
        tpu.vector_store %arg16[%swap3A_490, %swap3A_491], %swap3A_494 {strides = array<i32>} : memref<80x128xf32, #tpu.memory_space<vmem>>, vector<1x16xf32>,
        %get3A_495 = arith.index_cast %scan3A_412 : i32 to index
        %get3A_496 = arith.constant 96 : index
        %get3A_497 = tpu.vector_load %arg16[%get3A_495, %get3A_496] {strides = array<i32>} : memref<80x128xf32, #tpu.memory_space<vmem>>, vector<1x16xf32>,
        %get3A_498 = vector.shape_cast %get3A_497 : vector<1x16xf32> to vector<16xf32>
        %get3A_499 = arith.index_cast %scan3A_412 : i32 to index
        %get3A_500 = arith.constant 96 : index
        %get3A_501 = tpu.vector_load %arg18[%get3A_499, %get3A_500] {strides = array<i32>} : memref<80x128xf32, #tpu.memory_space<vmem>>, vector<1x16xf32>,
        %get3A_502 = vector.shape_cast %get3A_501 : vector<1x16xf32> to vector<16xf32>
        %mul3A_503 = arith.mulf %get3A_498, %get3A_502 : vector<16xf32>
        %swap3A_504 = arith.index_cast %scan3A_412 : i32 to index
        %swap3A_505 = arith.constant 96 : index
        %swap3A_506 = tpu.vector_load %arg16[%swap3A_504, %swap3A_505] {strides = array<i32>} : memref<80x128xf32, #tpu.memory_space<vmem>>, vector<1x16xf32>,
        %swap3A_507 = vector.shape_cast %swap3A_506 : vector<1x16xf32> to vector<16xf32>
        %swap3A_508 = vector.shape_cast %mul3A_503 : vector<16xf32> to vector<1x16xf32>
        tpu.vector_store %arg16[%swap3A_504, %swap3A_505], %swap3A_508 {strides = array<i32>} : memref<80x128xf32, #tpu.memory_space<vmem>>, vector<1x16xf32>,
        %get3A_509 = arith.index_cast %scan3A_412 : i32 to index
        %get3A_510 = arith.constant 112 : index
        %get3A_511 = tpu.vector_load %arg16[%get3A_509, %get3A_510] {strides = array<i32>} : memref<80x128xf32, #tpu.memory_space<vmem>>, vector<1x16xf32>,
        %get3A_512 = vector.shape_cast %get3A_511 : vector<1x16xf32> to vector<16xf32>
        %get3A_513 = arith.index_cast %scan3A_412 : i32 to index
        %get3A_514 = arith.constant 112 : index
        %get3A_515 = tpu.vector_load %arg18[%get3A_513, %get3A_514] {strides = array<i32>} : memref<80x128xf32, #tpu.memory_space<vmem>>, vector<1x16xf32>,
        %get3A_516 = vector.shape_cast %get3A_515 : vector<1x16xf32> to vector<16xf32>
        %mul3A_517 = arith.mulf %get3A_512, %get3A_516 : vector<16xf32>
        %swap3A_518 = arith.index_cast %scan3A_412 : i32 to index
        %swap3A_519 = arith.constant 112 : index
        %swap3A_520 = tpu.vector_load %arg16[%swap3A_518, %swap3A_519] {strides = array<i32>} : memref<80x128xf32, #tpu.memory_space<vmem>>, vector<1x16xf32>,
        %swap3A_521 = vector.shape_cast %swap3A_520 : vector<1x16xf32> to vector<16xf32>
        %swap3A_522 = vector.shape_cast %mul3A_517 : vector<16xf32> to vector<1x16xf32>
        tpu.vector_store %arg16[%swap3A_518, %swap3A_519], %swap3A_522 {strides = array<i32>} : memref<80x128xf32, #tpu.memory_space<vmem>>, vector<1x16xf32>,
      }
      %scan3A_301 = arith.constant 40 : i32
      %dma_wait3A_302 = arith.constant 0 : i32
      %dma_wait3A_303 = tpu.memref_slice %arg6[%dma_wait3A_302] : memref<320000xi32, #tpu.memory_space<hbm>> -> memref<40xi32, #tpu.memory_space<hbm>>
      %dma_wait3A_304 = arith.constant 0 : i32
      %dma_wait3A_305 = tpu.memref_slice %arg6[%dma_wait3A_304] : memref<320000xi32, #tpu.memory_space<hbm>> -> memref<40xi32, #tpu.memory_space<hbm>>
      tpu.wait_dma2 semaphore(%arg24 : memref<!tpu.dma_semaphore, #tpu.memory_space<semaphore_mem>>) src(%dma_wait3A_305 : memref<40xi32, #tpu.memory_space<hbm>>) dst(%arg12 : memref<40xi32, #tpu.memory_space<vmem>>)
      %dma_wait3A_306 = arith.constant 0 : i32
      %dma_wait3A_307 = tpu.memref_slice %arg6[%dma_wait3A_306] : memref<320000xi32, #tpu.memory_space<hbm>> -> memref<40xi32, #tpu.memory_space<hbm>>
      %dma_wait3A_308 = arith.constant 0 : i32
      %dma_wait3A_309 = tpu.memref_slice %arg6[%dma_wait3A_308] : memref<320000xi32, #tpu.memory_space<hbm>> -> memref<40xi32, #tpu.memory_space<hbm>>
      tpu.wait_dma2 semaphore(%arg24 : memref<!tpu.dma_semaphore, #tpu.memory_space<semaphore_mem>>) src(%dma_wait3A_309 : memref<40xi32, #tpu.memory_space<hbm>>) dst(%arg12 : memref<40xi32, #tpu.memory_space<vmem>>)
      %dma_start3A_310 = arith.constant 0 : i32
      %dma_start3A_311 = arith.constant 0 : i32
      %dma_start3A_312 = tpu.memref_slice %arg16[%dma_start3A_310, %dma_start3A_311] : memref<80x128xf32, #tpu.memory_space<vmem>> -> memref<40x128xf32, #tpu.memory_space<vmem>>
      %dma_start3A_313 = arith.constant 0 : i32
      %dma_start3A_314 = arith.constant 0 : i32
      %dma_start3A_315 = tpu.memref_slice %arg21[%dma_start3A_313, %dma_start3A_314] : memref<10240x128xf32, #tpu.memory_space<vmem_shared>> -> memref<10240x128xf32, #tpu.memory_space<vmem_shared>>
      tpu.enqueue_indirect_dma source(%dma_start3A_312 : memref<40x128xf32, #tpu.memory_space<vmem>>) target(%dma_start3A_315 : memref<10240x128xf32, #tpu.memory_space<vmem_shared>>) offsets(%arg12 : memref<40xi32, #tpu.memory_space<vmem>>) semaphore(%arg30 : memref<!tpu.dma_semaphore, #tpu.memory_space<semaphore_mem>>) {add = true}
      %scan3A_316 = arith.constant 40 : i32
      %scan3A_317 = arith.constant 40 : i32
      %scan3A_318 = arith.addi %scan3A_316, %scan3A_317 : i32
      %scan3A_319 = arith.constant 1 : i32
      scf.for %scan3A_412 = %scan3A_316 to %scan3A_318 step %scan3A_319  : i32 {
        %get3A = arith.index_cast %scan3A_412 : i32 to index
        %get3A_413 = arith.constant 0 : index
        %get3A_414 = tpu.vector_load %arg16[%get3A, %get3A_413] {strides = array<i32>} : memref<80x128xf32, #tpu.memory_space<vmem>>, vector<1x16xf32>,
        %get3A_415 = vector.shape_cast %get3A_414 : vector<1x16xf32> to vector<16xf32>
        %get3A_416 = arith.index_cast %scan3A_412 : i32 to index
        %get3A_417 = arith.constant 0 : index
        %get3A_418 = tpu.vector_load %arg18[%get3A_416, %get3A_417] {strides = array<i32>} : memref<80x128xf32, #tpu.memory_space<vmem>>, vector<1x16xf32>,
        %get3A_419 = vector.shape_cast %get3A_418 : vector<1x16xf32> to vector<16xf32>
        %mul3A_420 = arith.mulf %get3A_415, %get3A_419 : vector<16xf32>
        %swap3A = arith.index_cast %scan3A_412 : i32 to index
        %swap3A_421 = arith.constant 0 : index
        %swap3A_422 = tpu.vector_load %arg16[%swap3A, %swap3A_421] {strides = array<i32>} : memref<80x128xf32, #tpu.memory_space<vmem>>, vector<1x16xf32>,
        %swap3A_423 = vector.shape_cast %swap3A_422 : vector<1x16xf32> to vector<16xf32>
        %swap3A_424 = vector.shape_cast %mul3A_420 : vector<16xf32> to vector<1x16xf32>
        tpu.vector_store %arg16[%swap3A, %swap3A_421], %swap3A_424 {strides = array<i32>} : memref<80x128xf32, #tpu.memory_space<vmem>>, vector<1x16xf32>,
        %get3A_425 = arith.index_cast %scan3A_412 : i32 to index
        %get3A_426 = arith.constant 16 : index
        %get3A_427 = tpu.vector_load %arg16[%get3A_425, %get3A_426] {strides = array<i32>} : memref<80x128xf32, #tpu.memory_space<vmem>>, vector<1x16xf32>,
        %get3A_428 = vector.shape_cast %get3A_427 : vector<1x16xf32> to vector<16xf32>
        %get3A_429 = arith.index_cast %scan3A_412 : i32 to index
        %get3A_430 = arith.constant 16 : index
        %get3A_431 = tpu.vector_load %arg18[%get3A_429, %get3A_430] {strides = array<i32>} : memref<80x128xf32, #tpu.memory_space<vmem>>, vector<1x16xf32>,
        %get3A_432 = vector.shape_cast %get3A_431 : vector<1x16xf32> to vector<16xf32>
        %mul3A_433 = arith.mulf %get3A_428, %get3A_432 : vector<16xf32>
        %swap3A_434 = arith.index_cast %scan3A_412 : i32 to index
        %swap3A_435 = arith.constant 16 : index
        %swap3A_436 = tpu.vector_load %arg16[%swap3A_434, %swap3A_435] {strides = array<i32>} : memref<80x128xf32, #tpu.memory_space<vmem>>, vector<1x16xf32>,
        %swap3A_437 = vector.shape_cast %swap3A_436 : vector<1x16xf32> to vector<16xf32>
        %swap3A_438 = vector.shape_cast %mul3A_433 : vector<16xf32> to vector<1x16xf32>
        tpu.vector_store %arg16[%swap3A_434, %swap3A_435], %swap3A_438 {strides = array<i32>} : memref<80x128xf32, #tpu.memory_space<vmem>>, vector<1x16xf32>,
        %get3A_439 = arith.index_cast %scan3A_412 : i32 to index
        %get3A_440 = arith.constant 32 : index
        %get3A_441 = tpu.vector_load %arg16[%get3A_439, %get3A_440] {strides = array<i32>} : memref<80x128xf32, #tpu.memory_space<vmem>>, vector<1x16xf32>,
        %get3A_442 = vector.shape_cast %get3A_441 : vector<1x16xf32> to vector<16xf32>
        %get3A_443 = arith.index_cast %scan3A_412 : i32 to index
        %get3A_444 = arith.constant 32 : index
        %get3A_445 = tpu.vector_load %arg18[%get3A_443, %get3A_444] {strides = array<i32>} : memref<80x128xf32, #tpu.memory_space<vmem>>, vector<1x16xf32>,
        %get3A_446 = vector.shape_cast %get3A_445 : vector<1x16xf32> to vector<16xf32>
        %mul3A_447 = arith.mulf %get3A_442, %get3A_446 : vector<16xf32>
        %swap3A_448 = arith.index_cast %scan3A_412 : i32 to index
        %swap3A_449 = arith.constant 32 : index
        %swap3A_450 = tpu.vector_load %arg16[%swap3A_448, %swap3A_449] {strides = array<i32>} : memref<80x128xf32, #tpu.memory_space<vmem>>, vector<1x16xf32>,
        %swap3A_451 = vector.shape_cast %swap3A_450 : vector<1x16xf32> to vector<16xf32>
        %swap3A_452 = vector.shape_cast %mul3A_447 : vector<16xf32> to vector<1x16xf32>
        tpu.vector_store %arg16[%swap3A_448, %swap3A_449], %swap3A_452 {strides = array<i32>} : memref<80x128xf32, #tpu.memory_space<vmem>>, vector<1x16xf32>,
        %get3A_453 = arith.index_cast %scan3A_412 : i32 to index
        %get3A_454 = arith.constant 48 : index
        %get3A_455 = tpu.vector_load %arg16[%get3A_453, %get3A_454] {strides = array<i32>} : memref<80x128xf32, #tpu.memory_space<vmem>>, vector<1x16xf32>,
        %get3A_456 = vector.shape_cast %get3A_455 : vector<1x16xf32> to vector<16xf32>
        %get3A_457 = arith.index_cast %scan3A_412 : i32 to index
        %get3A_458 = arith.constant 48 : index
        %get3A_459 = tpu.vector_load %arg18[%get3A_457, %get3A_458] {strides = array<i32>} : memref<80x128xf32, #tpu.memory_space<vmem>>, vector<1x16xf32>,
        %get3A_460 = vector.shape_cast %get3A_459 : vector<1x16xf32> to vector<16xf32>
        %mul3A_461 = arith.mulf %get3A_456, %get3A_460 : vector<16xf32>
        %swap3A_462 = arith.index_cast %scan3A_412 : i32 to index
        %swap3A_463 = arith.constant 48 : index
        %swap3A_464 = tpu.vector_load %arg16[%swap3A_462, %swap3A_463] {strides = array<i32>} : memref<80x128xf32, #tpu.memory_space<vmem>>, vector<1x16xf32>,
        %swap3A_465 = vector.shape_cast %swap3A_464 : vector<1x16xf32> to vector<16xf32>
        %swap3A_466 = vector.shape_cast %mul3A_461 : vector<16xf32> to vector<1x16xf32>
        tpu.vector_store %arg16[%swap3A_462, %swap3A_463], %swap3A_466 {strides = array<i32>} : memref<80x128xf32, #tpu.memory_space<vmem>>, vector<1x16xf32>,
        %get3A_467 = arith.index_cast %scan3A_412 : i32 to index
        %get3A_468 = arith.constant 64 : index
        %get3A_469 = tpu.vector_load %arg16[%get3A_467, %get3A_468] {strides = array<i32>} : memref<80x128xf32, #tpu.memory_space<vmem>>, vector<1x16xf32>,
        %get3A_470 = vector.shape_cast %get3A_469 : vector<1x16xf32> to vector<16xf32>
        %get3A_471 = arith.index_cast %scan3A_412 : i32 to index
        %get3A_472 = arith.constant 64 : index
        %get3A_473 = tpu.vector_load %arg18[%get3A_471, %get3A_472] {strides = array<i32>} : memref<80x128xf32, #tpu.memory_space<vmem>>, vector<1x16xf32>,
        %get3A_474 = vector.shape_cast %get3A_473 : vector<1x16xf32> to vector<16xf32>
        %mul3A_475 = arith.mulf %get3A_470, %get3A_474 : vector<16xf32>
        %swap3A_476 = arith.index_cast %scan3A_412 : i32 to index
        %swap3A_477 = arith.constant 64 : index
        %swap3A_478 = tpu.vector_load %arg16[%swap3A_476, %swap3A_477] {strides = array<i32>} : memref<80x128xf32, #tpu.memory_space<vmem>>, vector<1x16xf32>,
        %swap3A_479 = vector.shape_cast %swap3A_478 : vector<1x16xf32> to vector<16xf32>
        %swap3A_480 = vector.shape_cast %mul3A_475 : vector<16xf32> to vector<1x16xf32>
        tpu.vector_store %arg16[%swap3A_476, %swap3A_477], %swap3A_480 {strides = array<i32>} : memref<80x128xf32, #tpu.memory_space<vmem>>, vector<1x16xf32>,
        %get3A_481 = arith.index_cast %scan3A_412 : i32 to index
        %get3A_482 = arith.constant 80 : index
        %get3A_483 = tpu.vector_load %arg16[%get3A_481, %get3A_482] {strides = array<i32>} : memref<80x128xf32, #tpu.memory_space<vmem>>, vector<1x16xf32>,
        %get3A_484 = vector.shape_cast %get3A_483 : vector<1x16xf32> to vector<16xf32>
        %get3A_485 = arith.index_cast %scan3A_412 : i32 to index
        %get3A_486 = arith.constant 80 : index
        %get3A_487 = tpu.vector_load %arg18[%get3A_485, %get3A_486] {strides = array<i32>} : memref<80x128xf32, #tpu.memory_space<vmem>>, vector<1x16xf32>,
        %get3A_488 = vector.shape_cast %get3A_487 : vector<1x16xf32> to vector<16xf32>
        %mul3A_489 = arith.mulf %get3A_484, %get3A_488 : vector<16xf32>
        %swap3A_490 = arith.index_cast %scan3A_412 : i32 to index
        %swap3A_491 = arith.constant 80 : index
        %swap3A_492 = tpu.vector_load %arg16[%swap3A_490, %swap3A_491] {strides = array<i32>} : memref<80x128xf32, #tpu.memory_space<vmem>>, vector<1x16xf32>,
        %swap3A_493 = vector.shape_cast %swap3A_492 : vector<1x16xf32> to vector<16xf32>
        %swap3A_494 = vector.shape_cast %mul3A_489 : vector<16xf32> to vector<1x16xf32>
        tpu.vector_store %arg16[%swap3A_490, %swap3A_491], %swap3A_494 {strides = array<i32>} : memref<80x128xf32, #tpu.memory_space<vmem>>, vector<1x16xf32>,
        %get3A_495 = arith.index_cast %scan3A_412 : i32 to index
        %get3A_496 = arith.constant 96 : index
        %get3A_497 = tpu.vector_load %arg16[%get3A_495, %get3A_496] {strides = array<i32>} : memref<80x128xf32, #tpu.memory_space<vmem>>, vector<1x16xf32>,
        %get3A_498 = vector.shape_cast %get3A_497 : vector<1x16xf32> to vector<16xf32>
        %get3A_499 = arith.index_cast %scan3A_412 : i32 to index
        %get3A_500 = arith.constant 96 : index
        %get3A_501 = tpu.vector_load %arg18[%get3A_499, %get3A_500] {strides = array<i32>} : memref<80x128xf32, #tpu.memory_space<vmem>>, vector<1x16xf32>,
        %get3A_502 = vector.shape_cast %get3A_501 : vector<1x16xf32> to vector<16xf32>
        %mul3A_503 = arith.mulf %get3A_498, %get3A_502 : vector<16xf32>
        %swap3A_504 = arith.index_cast %scan3A_412 : i32 to index
        %swap3A_505 = arith.constant 96 : index
        %swap3A_506 = tpu.vector_load %arg16[%swap3A_504, %swap3A_505] {strides = array<i32>} : memref<80x128xf32, #tpu.memory_space<vmem>>, vector<1x16xf32>,
        %swap3A_507 = vector.shape_cast %swap3A_506 : vector<1x16xf32> to vector<16xf32>
        %swap3A_508 = vector.shape_cast %mul3A_503 : vector<16xf32> to vector<1x16xf32>
        tpu.vector_store %arg16[%swap3A_504, %swap3A_505], %swap3A_508 {strides = array<i32>} : memref<80x128xf32, #tpu.memory_space<vmem>>, vector<1x16xf32>,
        %get3A_509 = arith.index_cast %scan3A_412 : i32 to index
        %get3A_510 = arith.constant 112 : index
        %get3A_511 = tpu.vector_load %arg16[%get3A_509, %get3A_510] {strides = array<i32>} : memref<80x128xf32, #tpu.memory_space<vmem>>, vector<1x16xf32>,
        %get3A_512 = vector.shape_cast %get3A_511 : vector<1x16xf32> to vector<16xf32>
        %get3A_513 = arith.index_cast %scan3A_412 : i32 to index
        %get3A_514 = arith.constant 112 : index
        %get3A_515 = tpu.vector_load %arg18[%get3A_513, %get3A_514] {strides = array<i32>} : memref<80x128xf32, #tpu.memory_space<vmem>>, vector<1x16xf32>,
        %get3A_516 = vector.shape_cast %get3A_515 : vector<1x16xf32> to vector<16xf32>
        %mul3A_517 = arith.mulf %get3A_512, %get3A_516 : vector<16xf32>
        %swap3A_518 = arith.index_cast %scan3A_412 : i32 to index
        %swap3A_519 = arith.constant 112 : index
        %swap3A_520 = tpu.vector_load %arg16[%swap3A_518, %swap3A_519] {strides = array<i32>} : memref<80x128xf32, #tpu.memory_space<vmem>>, vector<1x16xf32>,
        %swap3A_521 = vector.shape_cast %swap3A_520 : vector<1x16xf32> to vector<16xf32>
        %swap3A_522 = vector.shape_cast %mul3A_517 : vector<16xf32> to vector<1x16xf32>
        tpu.vector_store %arg16[%swap3A_518, %swap3A_519], %swap3A_522 {strides = array<i32>} : memref<80x128xf32, #tpu.memory_space<vmem>>, vector<1x16xf32>,
      }
      %scan3A_320 = arith.constant 40 : i32
      %dma_start3A_321 = arith.constant 40 : i32
      %dma_start3A_322 = arith.constant 0 : i32
      %dma_start3A_323 = tpu.memref_slice %arg16[%dma_start3A_321, %dma_start3A_322] : memref<80x128xf32, #tpu.memory_space<vmem>> -> memref<40x128xf32, #tpu.memory_space<vmem>>
      %dma_start3A_324 = arith.constant 0 : i32
      %dma_start3A_325 = arith.constant 0 : i32
      %dma_start3A_326 = tpu.memref_slice %arg21[%dma_start3A_324, %dma_start3A_325] : memref<10240x128xf32, #tpu.memory_space<vmem_shared>> -> memref<10240x128xf32, #tpu.memory_space<vmem_shared>>
      tpu.enqueue_indirect_dma source(%dma_start3A_323 : memref<40x128xf32, #tpu.memory_space<vmem>>) target(%dma_start3A_326 : memref<10240x128xf32, #tpu.memory_space<vmem_shared>>) offsets(%arg13 : memref<40xi32, #tpu.memory_space<vmem>>) semaphore(%arg30 : memref<!tpu.dma_semaphore, #tpu.memory_space<semaphore_mem>>) {add = true}
      %dma_wait3A_327 = arith.constant 0 : i32
      %dma_wait3A_328 = arith.constant 0 : i32
      %dma_wait3A_329 = tpu.memref_slice %arg16[%dma_wait3A_327, %dma_wait3A_328] : memref<80x128xf32, #tpu.memory_space<vmem>> -> memref<40x128xf32, #tpu.memory_space<vmem>>
      %dma_wait3A_330 = arith.constant 0 : i32
      %dma_wait3A_331 = arith.constant 0 : i32
      %dma_wait3A_332 = tpu.memref_slice %arg21[%dma_wait3A_330, %dma_wait3A_331] : memref<10240x128xf32, #tpu.memory_space<vmem_shared>> -> memref<10240x128xf32, #tpu.memory_space<vmem_shared>>
      tpu.wait_indirect_dma semaphore(%arg30 : memref<!tpu.dma_semaphore, #tpu.memory_space<semaphore_mem>>) src(%dma_wait3A_329 : memref<40x128xf32, #tpu.memory_space<vmem>>) dst(%dma_wait3A_332 : memref<10240x128xf32, #tpu.memory_space<vmem_shared>>)
      %dma_wait3A_333 = arith.constant 0 : i32
      %dma_wait3A_334 = arith.constant 0 : i32
      %dma_wait3A_335 = tpu.memref_slice %arg16[%dma_wait3A_333, %dma_wait3A_334] : memref<80x128xf32, #tpu.memory_space<vmem>> -> memref<40x128xf32, #tpu.memory_space<vmem>>
      %dma_wait3A_336 = arith.constant 0 : i32
      %dma_wait3A_337 = arith.constant 0 : i32
      %dma_wait3A_338 = tpu.memref_slice %arg21[%dma_wait3A_336, %dma_wait3A_337] : memref<10240x128xf32, #tpu.memory_space<vmem_shared>> -> memref<10240x128xf32, #tpu.memory_space<vmem_shared>>
      tpu.wait_indirect_dma semaphore(%arg30 : memref<!tpu.dma_semaphore, #tpu.memory_space<semaphore_mem>>) src(%dma_wait3A_335 : memref<40x128xf32, #tpu.memory_space<vmem>>) dst(%dma_wait3A_338 : memref<10240x128xf32, #tpu.memory_space<vmem_shared>>)
      %add3A_339 = arith.constant 2 : i32
      %add3A_340 = arith.addi %add3A_286, %add3A_339 : i32
      %lt3A_341 = arith.constant 125 : i32
      %lt3A_342 = arith.cmpi slt, %add3A_340, %lt3A_341 : i32
      %convert_element_type3A_343 = arith.extui %lt3A_342 : i1 to i32
      %cond3A_344 = arith.constant 0 : i32
      %cond3A_345 = arith.cmpi ne, %convert_element_type3A_343, %cond3A_344 : i32
      scf.if %cond3A_345 {
        %add3A_412 = arith.constant 2 : i32
        %add3A_413 = arith.addi %add3A_286, %add3A_412 : i32
        %mul3A_414 = arith.constant 80 : i32
        %mul3A_415 = arith.muli %add3A_413, %mul3A_414 : i32
        %add3A_416 = arith.addi %mul3A_2, %mul3A_415 : i32
        %multiple_of3A_417 = tpu.assume_multiple %add3A_416, 8 : i32
        %dma_start3A_418 = tpu.memref_slice %arg6[%multiple_of3A_417] : memref<320000xi32, #tpu.memory_space<hbm>> -> memref<40xi32, #tpu.memory_space<hbm>>
        %dma_start3A_419 = tpu.memref_slice %arg6[%multiple_of3A_417] : memref<320000xi32, #tpu.memory_space<hbm>> -> memref<40xi32, #tpu.memory_space<hbm>>
        tpu.enqueue_dma source(%dma_start3A_419 : memref<40xi32, #tpu.memory_space<hbm>>) target(%arg12 : memref<40xi32, #tpu.memory_space<vmem>>) target_semaphore(%arg24 : memref<!tpu.dma_semaphore, #tpu.memory_space<semaphore_mem>>)
        %add3A_420 = arith.constant 40 : i32
        %add3A_421 = arith.addi %multiple_of3A_417, %add3A_420 : i32
        %dma_start3A_422 = tpu.memref_slice %arg6[%add3A_421] : memref<320000xi32, #tpu.memory_space<hbm>> -> memref<40xi32, #tpu.memory_space<hbm>>
        %dma_start3A_423 = tpu.memref_slice %arg6[%add3A_421] : memref<320000xi32, #tpu.memory_space<hbm>> -> memref<40xi32, #tpu.memory_space<hbm>>
        tpu.enqueue_dma source(%dma_start3A_423 : memref<40xi32, #tpu.memory_space<hbm>>) target(%arg13 : memref<40xi32, #tpu.memory_space<vmem>>) target_semaphore(%arg24 : memref<!tpu.dma_semaphore, #tpu.memory_space<semaphore_mem>>)
        %dma_wait3A_424 = arith.constant 0 : i32
        %dma_wait3A_425 = tpu.memref_slice %arg4[%dma_wait3A_424] : memref<320000xi32, #tpu.memory_space<hbm>> -> memref<80xi32, #tpu.memory_space<hbm>>
        %dma_wait3A_426 = arith.constant 0 : i32
        %dma_wait3A_427 = tpu.memref_slice %arg4[%dma_wait3A_426] : memref<320000xi32, #tpu.memory_space<hbm>> -> memref<80xi32, #tpu.memory_space<hbm>>
        tpu.wait_dma2 semaphore(%arg22 : memref<!tpu.dma_semaphore, #tpu.memory_space<semaphore_mem>>) src(%dma_wait3A_427 : memref<80xi32, #tpu.memory_space<hbm>>) dst(%arg8 : memref<80xi32, #tpu.memory_space<vmem>>)
        %dma_wait3A_428 = arith.constant 0 : i32
        %dma_wait3A_429 = tpu.memref_slice %arg5[%dma_wait3A_428] : memref<320000xi32, #tpu.memory_space<hbm>> -> memref<80xi32, #tpu.memory_space<hbm>>
        %dma_wait3A_430 = arith.constant 0 : i32
        %dma_wait3A_431 = tpu.memref_slice %arg5[%dma_wait3A_430] : memref<320000xi32, #tpu.memory_space<hbm>> -> memref<80xi32, #tpu.memory_space<hbm>>
        tpu.wait_dma2 semaphore(%arg22 : memref<!tpu.dma_semaphore, #tpu.memory_space<semaphore_mem>>) src(%dma_wait3A_431 : memref<80xi32, #tpu.memory_space<hbm>>) dst(%arg10 : memref<80xi32, #tpu.memory_space<vmem>>)
        %dma_start3A_432 = arith.constant 0 : i32
        %dma_start3A_433 = arith.constant 0 : i32
        %dma_start3A_434 = tpu.memref_slice %arg2[%dma_start3A_432, %dma_start3A_433] : memref<10000x128xf32, #tpu.memory_space<hbm>> -> memref<10000x128xf32, #tpu.memory_space<hbm>>
        tpu.enqueue_indirect_dma source(%dma_start3A_434 : memref<10000x128xf32, #tpu.memory_space<hbm>>) target(%arg16 : memref<80x128xf32, #tpu.memory_space<vmem>>) offsets(%arg8 : memref<80xi32, #tpu.memory_space<vmem>>) semaphore(%arg26 : memref<!tpu.dma_semaphore, #tpu.memory_space<semaphore_mem>>)
        %dma_start3A_435 = arith.constant 0 : i32
        %dma_start3A_436 = arith.constant 0 : i32
        %dma_start3A_437 = tpu.memref_slice %arg3[%dma_start3A_435, %dma_start3A_436] : memref<12864x128xf32, #tpu.memory_space<hbm>> -> memref<12864x128xf32, #tpu.memory_space<hbm>>
        tpu.enqueue_indirect_dma source(%dma_start3A_437 : memref<12864x128xf32, #tpu.memory_space<hbm>>) target(%arg18 : memref<80x128xf32, #tpu.memory_space<vmem>>) offsets(%arg10 : memref<80xi32, #tpu.memory_space<vmem>>) semaphore(%arg28 : memref<!tpu.dma_semaphore, #tpu.memory_space<semaphore_mem>>)
      } else {
      }
      %mul3A_346 = arith.constant 2 : i32
      %mul3A_347 = arith.muli %scan3A_282, %mul3A_346 : i32
      %add3A_348 = arith.constant 1 : i32
      %add3A_349 = arith.addi %mul3A_347, %add3A_348 : i32
      %dma_wait3A_350 = arith.constant 0 : i32
      %dma_wait3A_351 = arith.constant 0 : i32
      %dma_wait3A_352 = tpu.memref_slice %arg2[%dma_wait3A_350, %dma_wait3A_351] : memref<10000x128xf32, #tpu.memory_space<hbm>> -> memref<10000x128xf32, #tpu.memory_space<hbm>>
      tpu.wait_indirect_dma semaphore(%arg27 : memref<!tpu.dma_semaphore, #tpu.memory_space<semaphore_mem>>) src(%dma_wait3A_352 : memref<10000x128xf32, #tpu.memory_space<hbm>>) dst(%arg17 : memref<80x128xf32, #tpu.memory_space<vmem>>)
      %dma_wait3A_353 = arith.constant 0 : i32
      %dma_wait3A_354 = arith.constant 0 : i32
      %dma_wait3A_355 = tpu.memref_slice %arg3[%dma_wait3A_353, %dma_wait3A_354] : memref<12864x128xf32, #tpu.memory_space<hbm>> -> memref<12864x128xf32, #tpu.memory_space<hbm>>
      tpu.wait_indirect_dma semaphore(%arg29 : memref<!tpu.dma_semaphore, #tpu.memory_space<semaphore_mem>>) src(%dma_wait3A_355 : memref<12864x128xf32, #tpu.memory_space<hbm>>) dst(%arg19 : memref<80x128xf32, #tpu.memory_space<vmem>>)
      %add3A_356 = arith.constant 2 : i32
      %add3A_357 = arith.addi %add3A_349, %add3A_356 : i32
      %lt3A_358 = arith.constant 125 : i32
      %lt3A_359 = arith.cmpi slt, %add3A_357, %lt3A_358 : i32
      %convert_element_type3A_360 = arith.extui %lt3A_359 : i1 to i32
      %cond3A_361 = arith.constant 0 : i32
      %cond3A_362 = arith.cmpi ne, %convert_element_type3A_360, %cond3A_361 : i32
      scf.if %cond3A_362 {
        %add3A_412 = arith.constant 2 : i32
        %add3A_413 = arith.addi %add3A_349, %add3A_412 : i32
        %mul3A_414 = arith.constant 80 : i32
        %mul3A_415 = arith.muli %add3A_413, %mul3A_414 : i32
        %add3A_416 = arith.addi %mul3A_2, %mul3A_415 : i32
        %multiple_of3A_417 = tpu.assume_multiple %add3A_416, 8 : i32
        %dma_start3A_418 = tpu.memref_slice %arg4[%multiple_of3A_417] : memref<320000xi32, #tpu.memory_space<hbm>> -> memref<80xi32, #tpu.memory_space<hbm>>
        %dma_start3A_419 = tpu.memref_slice %arg4[%multiple_of3A_417] : memref<320000xi32, #tpu.memory_space<hbm>> -> memref<80xi32, #tpu.memory_space<hbm>>
        tpu.enqueue_dma source(%dma_start3A_419 : memref<80xi32, #tpu.memory_space<hbm>>) target(%arg9 : memref<80xi32, #tpu.memory_space<vmem>>) target_semaphore(%arg23 : memref<!tpu.dma_semaphore, #tpu.memory_space<semaphore_mem>>)
        %dma_start3A_420 = tpu.memref_slice %arg5[%multiple_of3A_417] : memref<320000xi32, #tpu.memory_space<hbm>> -> memref<80xi32, #tpu.memory_space<hbm>>
        %dma_start3A_421 = tpu.memref_slice %arg5[%multiple_of3A_417] : memref<320000xi32, #tpu.memory_space<hbm>> -> memref<80xi32, #tpu.memory_space<hbm>>
        tpu.enqueue_dma source(%dma_start3A_421 : memref<80xi32, #tpu.memory_space<hbm>>) target(%arg11 : memref<80xi32, #tpu.memory_space<vmem>>) target_semaphore(%arg23 : memref<!tpu.dma_semaphore, #tpu.memory_space<semaphore_mem>>)
      } else {
      }
      %scan3A_363 = arith.constant 0 : i32
      %scan3A_364 = arith.constant 40 : i32
      %scan3A_365 = arith.addi %scan3A_363, %scan3A_364 : i32
      %scan3A_366 = arith.constant 1 : i32
      scf.for %scan3A_412 = %scan3A_363 to %scan3A_365 step %scan3A_366  : i32 {
        %get3A = arith.index_cast %scan3A_412 : i32 to index
        %get3A_413 = arith.constant 0 : index
        %get3A_414 = tpu.vector_load %arg17[%get3A, %get3A_413] {strides = array<i32>} : memref<80x128xf32, #tpu.memory_space<vmem>>, vector<1x16xf32>,
        %get3A_415 = vector.shape_cast %get3A_414 : vector<1x16xf32> to vector<16xf32>
        %get3A_416 = arith.index_cast %scan3A_412 : i32 to index
        %get3A_417 = arith.constant 0 : index
        %get3A_418 = tpu.vector_load %arg19[%get3A_416, %get3A_417] {strides = array<i32>} : memref<80x128xf32, #tpu.memory_space<vmem>>, vector<1x16xf32>,
        %get3A_419 = vector.shape_cast %get3A_418 : vector<1x16xf32> to vector<16xf32>
        %mul3A_420 = arith.mulf %get3A_415, %get3A_419 : vector<16xf32>
        %swap3A = arith.index_cast %scan3A_412 : i32 to index
        %swap3A_421 = arith.constant 0 : index
        %swap3A_422 = tpu.vector_load %arg17[%swap3A, %swap3A_421] {strides = array<i32>} : memref<80x128xf32, #tpu.memory_space<vmem>>, vector<1x16xf32>,
        %swap3A_423 = vector.shape_cast %swap3A_422 : vector<1x16xf32> to vector<16xf32>
        %swap3A_424 = vector.shape_cast %mul3A_420 : vector<16xf32> to vector<1x16xf32>
        tpu.vector_store %arg17[%swap3A, %swap3A_421], %swap3A_424 {strides = array<i32>} : memref<80x128xf32, #tpu.memory_space<vmem>>, vector<1x16xf32>,
        %get3A_425 = arith.index_cast %scan3A_412 : i32 to index
        %get3A_426 = arith.constant 16 : index
        %get3A_427 = tpu.vector_load %arg17[%get3A_425, %get3A_426] {strides = array<i32>} : memref<80x128xf32, #tpu.memory_space<vmem>>, vector<1x16xf32>,
        %get3A_428 = vector.shape_cast %get3A_427 : vector<1x16xf32> to vector<16xf32>
        %get3A_429 = arith.index_cast %scan3A_412 : i32 to index
        %get3A_430 = arith.constant 16 : index
        %get3A_431 = tpu.vector_load %arg19[%get3A_429, %get3A_430] {strides = array<i32>} : memref<80x128xf32, #tpu.memory_space<vmem>>, vector<1x16xf32>,
        %get3A_432 = vector.shape_cast %get3A_431 : vector<1x16xf32> to vector<16xf32>
        %mul3A_433 = arith.mulf %get3A_428, %get3A_432 : vector<16xf32>
        %swap3A_434 = arith.index_cast %scan3A_412 : i32 to index
        %swap3A_435 = arith.constant 16 : index
        %swap3A_436 = tpu.vector_load %arg17[%swap3A_434, %swap3A_435] {strides = array<i32>} : memref<80x128xf32, #tpu.memory_space<vmem>>, vector<1x16xf32>,
        %swap3A_437 = vector.shape_cast %swap3A_436 : vector<1x16xf32> to vector<16xf32>
        %swap3A_438 = vector.shape_cast %mul3A_433 : vector<16xf32> to vector<1x16xf32>
        tpu.vector_store %arg17[%swap3A_434, %swap3A_435], %swap3A_438 {strides = array<i32>} : memref<80x128xf32, #tpu.memory_space<vmem>>, vector<1x16xf32>,
        %get3A_439 = arith.index_cast %scan3A_412 : i32 to index
        %get3A_440 = arith.constant 32 : index
        %get3A_441 = tpu.vector_load %arg17[%get3A_439, %get3A_440] {strides = array<i32>} : memref<80x128xf32, #tpu.memory_space<vmem>>, vector<1x16xf32>,
        %get3A_442 = vector.shape_cast %get3A_441 : vector<1x16xf32> to vector<16xf32>
        %get3A_443 = arith.index_cast %scan3A_412 : i32 to index
        %get3A_444 = arith.constant 32 : index
        %get3A_445 = tpu.vector_load %arg19[%get3A_443, %get3A_444] {strides = array<i32>} : memref<80x128xf32, #tpu.memory_space<vmem>>, vector<1x16xf32>,
        %get3A_446 = vector.shape_cast %get3A_445 : vector<1x16xf32> to vector<16xf32>
        %mul3A_447 = arith.mulf %get3A_442, %get3A_446 : vector<16xf32>
        %swap3A_448 = arith.index_cast %scan3A_412 : i32 to index
        %swap3A_449 = arith.constant 32 : index
        %swap3A_450 = tpu.vector_load %arg17[%swap3A_448, %swap3A_449] {strides = array<i32>} : memref<80x128xf32, #tpu.memory_space<vmem>>, vector<1x16xf32>,
        %swap3A_451 = vector.shape_cast %swap3A_450 : vector<1x16xf32> to vector<16xf32>
        %swap3A_452 = vector.shape_cast %mul3A_447 : vector<16xf32> to vector<1x16xf32>
        tpu.vector_store %arg17[%swap3A_448, %swap3A_449], %swap3A_452 {strides = array<i32>} : memref<80x128xf32, #tpu.memory_space<vmem>>, vector<1x16xf32>,
        %get3A_453 = arith.index_cast %scan3A_412 : i32 to index
        %get3A_454 = arith.constant 48 : index
        %get3A_455 = tpu.vector_load %arg17[%get3A_453, %get3A_454] {strides = array<i32>} : memref<80x128xf32, #tpu.memory_space<vmem>>, vector<1x16xf32>,
        %get3A_456 = vector.shape_cast %get3A_455 : vector<1x16xf32> to vector<16xf32>
        %get3A_457 = arith.index_cast %scan3A_412 : i32 to index
        %get3A_458 = arith.constant 48 : index
        %get3A_459 = tpu.vector_load %arg19[%get3A_457, %get3A_458] {strides = array<i32>} : memref<80x128xf32, #tpu.memory_space<vmem>>, vector<1x16xf32>,
        %get3A_460 = vector.shape_cast %get3A_459 : vector<1x16xf32> to vector<16xf32>
        %mul3A_461 = arith.mulf %get3A_456, %get3A_460 : vector<16xf32>
        %swap3A_462 = arith.index_cast %scan3A_412 : i32 to index
        %swap3A_463 = arith.constant 48 : index
        %swap3A_464 = tpu.vector_load %arg17[%swap3A_462, %swap3A_463] {strides = array<i32>} : memref<80x128xf32, #tpu.memory_space<vmem>>, vector<1x16xf32>,
        %swap3A_465 = vector.shape_cast %swap3A_464 : vector<1x16xf32> to vector<16xf32>
        %swap3A_466 = vector.shape_cast %mul3A_461 : vector<16xf32> to vector<1x16xf32>
        tpu.vector_store %arg17[%swap3A_462, %swap3A_463], %swap3A_466 {strides = array<i32>} : memref<80x128xf32, #tpu.memory_space<vmem>>, vector<1x16xf32>,
        %get3A_467 = arith.index_cast %scan3A_412 : i32 to index
        %get3A_468 = arith.constant 64 : index
        %get3A_469 = tpu.vector_load %arg17[%get3A_467, %get3A_468] {strides = array<i32>} : memref<80x128xf32, #tpu.memory_space<vmem>>, vector<1x16xf32>,
        %get3A_470 = vector.shape_cast %get3A_469 : vector<1x16xf32> to vector<16xf32>
        %get3A_471 = arith.index_cast %scan3A_412 : i32 to index
        %get3A_472 = arith.constant 64 : index
        %get3A_473 = tpu.vector_load %arg19[%get3A_471, %get3A_472] {strides = array<i32>} : memref<80x128xf32, #tpu.memory_space<vmem>>, vector<1x16xf32>,
        %get3A_474 = vector.shape_cast %get3A_473 : vector<1x16xf32> to vector<16xf32>
        %mul3A_475 = arith.mulf %get3A_470, %get3A_474 : vector<16xf32>
        %swap3A_476 = arith.index_cast %scan3A_412 : i32 to index
        %swap3A_477 = arith.constant 64 : index
        %swap3A_478 = tpu.vector_load %arg17[%swap3A_476, %swap3A_477] {strides = array<i32>} : memref<80x128xf32, #tpu.memory_space<vmem>>, vector<1x16xf32>,
        %swap3A_479 = vector.shape_cast %swap3A_478 : vector<1x16xf32> to vector<16xf32>
        %swap3A_480 = vector.shape_cast %mul3A_475 : vector<16xf32> to vector<1x16xf32>
        tpu.vector_store %arg17[%swap3A_476, %swap3A_477], %swap3A_480 {strides = array<i32>} : memref<80x128xf32, #tpu.memory_space<vmem>>, vector<1x16xf32>,
        %get3A_481 = arith.index_cast %scan3A_412 : i32 to index
        %get3A_482 = arith.constant 80 : index
        %get3A_483 = tpu.vector_load %arg17[%get3A_481, %get3A_482] {strides = array<i32>} : memref<80x128xf32, #tpu.memory_space<vmem>>, vector<1x16xf32>,
        %get3A_484 = vector.shape_cast %get3A_483 : vector<1x16xf32> to vector<16xf32>
        %get3A_485 = arith.index_cast %scan3A_412 : i32 to index
        %get3A_486 = arith.constant 80 : index
        %get3A_487 = tpu.vector_load %arg19[%get3A_485, %get3A_486] {strides = array<i32>} : memref<80x128xf32, #tpu.memory_space<vmem>>, vector<1x16xf32>,
        %get3A_488 = vector.shape_cast %get3A_487 : vector<1x16xf32> to vector<16xf32>
        %mul3A_489 = arith.mulf %get3A_484, %get3A_488 : vector<16xf32>
        %swap3A_490 = arith.index_cast %scan3A_412 : i32 to index
        %swap3A_491 = arith.constant 80 : index
        %swap3A_492 = tpu.vector_load %arg17[%swap3A_490, %swap3A_491] {strides = array<i32>} : memref<80x128xf32, #tpu.memory_space<vmem>>, vector<1x16xf32>,
        %swap3A_493 = vector.shape_cast %swap3A_492 : vector<1x16xf32> to vector<16xf32>
        %swap3A_494 = vector.shape_cast %mul3A_489 : vector<16xf32> to vector<1x16xf32>
        tpu.vector_store %arg17[%swap3A_490, %swap3A_491], %swap3A_494 {strides = array<i32>} : memref<80x128xf32, #tpu.memory_space<vmem>>, vector<1x16xf32>,
        %get3A_495 = arith.index_cast %scan3A_412 : i32 to index
        %get3A_496 = arith.constant 96 : index
        %get3A_497 = tpu.vector_load %arg17[%get3A_495, %get3A_496] {strides = array<i32>} : memref<80x128xf32, #tpu.memory_space<vmem>>, vector<1x16xf32>,
        %get3A_498 = vector.shape_cast %get3A_497 : vector<1x16xf32> to vector<16xf32>
        %get3A_499 = arith.index_cast %scan3A_412 : i32 to index
        %get3A_500 = arith.constant 96 : index
        %get3A_501 = tpu.vector_load %arg19[%get3A_499, %get3A_500] {strides = array<i32>} : memref<80x128xf32, #tpu.memory_space<vmem>>, vector<1x16xf32>,
        %get3A_502 = vector.shape_cast %get3A_501 : vector<1x16xf32> to vector<16xf32>
        %mul3A_503 = arith.mulf %get3A_498, %get3A_502 : vector<16xf32>
        %swap3A_504 = arith.index_cast %scan3A_412 : i32 to index
        %swap3A_505 = arith.constant 96 : index
        %swap3A_506 = tpu.vector_load %arg17[%swap3A_504, %swap3A_505] {strides = array<i32>} : memref<80x128xf32, #tpu.memory_space<vmem>>, vector<1x16xf32>,
        %swap3A_507 = vector.shape_cast %swap3A_506 : vector<1x16xf32> to vector<16xf32>
        %swap3A_508 = vector.shape_cast %mul3A_503 : vector<16xf32> to vector<1x16xf32>
        tpu.vector_store %arg17[%swap3A_504, %swap3A_505], %swap3A_508 {strides = array<i32>} : memref<80x128xf32, #tpu.memory_space<vmem>>, vector<1x16xf32>,
        %get3A_509 = arith.index_cast %scan3A_412 : i32 to index
        %get3A_510 = arith.constant 112 : index
        %get3A_511 = tpu.vector_load %arg17[%get3A_509, %get3A_510] {strides = array<i32>} : memref<80x128xf32, #tpu.memory_space<vmem>>, vector<1x16xf32>,
        %get3A_512 = vector.shape_cast %get3A_511 : vector<1x16xf32> to vector<16xf32>
        %get3A_513 = arith.index_cast %scan3A_412 : i32 to index
        %get3A_514 = arith.constant 112 : index
        %get3A_515 = tpu.vector_load %arg19[%get3A_513, %get3A_514] {strides = array<i32>} : memref<80x128xf32, #tpu.memory_space<vmem>>, vector<1x16xf32>,
        %get3A_516 = vector.shape_cast %get3A_515 : vector<1x16xf32> to vector<16xf32>
        %mul3A_517 = arith.mulf %get3A_512, %get3A_516 : vector<16xf32>
        %swap3A_518 = arith.index_cast %scan3A_412 : i32 to index
        %swap3A_519 = arith.constant 112 : index
        %swap3A_520 = tpu.vector_load %arg17[%swap3A_518, %swap3A_519] {strides = array<i32>} : memref<80x128xf32, #tpu.memory_space<vmem>>, vector<1x16xf32>,
        %swap3A_521 = vector.shape_cast %swap3A_520 : vector<1x16xf32> to vector<16xf32>
        %swap3A_522 = vector.shape_cast %mul3A_517 : vector<16xf32> to vector<1x16xf32>
        tpu.vector_store %arg17[%swap3A_518, %swap3A_519], %swap3A_522 {strides = array<i32>} : memref<80x128xf32, #tpu.memory_space<vmem>>, vector<1x16xf32>,
      }
      %scan3A_367 = arith.constant 40 : i32
      %dma_wait3A_368 = arith.constant 0 : i32
      %dma_wait3A_369 = tpu.memref_slice %arg6[%dma_wait3A_368] : memref<320000xi32, #tpu.memory_space<hbm>> -> memref<40xi32, #tpu.memory_space<hbm>>
      %dma_wait3A_370 = arith.constant 0 : i32
      %dma_wait3A_371 = tpu.memref_slice %arg6[%dma_wait3A_370] : memref<320000xi32, #tpu.memory_space<hbm>> -> memref<40xi32, #tpu.memory_space<hbm>>
      tpu.wait_dma2 semaphore(%arg25 : memref<!tpu.dma_semaphore, #tpu.memory_space<semaphore_mem>>) src(%dma_wait3A_371 : memref<40xi32, #tpu.memory_space<hbm>>) dst(%arg12 : memref<40xi32, #tpu.memory_space<vmem>>)
      %dma_wait3A_372 = arith.constant 0 : i32
      %dma_wait3A_373 = tpu.memref_slice %arg6[%dma_wait3A_372] : memref<320000xi32, #tpu.memory_space<hbm>> -> memref<40xi32, #tpu.memory_space<hbm>>
      %dma_wait3A_374 = arith.constant 0 : i32
      %dma_wait3A_375 = tpu.memref_slice %arg6[%dma_wait3A_374] : memref<320000xi32, #tpu.memory_space<hbm>> -> memref<40xi32, #tpu.memory_space<hbm>>
      tpu.wait_dma2 semaphore(%arg25 : memref<!tpu.dma_semaphore, #tpu.memory_space<semaphore_mem>>) src(%dma_wait3A_375 : memref<40xi32, #tpu.memory_space<hbm>>) dst(%arg12 : memref<40xi32, #tpu.memory_space<vmem>>)
      %dma_start3A_376 = arith.constant 0 : i32
      %dma_start3A_377 = arith.constant 0 : i32
      %dma_start3A_378 = tpu.memref_slice %arg17[%dma_start3A_376, %dma_start3A_377] : memref<80x128xf32, #tpu.memory_space<vmem>> -> memref<40x128xf32, #tpu.memory_space<vmem>>
      %dma_start3A_379 = arith.constant 0 : i32
      %dma_start3A_380 = arith.constant 0 : i32
      %dma_start3A_381 = tpu.memref_slice %arg21[%dma_start3A_379, %dma_start3A_380] : memref<10240x128xf32, #tpu.memory_space<vmem_shared>> -> memref<10240x128xf32, #tpu.memory_space<vmem_shared>>
      tpu.enqueue_indirect_dma source(%dma_start3A_378 : memref<40x128xf32, #tpu.memory_space<vmem>>) target(%dma_start3A_381 : memref<10240x128xf32, #tpu.memory_space<vmem_shared>>) offsets(%arg14 : memref<40xi32, #tpu.memory_space<vmem>>) semaphore(%arg31 : memref<!tpu.dma_semaphore, #tpu.memory_space<semaphore_mem>>) {add = true}
      %scan3A_382 = arith.constant 40 : i32
      %scan3A_383 = arith.constant 40 : i32
      %scan3A_384 = arith.addi %scan3A_382, %scan3A_383 : i32
      %scan3A_385 = arith.constant 1 : i32
      scf.for %scan3A_412 = %scan3A_382 to %scan3A_384 step %scan3A_385  : i32 {
        %get3A = arith.index_cast %scan3A_412 : i32 to index
        %get3A_413 = arith.constant 0 : index
        %get3A_414 = tpu.vector_load %arg17[%get3A, %get3A_413] {strides = array<i32>} : memref<80x128xf32, #tpu.memory_space<vmem>>, vector<1x16xf32>,
        %get3A_415 = vector.shape_cast %get3A_414 : vector<1x16xf32> to vector<16xf32>
        %get3A_416 = arith.index_cast %scan3A_412 : i32 to index
        %get3A_417 = arith.constant 0 : index
        %get3A_418 = tpu.vector_load %arg19[%get3A_416, %get3A_417] {strides = array<i32>} : memref<80x128xf32, #tpu.memory_space<vmem>>, vector<1x16xf32>,
        %get3A_419 = vector.shape_cast %get3A_418 : vector<1x16xf32> to vector<16xf32>
        %mul3A_420 = arith.mulf %get3A_415, %get3A_419 : vector<16xf32>
        %swap3A = arith.index_cast %scan3A_412 : i32 to index
        %swap3A_421 = arith.constant 0 : index
        %swap3A_422 = tpu.vector_load %arg17[%swap3A, %swap3A_421] {strides = array<i32>} : memref<80x128xf32, #tpu.memory_space<vmem>>, vector<1x16xf32>,
        %swap3A_423 = vector.shape_cast %swap3A_422 : vector<1x16xf32> to vector<16xf32>
        %swap3A_424 = vector.shape_cast %mul3A_420 : vector<16xf32> to vector<1x16xf32>
        tpu.vector_store %arg17[%swap3A, %swap3A_421], %swap3A_424 {strides = array<i32>} : memref<80x128xf32, #tpu.memory_space<vmem>>, vector<1x16xf32>,
        %get3A_425 = arith.index_cast %scan3A_412 : i32 to index
        %get3A_426 = arith.constant 16 : index
        %get3A_427 = tpu.vector_load %arg17[%get3A_425, %get3A_426] {strides = array<i32>} : memref<80x128xf32, #tpu.memory_space<vmem>>, vector<1x16xf32>,
        %get3A_428 = vector.shape_cast %get3A_427 : vector<1x16xf32> to vector<16xf32>
        %get3A_429 = arith.index_cast %scan3A_412 : i32 to index
        %get3A_430 = arith.constant 16 : index
        %get3A_431 = tpu.vector_load %arg19[%get3A_429, %get3A_430] {strides = array<i32>} : memref<80x128xf32, #tpu.memory_space<vmem>>, vector<1x16xf32>,
        %get3A_432 = vector.shape_cast %get3A_431 : vector<1x16xf32> to vector<16xf32>
        %mul3A_433 = arith.mulf %get3A_428, %get3A_432 : vector<16xf32>
        %swap3A_434 = arith.index_cast %scan3A_412 : i32 to index
        %swap3A_435 = arith.constant 16 : index
        %swap3A_436 = tpu.vector_load %arg17[%swap3A_434, %swap3A_435] {strides = array<i32>} : memref<80x128xf32, #tpu.memory_space<vmem>>, vector<1x16xf32>,
        %swap3A_437 = vector.shape_cast %swap3A_436 : vector<1x16xf32> to vector<16xf32>
        %swap3A_438 = vector.shape_cast %mul3A_433 : vector<16xf32> to vector<1x16xf32>
        tpu.vector_store %arg17[%swap3A_434, %swap3A_435], %swap3A_438 {strides = array<i32>} : memref<80x128xf32, #tpu.memory_space<vmem>>, vector<1x16xf32>,
        %get3A_439 = arith.index_cast %scan3A_412 : i32 to index
        %get3A_440 = arith.constant 32 : index
        %get3A_441 = tpu.vector_load %arg17[%get3A_439, %get3A_440] {strides = array<i32>} : memref<80x128xf32, #tpu.memory_space<vmem>>, vector<1x16xf32>,
        %get3A_442 = vector.shape_cast %get3A_441 : vector<1x16xf32> to vector<16xf32>
        %get3A_443 = arith.index_cast %scan3A_412 : i32 to index
        %get3A_444 = arith.constant 32 : index
        %get3A_445 = tpu.vector_load %arg19[%get3A_443, %get3A_444] {strides = array<i32>} : memref<80x128xf32, #tpu.memory_space<vmem>>, vector<1x16xf32>,
        %get3A_446 = vector.shape_cast %get3A_445 : vector<1x16xf32> to vector<16xf32>
        %mul3A_447 = arith.mulf %get3A_442, %get3A_446 : vector<16xf32>
        %swap3A_448 = arith.index_cast %scan3A_412 : i32 to index
        %swap3A_449 = arith.constant 32 : index
        %swap3A_450 = tpu.vector_load %arg17[%swap3A_448, %swap3A_449] {strides = array<i32>} : memref<80x128xf32, #tpu.memory_space<vmem>>, vector<1x16xf32>,
        %swap3A_451 = vector.shape_cast %swap3A_450 : vector<1x16xf32> to vector<16xf32>
        %swap3A_452 = vector.shape_cast %mul3A_447 : vector<16xf32> to vector<1x16xf32>
        tpu.vector_store %arg17[%swap3A_448, %swap3A_449], %swap3A_452 {strides = array<i32>} : memref<80x128xf32, #tpu.memory_space<vmem>>, vector<1x16xf32>,
        %get3A_453 = arith.index_cast %scan3A_412 : i32 to index
        %get3A_454 = arith.constant 48 : index
        %get3A_455 = tpu.vector_load %arg17[%get3A_453, %get3A_454] {strides = array<i32>} : memref<80x128xf32, #tpu.memory_space<vmem>>, vector<1x16xf32>,
        %get3A_456 = vector.shape_cast %get3A_455 : vector<1x16xf32> to vector<16xf32>
        %get3A_457 = arith.index_cast %scan3A_412 : i32 to index
        %get3A_458 = arith.constant 48 : index
        %get3A_459 = tpu.vector_load %arg19[%get3A_457, %get3A_458] {strides = array<i32>} : memref<80x128xf32, #tpu.memory_space<vmem>>, vector<1x16xf32>,
        %get3A_460 = vector.shape_cast %get3A_459 : vector<1x16xf32> to vector<16xf32>
        %mul3A_461 = arith.mulf %get3A_456, %get3A_460 : vector<16xf32>
        %swap3A_462 = arith.index_cast %scan3A_412 : i32 to index
        %swap3A_463 = arith.constant 48 : index
        %swap3A_464 = tpu.vector_load %arg17[%swap3A_462, %swap3A_463] {strides = array<i32>} : memref<80x128xf32, #tpu.memory_space<vmem>>, vector<1x16xf32>,
        %swap3A_465 = vector.shape_cast %swap3A_464 : vector<1x16xf32> to vector<16xf32>
        %swap3A_466 = vector.shape_cast %mul3A_461 : vector<16xf32> to vector<1x16xf32>
        tpu.vector_store %arg17[%swap3A_462, %swap3A_463], %swap3A_466 {strides = array<i32>} : memref<80x128xf32, #tpu.memory_space<vmem>>, vector<1x16xf32>,
        %get3A_467 = arith.index_cast %scan3A_412 : i32 to index
        %get3A_468 = arith.constant 64 : index
        %get3A_469 = tpu.vector_load %arg17[%get3A_467, %get3A_468] {strides = array<i32>} : memref<80x128xf32, #tpu.memory_space<vmem>>, vector<1x16xf32>,
        %get3A_470 = vector.shape_cast %get3A_469 : vector<1x16xf32> to vector<16xf32>
        %get3A_471 = arith.index_cast %scan3A_412 : i32 to index
        %get3A_472 = arith.constant 64 : index
        %get3A_473 = tpu.vector_load %arg19[%get3A_471, %get3A_472] {strides = array<i32>} : memref<80x128xf32, #tpu.memory_space<vmem>>, vector<1x16xf32>,
        %get3A_474 = vector.shape_cast %get3A_473 : vector<1x16xf32> to vector<16xf32>
        %mul3A_475 = arith.mulf %get3A_470, %get3A_474 : vector<16xf32>
        %swap3A_476 = arith.index_cast %scan3A_412 : i32 to index
        %swap3A_477 = arith.constant 64 : index
        %swap3A_478 = tpu.vector_load %arg17[%swap3A_476, %swap3A_477] {strides = array<i32>} : memref<80x128xf32, #tpu.memory_space<vmem>>, vector<1x16xf32>,
        %swap3A_479 = vector.shape_cast %swap3A_478 : vector<1x16xf32> to vector<16xf32>
        %swap3A_480 = vector.shape_cast %mul3A_475 : vector<16xf32> to vector<1x16xf32>
        tpu.vector_store %arg17[%swap3A_476, %swap3A_477], %swap3A_480 {strides = array<i32>} : memref<80x128xf32, #tpu.memory_space<vmem>>, vector<1x16xf32>,
        %get3A_481 = arith.index_cast %scan3A_412 : i32 to index
        %get3A_482 = arith.constant 80 : index
        %get3A_483 = tpu.vector_load %arg17[%get3A_481, %get3A_482] {strides = array<i32>} : memref<80x128xf32, #tpu.memory_space<vmem>>, vector<1x16xf32>,
        %get3A_484 = vector.shape_cast %get3A_483 : vector<1x16xf32> to vector<16xf32>
        %get3A_485 = arith.index_cast %scan3A_412 : i32 to index
        %get3A_486 = arith.constant 80 : index
        %get3A_487 = tpu.vector_load %arg19[%get3A_485, %get3A_486] {strides = array<i32>} : memref<80x128xf32, #tpu.memory_space<vmem>>, vector<1x16xf32>,
        %get3A_488 = vector.shape_cast %get3A_487 : vector<1x16xf32> to vector<16xf32>
        %mul3A_489 = arith.mulf %get3A_484, %get3A_488 : vector<16xf32>
        %swap3A_490 = arith.index_cast %scan3A_412 : i32 to index
        %swap3A_491 = arith.constant 80 : index
        %swap3A_492 = tpu.vector_load %arg17[%swap3A_490, %swap3A_491] {strides = array<i32>} : memref<80x128xf32, #tpu.memory_space<vmem>>, vector<1x16xf32>,
        %swap3A_493 = vector.shape_cast %swap3A_492 : vector<1x16xf32> to vector<16xf32>
        %swap3A_494 = vector.shape_cast %mul3A_489 : vector<16xf32> to vector<1x16xf32>
        tpu.vector_store %arg17[%swap3A_490, %swap3A_491], %swap3A_494 {strides = array<i32>} : memref<80x128xf32, #tpu.memory_space<vmem>>, vector<1x16xf32>,
        %get3A_495 = arith.index_cast %scan3A_412 : i32 to index
        %get3A_496 = arith.constant 96 : index
        %get3A_497 = tpu.vector_load %arg17[%get3A_495, %get3A_496] {strides = array<i32>} : memref<80x128xf32, #tpu.memory_space<vmem>>, vector<1x16xf32>,
        %get3A_498 = vector.shape_cast %get3A_497 : vector<1x16xf32> to vector<16xf32>
        %get3A_499 = arith.index_cast %scan3A_412 : i32 to index
        %get3A_500 = arith.constant 96 : index
        %get3A_501 = tpu.vector_load %arg19[%get3A_499, %get3A_500] {strides = array<i32>} : memref<80x128xf32, #tpu.memory_space<vmem>>, vector<1x16xf32>,
        %get3A_502 = vector.shape_cast %get3A_501 : vector<1x16xf32> to vector<16xf32>
        %mul3A_503 = arith.mulf %get3A_498, %get3A_502 : vector<16xf32>
        %swap3A_504 = arith.index_cast %scan3A_412 : i32 to index
        %swap3A_505 = arith.constant 96 : index
        %swap3A_506 = tpu.vector_load %arg17[%swap3A_504, %swap3A_505] {strides = array<i32>} : memref<80x128xf32, #tpu.memory_space<vmem>>, vector<1x16xf32>,
        %swap3A_507 = vector.shape_cast %swap3A_506 : vector<1x16xf32> to vector<16xf32>
        %swap3A_508 = vector.shape_cast %mul3A_503 : vector<16xf32> to vector<1x16xf32>
        tpu.vector_store %arg17[%swap3A_504, %swap3A_505], %swap3A_508 {strides = array<i32>} : memref<80x128xf32, #tpu.memory_space<vmem>>, vector<1x16xf32>,
        %get3A_509 = arith.index_cast %scan3A_412 : i32 to index
        %get3A_510 = arith.constant 112 : index
        %get3A_511 = tpu.vector_load %arg17[%get3A_509, %get3A_510] {strides = array<i32>} : memref<80x128xf32, #tpu.memory_space<vmem>>, vector<1x16xf32>,
        %get3A_512 = vector.shape_cast %get3A_511 : vector<1x16xf32> to vector<16xf32>
        %get3A_513 = arith.index_cast %scan3A_412 : i32 to index
        %get3A_514 = arith.constant 112 : index
        %get3A_515 = tpu.vector_load %arg19[%get3A_513, %get3A_514] {strides = array<i32>} : memref<80x128xf32, #tpu.memory_space<vmem>>, vector<1x16xf32>,
        %get3A_516 = vector.shape_cast %get3A_515 : vector<1x16xf32> to vector<16xf32>
        %mul3A_517 = arith.mulf %get3A_512, %get3A_516 : vector<16xf32>
        %swap3A_518 = arith.index_cast %scan3A_412 : i32 to index
        %swap3A_519 = arith.constant 112 : index
        %swap3A_520 = tpu.vector_load %arg17[%swap3A_518, %swap3A_519] {strides = array<i32>} : memref<80x128xf32, #tpu.memory_space<vmem>>, vector<1x16xf32>,
        %swap3A_521 = vector.shape_cast %swap3A_520 : vector<1x16xf32> to vector<16xf32>
        %swap3A_522 = vector.shape_cast %mul3A_517 : vector<16xf32> to vector<1x16xf32>
        tpu.vector_store %arg17[%swap3A_518, %swap3A_519], %swap3A_522 {strides = array<i32>} : memref<80x128xf32, #tpu.memory_space<vmem>>, vector<1x16xf32>,
      }
      %scan3A_386 = arith.constant 40 : i32
      %dma_start3A_387 = arith.constant 40 : i32
      %dma_start3A_388 = arith.constant 0 : i32
      %dma_start3A_389 = tpu.memref_slice %arg17[%dma_start3A_387, %dma_start3A_388] : memref<80x128xf32, #tpu.memory_space<vmem>> -> memref<40x128xf32, #tpu.memory_space<vmem>>
      %dma_start3A_390 = arith.constant 0 : i32
      %dma_start3A_391 = arith.constant 0 : i32
      %dma_start3A_392 = tpu.memref_slice %arg21[%dma_start3A_390, %dma_start3A_391] : memref<10240x128xf32, #tpu.memory_space<vmem_shared>> -> memref<10240x128xf32, #tpu.memory_space<vmem_shared>>
      tpu.enqueue_indirect_dma source(%dma_start3A_389 : memref<40x128xf32, #tpu.memory_space<vmem>>) target(%dma_start3A_392 : memref<10240x128xf32, #tpu.memory_space<vmem_shared>>) offsets(%arg15 : memref<40xi32, #tpu.memory_space<vmem>>) semaphore(%arg31 : memref<!tpu.dma_semaphore, #tpu.memory_space<semaphore_mem>>) {add = true}
      %dma_wait3A_393 = arith.constant 0 : i32
      %dma_wait3A_394 = arith.constant 0 : i32
      %dma_wait3A_395 = tpu.memref_slice %arg17[%dma_wait3A_393, %dma_wait3A_394] : memref<80x128xf32, #tpu.memory_space<vmem>> -> memref<40x128xf32, #tpu.memory_space<vmem>>
      %dma_wait3A_396 = arith.constant 0 : i32
      %dma_wait3A_397 = arith.constant 0 : i32
      %dma_wait3A_398 = tpu.memref_slice %arg21[%dma_wait3A_396, %dma_wait3A_397] : memref<10240x128xf32, #tpu.memory_space<vmem_shared>> -> memref<10240x128xf32, #tpu.memory_space<vmem_shared>>
      tpu.wait_indirect_dma semaphore(%arg31 : memref<!tpu.dma_semaphore, #tpu.memory_space<semaphore_mem>>) src(%dma_wait3A_395 : memref<40x128xf32, #tpu.memory_space<vmem>>) dst(%dma_wait3A_398 : memref<10240x128xf32, #tpu.memory_space<vmem_shared>>)
      %dma_wait3A_399 = arith.constant 0 : i32
      %dma_wait3A_400 = arith.constant 0 : i32
      %dma_wait3A_401 = tpu.memref_slice %arg17[%dma_wait3A_399, %dma_wait3A_400] : memref<80x128xf32, #tpu.memory_space<vmem>> -> memref<40x128xf32, #tpu.memory_space<vmem>>
      %dma_wait3A_402 = arith.constant 0 : i32
      %dma_wait3A_403 = arith.constant 0 : i32
      %dma_wait3A_404 = tpu.memref_slice %arg21[%dma_wait3A_402, %dma_wait3A_403] : memref<10240x128xf32, #tpu.memory_space<vmem_shared>> -> memref<10240x128xf32, #tpu.memory_space<vmem_shared>>
      tpu.wait_indirect_dma semaphore(%arg31 : memref<!tpu.dma_semaphore, #tpu.memory_space<semaphore_mem>>) src(%dma_wait3A_401 : memref<40x128xf32, #tpu.memory_space<vmem>>) dst(%dma_wait3A_404 : memref<10240x128xf32, #tpu.memory_space<vmem_shared>>)
      %add3A_405 = arith.constant 2 : i32
      %add3A_406 = arith.addi %add3A_349, %add3A_405 : i32
      %lt3A_407 = arith.constant 125 : i32
      %lt3A_408 = arith.cmpi slt, %add3A_406, %lt3A_407 : i32
      %convert_element_type3A_409 = arith.extui %lt3A_408 : i1 to i32
      %cond3A_410 = arith.constant 0 : i32
      %cond3A_411 = arith.cmpi ne, %convert_element_type3A_409, %cond3A_410 : i32
      scf.if %cond3A_411 {
        %add3A_412 = arith.constant 2 : i32
        %add3A_413 = arith.addi %add3A_349, %add3A_412 : i32
        %mul3A_414 = arith.constant 80 : i32
        %mul3A_415 = arith.muli %add3A_413, %mul3A_414 : i32
        %add3A_416 = arith.addi %mul3A_2, %mul3A_415 : i32
        %multiple_of3A_417 = tpu.assume_multiple %add3A_416, 8 : i32
        %dma_start3A_418 = tpu.memref_slice %arg6[%multiple_of3A_417] : memref<320000xi32, #tpu.memory_space<hbm>> -> memref<40xi32, #tpu.memory_space<hbm>>
        %dma_start3A_419 = tpu.memref_slice %arg6[%multiple_of3A_417] : memref<320000xi32, #tpu.memory_space<hbm>> -> memref<40xi32, #tpu.memory_space<hbm>>
        tpu.enqueue_dma source(%dma_start3A_419 : memref<40xi32, #tpu.memory_space<hbm>>) target(%arg14 : memref<40xi32, #tpu.memory_space<vmem>>) target_semaphore(%arg25 : memref<!tpu.dma_semaphore, #tpu.memory_space<semaphore_mem>>)
        %add3A_420 = arith.constant 40 : i32
        %add3A_421 = arith.addi %multiple_of3A_417, %add3A_420 : i32
        %dma_start3A_422 = tpu.memref_slice %arg6[%add3A_421] : memref<320000xi32, #tpu.memory_space<hbm>> -> memref<40xi32, #tpu.memory_space<hbm>>
        %dma_start3A_423 = tpu.memref_slice %arg6[%add3A_421] : memref<320000xi32, #tpu.memory_space<hbm>> -> memref<40xi32, #tpu.memory_space<hbm>>
        tpu.enqueue_dma source(%dma_start3A_423 : memref<40xi32, #tpu.memory_space<hbm>>) target(%arg15 : memref<40xi32, #tpu.memory_space<vmem>>) target_semaphore(%arg25 : memref<!tpu.dma_semaphore, #tpu.memory_space<semaphore_mem>>)
        %dma_wait3A_424 = arith.constant 0 : i32
        %dma_wait3A_425 = tpu.memref_slice %arg4[%dma_wait3A_424] : memref<320000xi32, #tpu.memory_space<hbm>> -> memref<80xi32, #tpu.memory_space<hbm>>
        %dma_wait3A_426 = arith.constant 0 : i32
        %dma_wait3A_427 = tpu.memref_slice %arg4[%dma_wait3A_426] : memref<320000xi32, #tpu.memory_space<hbm>> -> memref<80xi32, #tpu.memory_space<hbm>>
        tpu.wait_dma2 semaphore(%arg23 : memref<!tpu.dma_semaphore, #tpu.memory_space<semaphore_mem>>) src(%dma_wait3A_427 : memref<80xi32, #tpu.memory_space<hbm>>) dst(%arg9 : memref<80xi32, #tpu.memory_space<vmem>>)
        %dma_wait3A_428 = arith.constant 0 : i32
        %dma_wait3A_429 = tpu.memref_slice %arg5[%dma_wait3A_428] : memref<320000xi32, #tpu.memory_space<hbm>> -> memref<80xi32, #tpu.memory_space<hbm>>
        %dma_wait3A_430 = arith.constant 0 : i32
        %dma_wait3A_431 = tpu.memref_slice %arg5[%dma_wait3A_430] : memref<320000xi32, #tpu.memory_space<hbm>> -> memref<80xi32, #tpu.memory_space<hbm>>
        tpu.wait_dma2 semaphore(%arg23 : memref<!tpu.dma_semaphore, #tpu.memory_space<semaphore_mem>>) src(%dma_wait3A_431 : memref<80xi32, #tpu.memory_space<hbm>>) dst(%arg11 : memref<80xi32, #tpu.memory_space<vmem>>)
        %dma_start3A_432 = arith.constant 0 : i32
        %dma_start3A_433 = arith.constant 0 : i32
        %dma_start3A_434 = tpu.memref_slice %arg2[%dma_start3A_432, %dma_start3A_433] : memref<10000x128xf32, #tpu.memory_space<hbm>> -> memref<10000x128xf32, #tpu.memory_space<hbm>>
        tpu.enqueue_indirect_dma source(%dma_start3A_434 : memref<10000x128xf32, #tpu.memory_space<hbm>>) target(%arg17 : memref<80x128xf32, #tpu.memory_space<vmem>>) offsets(%arg9 : memref<80xi32, #tpu.memory_space<vmem>>) semaphore(%arg27 : memref<!tpu.dma_semaphore, #tpu.memory_space<semaphore_mem>>)
        %dma_start3A_435 = arith.constant 0 : i32
        %dma_start3A_436 = arith.constant 0 : i32
        %dma_start3A_437 = tpu.memref_slice %arg3[%dma_start3A_435, %dma_start3A_436] : memref<12864x128xf32, #tpu.memory_space<hbm>> -> memref<12864x128xf32, #tpu.memory_space<hbm>>
        tpu.enqueue_indirect_dma source(%dma_start3A_437 : memref<12864x128xf32, #tpu.memory_space<hbm>>) target(%arg19 : memref<80x128xf32, #tpu.memory_space<vmem>>) offsets(%arg11 : memref<80xi32, #tpu.memory_space<vmem>>) semaphore(%arg29 : memref<!tpu.dma_semaphore, #tpu.memory_space<semaphore_mem>>)
      } else {
      }
    }
    %scan3A_228 = arith.constant 62 : i32
    %dma_wait3A_229 = arith.constant 0 : i32
    %dma_wait3A_230 = arith.constant 0 : i32
    %dma_wait3A_231 = tpu.memref_slice %arg2[%dma_wait3A_229, %dma_wait3A_230] : memref<10000x128xf32, #tpu.memory_space<hbm>> -> memref<10000x128xf32, #tpu.memory_space<hbm>>
    tpu.wait_indirect_dma semaphore(%arg26 : memref<!tpu.dma_semaphore, #tpu.memory_space<semaphore_mem>>) src(%dma_wait3A_231 : memref<10000x128xf32, #tpu.memory_space<hbm>>) dst(%arg16 : memref<80x128xf32, #tpu.memory_space<vmem>>)
    %dma_wait3A_232 = arith.constant 0 : i32
    %dma_wait3A_233 = arith.constant 0 : i32
    %dma_wait3A_234 = tpu.memref_slice %arg3[%dma_wait3A_232, %dma_wait3A_233] : memref<12864x128xf32, #tpu.memory_space<hbm>> -> memref<12864x128xf32, #tpu.memory_space<hbm>>
    tpu.wait_indirect_dma semaphore(%arg28 : memref<!tpu.dma_semaphore, #tpu.memory_space<semaphore_mem>>) src(%dma_wait3A_234 : memref<12864x128xf32, #tpu.memory_space<hbm>>) dst(%arg18 : memref<80x128xf32, #tpu.memory_space<vmem>>)
    %scan3A_235 = arith.constant 0 : i32
    %scan3A_236 = arith.constant 40 : i32
    %scan3A_237 = arith.addi %scan3A_235, %scan3A_236 : i32
    %scan3A_238 = arith.constant 1 : i32
    scf.for %scan3A_282 = %scan3A_235 to %scan3A_237 step %scan3A_238  : i32 {
      %get3A = arith.index_cast %scan3A_282 : i32 to index
      %get3A_283 = arith.constant 0 : index
      %get3A_284 = tpu.vector_load %arg16[%get3A, %get3A_283] {strides = array<i32>} : memref<80x128xf32, #tpu.memory_space<vmem>>, vector<1x16xf32>,
      %get3A_285 = vector.shape_cast %get3A_284 : vector<1x16xf32> to vector<16xf32>
      %get3A_286 = arith.index_cast %scan3A_282 : i32 to index
      %get3A_287 = arith.constant 0 : index
      %get3A_288 = tpu.vector_load %arg18[%get3A_286, %get3A_287] {strides = array<i32>} : memref<80x128xf32, #tpu.memory_space<vmem>>, vector<1x16xf32>,
      %get3A_289 = vector.shape_cast %get3A_288 : vector<1x16xf32> to vector<16xf32>
      %mul3A_290 = arith.mulf %get3A_285, %get3A_289 : vector<16xf32>
      %swap3A = arith.index_cast %scan3A_282 : i32 to index
      %swap3A_291 = arith.constant 0 : index
      %swap3A_292 = tpu.vector_load %arg16[%swap3A, %swap3A_291] {strides = array<i32>} : memref<80x128xf32, #tpu.memory_space<vmem>>, vector<1x16xf32>,
      %swap3A_293 = vector.shape_cast %swap3A_292 : vector<1x16xf32> to vector<16xf32>
      %swap3A_294 = vector.shape_cast %mul3A_290 : vector<16xf32> to vector<1x16xf32>
      tpu.vector_store %arg16[%swap3A, %swap3A_291], %swap3A_294 {strides = array<i32>} : memref<80x128xf32, #tpu.memory_space<vmem>>, vector<1x16xf32>,
      %get3A_295 = arith.index_cast %scan3A_282 : i32 to index
      %get3A_296 = arith.constant 16 : index
      %get3A_297 = tpu.vector_load %arg16[%get3A_295, %get3A_296] {strides = array<i32>} : memref<80x128xf32, #tpu.memory_space<vmem>>, vector<1x16xf32>,
      %get3A_298 = vector.shape_cast %get3A_297 : vector<1x16xf32> to vector<16xf32>
      %get3A_299 = arith.index_cast %scan3A_282 : i32 to index
      %get3A_300 = arith.constant 16 : index
      %get3A_301 = tpu.vector_load %arg18[%get3A_299, %get3A_300] {strides = array<i32>} : memref<80x128xf32, #tpu.memory_space<vmem>>, vector<1x16xf32>,
      %get3A_302 = vector.shape_cast %get3A_301 : vector<1x16xf32> to vector<16xf32>
      %mul3A_303 = arith.mulf %get3A_298, %get3A_302 : vector<16xf32>
      %swap3A_304 = arith.index_cast %scan3A_282 : i32 to index
      %swap3A_305 = arith.constant 16 : index
      %swap3A_306 = tpu.vector_load %arg16[%swap3A_304, %swap3A_305] {strides = array<i32>} : memref<80x128xf32, #tpu.memory_space<vmem>>, vector<1x16xf32>,
      %swap3A_307 = vector.shape_cast %swap3A_306 : vector<1x16xf32> to vector<16xf32>
      %swap3A_308 = vector.shape_cast %mul3A_303 : vector<16xf32> to vector<1x16xf32>
      tpu.vector_store %arg16[%swap3A_304, %swap3A_305], %swap3A_308 {strides = array<i32>} : memref<80x128xf32, #tpu.memory_space<vmem>>, vector<1x16xf32>,
      %get3A_309 = arith.index_cast %scan3A_282 : i32 to index
      %get3A_310 = arith.constant 32 : index
      %get3A_311 = tpu.vector_load %arg16[%get3A_309, %get3A_310] {strides = array<i32>} : memref<80x128xf32, #tpu.memory_space<vmem>>, vector<1x16xf32>,
      %get3A_312 = vector.shape_cast %get3A_311 : vector<1x16xf32> to vector<16xf32>
      %get3A_313 = arith.index_cast %scan3A_282 : i32 to index
      %get3A_314 = arith.constant 32 : index
      %get3A_315 = tpu.vector_load %arg18[%get3A_313, %get3A_314] {strides = array<i32>} : memref<80x128xf32, #tpu.memory_space<vmem>>, vector<1x16xf32>,
      %get3A_316 = vector.shape_cast %get3A_315 : vector<1x16xf32> to vector<16xf32>
      %mul3A_317 = arith.mulf %get3A_312, %get3A_316 : vector<16xf32>
      %swap3A_318 = arith.index_cast %scan3A_282 : i32 to index
      %swap3A_319 = arith.constant 32 : index
      %swap3A_320 = tpu.vector_load %arg16[%swap3A_318, %swap3A_319] {strides = array<i32>} : memref<80x128xf32, #tpu.memory_space<vmem>>, vector<1x16xf32>,
      %swap3A_321 = vector.shape_cast %swap3A_320 : vector<1x16xf32> to vector<16xf32>
      %swap3A_322 = vector.shape_cast %mul3A_317 : vector<16xf32> to vector<1x16xf32>
      tpu.vector_store %arg16[%swap3A_318, %swap3A_319], %swap3A_322 {strides = array<i32>} : memref<80x128xf32, #tpu.memory_space<vmem>>, vector<1x16xf32>,
      %get3A_323 = arith.index_cast %scan3A_282 : i32 to index
      %get3A_324 = arith.constant 48 : index
      %get3A_325 = tpu.vector_load %arg16[%get3A_323, %get3A_324] {strides = array<i32>} : memref<80x128xf32, #tpu.memory_space<vmem>>, vector<1x16xf32>,
      %get3A_326 = vector.shape_cast %get3A_325 : vector<1x16xf32> to vector<16xf32>
      %get3A_327 = arith.index_cast %scan3A_282 : i32 to index
      %get3A_328 = arith.constant 48 : index
      %get3A_329 = tpu.vector_load %arg18[%get3A_327, %get3A_328] {strides = array<i32>} : memref<80x128xf32, #tpu.memory_space<vmem>>, vector<1x16xf32>,
      %get3A_330 = vector.shape_cast %get3A_329 : vector<1x16xf32> to vector<16xf32>
      %mul3A_331 = arith.mulf %get3A_326, %get3A_330 : vector<16xf32>
      %swap3A_332 = arith.index_cast %scan3A_282 : i32 to index
      %swap3A_333 = arith.constant 48 : index
      %swap3A_334 = tpu.vector_load %arg16[%swap3A_332, %swap3A_333] {strides = array<i32>} : memref<80x128xf32, #tpu.memory_space<vmem>>, vector<1x16xf32>,
      %swap3A_335 = vector.shape_cast %swap3A_334 : vector<1x16xf32> to vector<16xf32>
      %swap3A_336 = vector.shape_cast %mul3A_331 : vector<16xf32> to vector<1x16xf32>
      tpu.vector_store %arg16[%swap3A_332, %swap3A_333], %swap3A_336 {strides = array<i32>} : memref<80x128xf32, #tpu.memory_space<vmem>>, vector<1x16xf32>,
      %get3A_337 = arith.index_cast %scan3A_282 : i32 to index
      %get3A_338 = arith.constant 64 : index
      %get3A_339 = tpu.vector_load %arg16[%get3A_337, %get3A_338] {strides = array<i32>} : memref<80x128xf32, #tpu.memory_space<vmem>>, vector<1x16xf32>,
      %get3A_340 = vector.shape_cast %get3A_339 : vector<1x16xf32> to vector<16xf32>
      %get3A_341 = arith.index_cast %scan3A_282 : i32 to index
      %get3A_342 = arith.constant 64 : index
      %get3A_343 = tpu.vector_load %arg18[%get3A_341, %get3A_342] {strides = array<i32>} : memref<80x128xf32, #tpu.memory_space<vmem>>, vector<1x16xf32>,
      %get3A_344 = vector.shape_cast %get3A_343 : vector<1x16xf32> to vector<16xf32>
      %mul3A_345 = arith.mulf %get3A_340, %get3A_344 : vector<16xf32>
      %swap3A_346 = arith.index_cast %scan3A_282 : i32 to index
      %swap3A_347 = arith.constant 64 : index
      %swap3A_348 = tpu.vector_load %arg16[%swap3A_346, %swap3A_347] {strides = array<i32>} : memref<80x128xf32, #tpu.memory_space<vmem>>, vector<1x16xf32>,
      %swap3A_349 = vector.shape_cast %swap3A_348 : vector<1x16xf32> to vector<16xf32>
      %swap3A_350 = vector.shape_cast %mul3A_345 : vector<16xf32> to vector<1x16xf32>
      tpu.vector_store %arg16[%swap3A_346, %swap3A_347], %swap3A_350 {strides = array<i32>} : memref<80x128xf32, #tpu.memory_space<vmem>>, vector<1x16xf32>,
      %get3A_351 = arith.index_cast %scan3A_282 : i32 to index
      %get3A_352 = arith.constant 80 : index
      %get3A_353 = tpu.vector_load %arg16[%get3A_351, %get3A_352] {strides = array<i32>} : memref<80x128xf32, #tpu.memory_space<vmem>>, vector<1x16xf32>,
      %get3A_354 = vector.shape_cast %get3A_353 : vector<1x16xf32> to vector<16xf32>
      %get3A_355 = arith.index_cast %scan3A_282 : i32 to index
      %get3A_356 = arith.constant 80 : index
      %get3A_357 = tpu.vector_load %arg18[%get3A_355, %get3A_356] {strides = array<i32>} : memref<80x128xf32, #tpu.memory_space<vmem>>, vector<1x16xf32>,
      %get3A_358 = vector.shape_cast %get3A_357 : vector<1x16xf32> to vector<16xf32>
      %mul3A_359 = arith.mulf %get3A_354, %get3A_358 : vector<16xf32>
      %swap3A_360 = arith.index_cast %scan3A_282 : i32 to index
      %swap3A_361 = arith.constant 80 : index
      %swap3A_362 = tpu.vector_load %arg16[%swap3A_360, %swap3A_361] {strides = array<i32>} : memref<80x128xf32, #tpu.memory_space<vmem>>, vector<1x16xf32>,
      %swap3A_363 = vector.shape_cast %swap3A_362 : vector<1x16xf32> to vector<16xf32>
      %swap3A_364 = vector.shape_cast %mul3A_359 : vector<16xf32> to vector<1x16xf32>
      tpu.vector_store %arg16[%swap3A_360, %swap3A_361], %swap3A_364 {strides = array<i32>} : memref<80x128xf32, #tpu.memory_space<vmem>>, vector<1x16xf32>,
      %get3A_365 = arith.index_cast %scan3A_282 : i32 to index
      %get3A_366 = arith.constant 96 : index
      %get3A_367 = tpu.vector_load %arg16[%get3A_365, %get3A_366] {strides = array<i32>} : memref<80x128xf32, #tpu.memory_space<vmem>>, vector<1x16xf32>,
      %get3A_368 = vector.shape_cast %get3A_367 : vector<1x16xf32> to vector<16xf32>
      %get3A_369 = arith.index_cast %scan3A_282 : i32 to index
      %get3A_370 = arith.constant 96 : index
      %get3A_371 = tpu.vector_load %arg18[%get3A_369, %get3A_370] {strides = array<i32>} : memref<80x128xf32, #tpu.memory_space<vmem>>, vector<1x16xf32>,
      %get3A_372 = vector.shape_cast %get3A_371 : vector<1x16xf32> to vector<16xf32>
      %mul3A_373 = arith.mulf %get3A_368, %get3A_372 : vector<16xf32>
      %swap3A_374 = arith.index_cast %scan3A_282 : i32 to index
      %swap3A_375 = arith.constant 96 : index
      %swap3A_376 = tpu.vector_load %arg16[%swap3A_374, %swap3A_375] {strides = array<i32>} : memref<80x128xf32, #tpu.memory_space<vmem>>, vector<1x16xf32>,
      %swap3A_377 = vector.shape_cast %swap3A_376 : vector<1x16xf32> to vector<16xf32>
      %swap3A_378 = vector.shape_cast %mul3A_373 : vector<16xf32> to vector<1x16xf32>
      tpu.vector_store %arg16[%swap3A_374, %swap3A_375], %swap3A_378 {strides = array<i32>} : memref<80x128xf32, #tpu.memory_space<vmem>>, vector<1x16xf32>,
      %get3A_379 = arith.index_cast %scan3A_282 : i32 to index
      %get3A_380 = arith.constant 112 : index
      %get3A_381 = tpu.vector_load %arg16[%get3A_379, %get3A_380] {strides = array<i32>} : memref<80x128xf32, #tpu.memory_space<vmem>>, vector<1x16xf32>,
      %get3A_382 = vector.shape_cast %get3A_381 : vector<1x16xf32> to vector<16xf32>
      %get3A_383 = arith.index_cast %scan3A_282 : i32 to index
      %get3A_384 = arith.constant 112 : index
      %get3A_385 = tpu.vector_load %arg18[%get3A_383, %get3A_384] {strides = array<i32>} : memref<80x128xf32, #tpu.memory_space<vmem>>, vector<1x16xf32>,
      %get3A_386 = vector.shape_cast %get3A_385 : vector<1x16xf32> to vector<16xf32>
      %mul3A_387 = arith.mulf %get3A_382, %get3A_386 : vector<16xf32>
      %swap3A_388 = arith.index_cast %scan3A_282 : i32 to index
      %swap3A_389 = arith.constant 112 : index
      %swap3A_390 = tpu.vector_load %arg16[%swap3A_388, %swap3A_389] {strides = array<i32>} : memref<80x128xf32, #tpu.memory_space<vmem>>, vector<1x16xf32>,
      %swap3A_391 = vector.shape_cast %swap3A_390 : vector<1x16xf32> to vector<16xf32>
      %swap3A_392 = vector.shape_cast %mul3A_387 : vector<16xf32> to vector<1x16xf32>
      tpu.vector_store %arg16[%swap3A_388, %swap3A_389], %swap3A_392 {strides = array<i32>} : memref<80x128xf32, #tpu.memory_space<vmem>>, vector<1x16xf32>,
    }
    %scan3A_239 = arith.constant 40 : i32
    %dma_wait3A_240 = arith.constant 0 : i32
    %dma_wait3A_241 = tpu.memref_slice %arg6[%dma_wait3A_240] : memref<320000xi32, #tpu.memory_space<hbm>> -> memref<40xi32, #tpu.memory_space<hbm>>
    %dma_wait3A_242 = arith.constant 0 : i32
    %dma_wait3A_243 = tpu.memref_slice %arg6[%dma_wait3A_242] : memref<320000xi32, #tpu.memory_space<hbm>> -> memref<40xi32, #tpu.memory_space<hbm>>
    tpu.wait_dma2 semaphore(%arg24 : memref<!tpu.dma_semaphore, #tpu.memory_space<semaphore_mem>>) src(%dma_wait3A_243 : memref<40xi32, #tpu.memory_space<hbm>>) dst(%arg12 : memref<40xi32, #tpu.memory_space<vmem>>)
    %dma_wait3A_244 = arith.constant 0 : i32
    %dma_wait3A_245 = tpu.memref_slice %arg6[%dma_wait3A_244] : memref<320000xi32, #tpu.memory_space<hbm>> -> memref<40xi32, #tpu.memory_space<hbm>>
    %dma_wait3A_246 = arith.constant 0 : i32
    %dma_wait3A_247 = tpu.memref_slice %arg6[%dma_wait3A_246] : memref<320000xi32, #tpu.memory_space<hbm>> -> memref<40xi32, #tpu.memory_space<hbm>>
    tpu.wait_dma2 semaphore(%arg24 : memref<!tpu.dma_semaphore, #tpu.memory_space<semaphore_mem>>) src(%dma_wait3A_247 : memref<40xi32, #tpu.memory_space<hbm>>) dst(%arg12 : memref<40xi32, #tpu.memory_space<vmem>>)
    %dma_start3A_248 = arith.constant 0 : i32
    %dma_start3A_249 = arith.constant 0 : i32
    %dma_start3A_250 = tpu.memref_slice %arg16[%dma_start3A_248, %dma_start3A_249] : memref<80x128xf32, #tpu.memory_space<vmem>> -> memref<40x128xf32, #tpu.memory_space<vmem>>
    %dma_start3A_251 = arith.constant 0 : i32
    %dma_start3A_252 = arith.constant 0 : i32
    %dma_start3A_253 = tpu.memref_slice %arg21[%dma_start3A_251, %dma_start3A_252] : memref<10240x128xf32, #tpu.memory_space<vmem_shared>> -> memref<10240x128xf32, #tpu.memory_space<vmem_shared>>
    tpu.enqueue_indirect_dma source(%dma_start3A_250 : memref<40x128xf32, #tpu.memory_space<vmem>>) target(%dma_start3A_253 : memref<10240x128xf32, #tpu.memory_space<vmem_shared>>) offsets(%arg12 : memref<40xi32, #tpu.memory_space<vmem>>) semaphore(%arg30 : memref<!tpu.dma_semaphore, #tpu.memory_space<semaphore_mem>>) {add = true}
    %scan3A_254 = arith.constant 40 : i32
    %scan3A_255 = arith.constant 40 : i32
    %scan3A_256 = arith.addi %scan3A_254, %scan3A_255 : i32
    %scan3A_257 = arith.constant 1 : i32
    scf.for %scan3A_282 = %scan3A_254 to %scan3A_256 step %scan3A_257  : i32 {
      %get3A = arith.index_cast %scan3A_282 : i32 to index
      %get3A_283 = arith.constant 0 : index
      %get3A_284 = tpu.vector_load %arg16[%get3A, %get3A_283] {strides = array<i32>} : memref<80x128xf32, #tpu.memory_space<vmem>>, vector<1x16xf32>,
      %get3A_285 = vector.shape_cast %get3A_284 : vector<1x16xf32> to vector<16xf32>
      %get3A_286 = arith.index_cast %scan3A_282 : i32 to index
      %get3A_287 = arith.constant 0 : index
      %get3A_288 = tpu.vector_load %arg18[%get3A_286, %get3A_287] {strides = array<i32>} : memref<80x128xf32, #tpu.memory_space<vmem>>, vector<1x16xf32>,
      %get3A_289 = vector.shape_cast %get3A_288 : vector<1x16xf32> to vector<16xf32>
      %mul3A_290 = arith.mulf %get3A_285, %get3A_289 : vector<16xf32>
      %swap3A = arith.index_cast %scan3A_282 : i32 to index
      %swap3A_291 = arith.constant 0 : index
      %swap3A_292 = tpu.vector_load %arg16[%swap3A, %swap3A_291] {strides = array<i32>} : memref<80x128xf32, #tpu.memory_space<vmem>>, vector<1x16xf32>,
      %swap3A_293 = vector.shape_cast %swap3A_292 : vector<1x16xf32> to vector<16xf32>
      %swap3A_294 = vector.shape_cast %mul3A_290 : vector<16xf32> to vector<1x16xf32>
      tpu.vector_store %arg16[%swap3A, %swap3A_291], %swap3A_294 {strides = array<i32>} : memref<80x128xf32, #tpu.memory_space<vmem>>, vector<1x16xf32>,
      %get3A_295 = arith.index_cast %scan3A_282 : i32 to index
      %get3A_296 = arith.constant 16 : index
      %get3A_297 = tpu.vector_load %arg16[%get3A_295, %get3A_296] {strides = array<i32>} : memref<80x128xf32, #tpu.memory_space<vmem>>, vector<1x16xf32>,
      %get3A_298 = vector.shape_cast %get3A_297 : vector<1x16xf32> to vector<16xf32>
      %get3A_299 = arith.index_cast %scan3A_282 : i32 to index
      %get3A_300 = arith.constant 16 : index
      %get3A_301 = tpu.vector_load %arg18[%get3A_299, %get3A_300] {strides = array<i32>} : memref<80x128xf32, #tpu.memory_space<vmem>>, vector<1x16xf32>,
      %get3A_302 = vector.shape_cast %get3A_301 : vector<1x16xf32> to vector<16xf32>
      %mul3A_303 = arith.mulf %get3A_298, %get3A_302 : vector<16xf32>
      %swap3A_304 = arith.index_cast %scan3A_282 : i32 to index
      %swap3A_305 = arith.constant 16 : index
      %swap3A_306 = tpu.vector_load %arg16[%swap3A_304, %swap3A_305] {strides = array<i32>} : memref<80x128xf32, #tpu.memory_space<vmem>>, vector<1x16xf32>,
      %swap3A_307 = vector.shape_cast %swap3A_306 : vector<1x16xf32> to vector<16xf32>
      %swap3A_308 = vector.shape_cast %mul3A_303 : vector<16xf32> to vector<1x16xf32>
      tpu.vector_store %arg16[%swap3A_304, %swap3A_305], %swap3A_308 {strides = array<i32>} : memref<80x128xf32, #tpu.memory_space<vmem>>, vector<1x16xf32>,
      %get3A_309 = arith.index_cast %scan3A_282 : i32 to index
      %get3A_310 = arith.constant 32 : index
      %get3A_311 = tpu.vector_load %arg16[%get3A_309, %get3A_310] {strides = array<i32>} : memref<80x128xf32, #tpu.memory_space<vmem>>, vector<1x16xf32>,
      %get3A_312 = vector.shape_cast %get3A_311 : vector<1x16xf32> to vector<16xf32>
      %get3A_313 = arith.index_cast %scan3A_282 : i32 to index
      %get3A_314 = arith.constant 32 : index
      %get3A_315 = tpu.vector_load %arg18[%get3A_313, %get3A_314] {strides = array<i32>} : memref<80x128xf32, #tpu.memory_space<vmem>>, vector<1x16xf32>,
      %get3A_316 = vector.shape_cast %get3A_315 : vector<1x16xf32> to vector<16xf32>
      %mul3A_317 = arith.mulf %get3A_312, %get3A_316 : vector<16xf32>
      %swap3A_318 = arith.index_cast %scan3A_282 : i32 to index
      %swap3A_319 = arith.constant 32 : index
      %swap3A_320 = tpu.vector_load %arg16[%swap3A_318, %swap3A_319] {strides = array<i32>} : memref<80x128xf32, #tpu.memory_space<vmem>>, vector<1x16xf32>,
      %swap3A_321 = vector.shape_cast %swap3A_320 : vector<1x16xf32> to vector<16xf32>
      %swap3A_322 = vector.shape_cast %mul3A_317 : vector<16xf32> to vector<1x16xf32>
      tpu.vector_store %arg16[%swap3A_318, %swap3A_319], %swap3A_322 {strides = array<i32>} : memref<80x128xf32, #tpu.memory_space<vmem>>, vector<1x16xf32>,
      %get3A_323 = arith.index_cast %scan3A_282 : i32 to index
      %get3A_324 = arith.constant 48 : index
      %get3A_325 = tpu.vector_load %arg16[%get3A_323, %get3A_324] {strides = array<i32>} : memref<80x128xf32, #tpu.memory_space<vmem>>, vector<1x16xf32>,
      %get3A_326 = vector.shape_cast %get3A_325 : vector<1x16xf32> to vector<16xf32>
      %get3A_327 = arith.index_cast %scan3A_282 : i32 to index
      %get3A_328 = arith.constant 48 : index
      %get3A_329 = tpu.vector_load %arg18[%get3A_327, %get3A_328] {strides = array<i32>} : memref<80x128xf32, #tpu.memory_space<vmem>>, vector<1x16xf32>,
      %get3A_330 = vector.shape_cast %get3A_329 : vector<1x16xf32> to vector<16xf32>
      %mul3A_331 = arith.mulf %get3A_326, %get3A_330 : vector<16xf32>
      %swap3A_332 = arith.index_cast %scan3A_282 : i32 to index
      %swap3A_333 = arith.constant 48 : index
      %swap3A_334 = tpu.vector_load %arg16[%swap3A_332, %swap3A_333] {strides = array<i32>} : memref<80x128xf32, #tpu.memory_space<vmem>>, vector<1x16xf32>,
      %swap3A_335 = vector.shape_cast %swap3A_334 : vector<1x16xf32> to vector<16xf32>
      %swap3A_336 = vector.shape_cast %mul3A_331 : vector<16xf32> to vector<1x16xf32>
      tpu.vector_store %arg16[%swap3A_332, %swap3A_333], %swap3A_336 {strides = array<i32>} : memref<80x128xf32, #tpu.memory_space<vmem>>, vector<1x16xf32>,
      %get3A_337 = arith.index_cast %scan3A_282 : i32 to index
      %get3A_338 = arith.constant 64 : index
      %get3A_339 = tpu.vector_load %arg16[%get3A_337, %get3A_338] {strides = array<i32>} : memref<80x128xf32, #tpu.memory_space<vmem>>, vector<1x16xf32>,
      %get3A_340 = vector.shape_cast %get3A_339 : vector<1x16xf32> to vector<16xf32>
      %get3A_341 = arith.index_cast %scan3A_282 : i32 to index
      %get3A_342 = arith.constant 64 : index
      %get3A_343 = tpu.vector_load %arg18[%get3A_341, %get3A_342] {strides = array<i32>} : memref<80x128xf32, #tpu.memory_space<vmem>>, vector<1x16xf32>,
      %get3A_344 = vector.shape_cast %get3A_343 : vector<1x16xf32> to vector<16xf32>
      %mul3A_345 = arith.mulf %get3A_340, %get3A_344 : vector<16xf32>
      %swap3A_346 = arith.index_cast %scan3A_282 : i32 to index
      %swap3A_347 = arith.constant 64 : index
      %swap3A_348 = tpu.vector_load %arg16[%swap3A_346, %swap3A_347] {strides = array<i32>} : memref<80x128xf32, #tpu.memory_space<vmem>>, vector<1x16xf32>,
      %swap3A_349 = vector.shape_cast %swap3A_348 : vector<1x16xf32> to vector<16xf32>
      %swap3A_350 = vector.shape_cast %mul3A_345 : vector<16xf32> to vector<1x16xf32>
      tpu.vector_store %arg16[%swap3A_346, %swap3A_347], %swap3A_350 {strides = array<i32>} : memref<80x128xf32, #tpu.memory_space<vmem>>, vector<1x16xf32>,
      %get3A_351 = arith.index_cast %scan3A_282 : i32 to index
      %get3A_352 = arith.constant 80 : index
      %get3A_353 = tpu.vector_load %arg16[%get3A_351, %get3A_352] {strides = array<i32>} : memref<80x128xf32, #tpu.memory_space<vmem>>, vector<1x16xf32>,
      %get3A_354 = vector.shape_cast %get3A_353 : vector<1x16xf32> to vector<16xf32>
      %get3A_355 = arith.index_cast %scan3A_282 : i32 to index
      %get3A_356 = arith.constant 80 : index
      %get3A_357 = tpu.vector_load %arg18[%get3A_355, %get3A_356] {strides = array<i32>} : memref<80x128xf32, #tpu.memory_space<vmem>>, vector<1x16xf32>,
      %get3A_358 = vector.shape_cast %get3A_357 : vector<1x16xf32> to vector<16xf32>
      %mul3A_359 = arith.mulf %get3A_354, %get3A_358 : vector<16xf32>
      %swap3A_360 = arith.index_cast %scan3A_282 : i32 to index
      %swap3A_361 = arith.constant 80 : index
      %swap3A_362 = tpu.vector_load %arg16[%swap3A_360, %swap3A_361] {strides = array<i32>} : memref<80x128xf32, #tpu.memory_space<vmem>>, vector<1x16xf32>,
      %swap3A_363 = vector.shape_cast %swap3A_362 : vector<1x16xf32> to vector<16xf32>
      %swap3A_364 = vector.shape_cast %mul3A_359 : vector<16xf32> to vector<1x16xf32>
      tpu.vector_store %arg16[%swap3A_360, %swap3A_361], %swap3A_364 {strides = array<i32>} : memref<80x128xf32, #tpu.memory_space<vmem>>, vector<1x16xf32>,
      %get3A_365 = arith.index_cast %scan3A_282 : i32 to index
      %get3A_366 = arith.constant 96 : index
      %get3A_367 = tpu.vector_load %arg16[%get3A_365, %get3A_366] {strides = array<i32>} : memref<80x128xf32, #tpu.memory_space<vmem>>, vector<1x16xf32>,
      %get3A_368 = vector.shape_cast %get3A_367 : vector<1x16xf32> to vector<16xf32>
      %get3A_369 = arith.index_cast %scan3A_282 : i32 to index
      %get3A_370 = arith.constant 96 : index
      %get3A_371 = tpu.vector_load %arg18[%get3A_369, %get3A_370] {strides = array<i32>} : memref<80x128xf32, #tpu.memory_space<vmem>>, vector<1x16xf32>,
      %get3A_372 = vector.shape_cast %get3A_371 : vector<1x16xf32> to vector<16xf32>
      %mul3A_373 = arith.mulf %get3A_368, %get3A_372 : vector<16xf32>
      %swap3A_374 = arith.index_cast %scan3A_282 : i32 to index
      %swap3A_375 = arith.constant 96 : index
      %swap3A_376 = tpu.vector_load %arg16[%swap3A_374, %swap3A_375] {strides = array<i32>} : memref<80x128xf32, #tpu.memory_space<vmem>>, vector<1x16xf32>,
      %swap3A_377 = vector.shape_cast %swap3A_376 : vector<1x16xf32> to vector<16xf32>
      %swap3A_378 = vector.shape_cast %mul3A_373 : vector<16xf32> to vector<1x16xf32>
      tpu.vector_store %arg16[%swap3A_374, %swap3A_375], %swap3A_378 {strides = array<i32>} : memref<80x128xf32, #tpu.memory_space<vmem>>, vector<1x16xf32>,
      %get3A_379 = arith.index_cast %scan3A_282 : i32 to index
      %get3A_380 = arith.constant 112 : index
      %get3A_381 = tpu.vector_load %arg16[%get3A_379, %get3A_380] {strides = array<i32>} : memref<80x128xf32, #tpu.memory_space<vmem>>, vector<1x16xf32>,
      %get3A_382 = vector.shape_cast %get3A_381 : vector<1x16xf32> to vector<16xf32>
      %get3A_383 = arith.index_cast %scan3A_282 : i32 to index
      %get3A_384 = arith.constant 112 : index
      %get3A_385 = tpu.vector_load %arg18[%get3A_383, %get3A_384] {strides = array<i32>} : memref<80x128xf32, #tpu.memory_space<vmem>>, vector<1x16xf32>,
      %get3A_386 = vector.shape_cast %get3A_385 : vector<1x16xf32> to vector<16xf32>
      %mul3A_387 = arith.mulf %get3A_382, %get3A_386 : vector<16xf32>
      %swap3A_388 = arith.index_cast %scan3A_282 : i32 to index
      %swap3A_389 = arith.constant 112 : index
      %swap3A_390 = tpu.vector_load %arg16[%swap3A_388, %swap3A_389] {strides = array<i32>} : memref<80x128xf32, #tpu.memory_space<vmem>>, vector<1x16xf32>,
      %swap3A_391 = vector.shape_cast %swap3A_390 : vector<1x16xf32> to vector<16xf32>
      %swap3A_392 = vector.shape_cast %mul3A_387 : vector<16xf32> to vector<1x16xf32>
      tpu.vector_store %arg16[%swap3A_388, %swap3A_389], %swap3A_392 {strides = array<i32>} : memref<80x128xf32, #tpu.memory_space<vmem>>, vector<1x16xf32>,
    }
    %scan3A_258 = arith.constant 40 : i32
    %dma_start3A_259 = arith.constant 40 : i32
    %dma_start3A_260 = arith.constant 0 : i32
    %dma_start3A_261 = tpu.memref_slice %arg16[%dma_start3A_259, %dma_start3A_260] : memref<80x128xf32, #tpu.memory_space<vmem>> -> memref<40x128xf32, #tpu.memory_space<vmem>>
    %dma_start3A_262 = arith.constant 0 : i32
    %dma_start3A_263 = arith.constant 0 : i32
    %dma_start3A_264 = tpu.memref_slice %arg21[%dma_start3A_262, %dma_start3A_263] : memref<10240x128xf32, #tpu.memory_space<vmem_shared>> -> memref<10240x128xf32, #tpu.memory_space<vmem_shared>>
    tpu.enqueue_indirect_dma source(%dma_start3A_261 : memref<40x128xf32, #tpu.memory_space<vmem>>) target(%dma_start3A_264 : memref<10240x128xf32, #tpu.memory_space<vmem_shared>>) offsets(%arg13 : memref<40xi32, #tpu.memory_space<vmem>>) semaphore(%arg30 : memref<!tpu.dma_semaphore, #tpu.memory_space<semaphore_mem>>) {add = true}
    %dma_wait3A_265 = arith.constant 0 : i32
    %dma_wait3A_266 = arith.constant 0 : i32
    %dma_wait3A_267 = tpu.memref_slice %arg16[%dma_wait3A_265, %dma_wait3A_266] : memref<80x128xf32, #tpu.memory_space<vmem>> -> memref<40x128xf32, #tpu.memory_space<vmem>>
    %dma_wait3A_268 = arith.constant 0 : i32
    %dma_wait3A_269 = arith.constant 0 : i32
    %dma_wait3A_270 = tpu.memref_slice %arg21[%dma_wait3A_268, %dma_wait3A_269] : memref<10240x128xf32, #tpu.memory_space<vmem_shared>> -> memref<10240x128xf32, #tpu.memory_space<vmem_shared>>
    tpu.wait_indirect_dma semaphore(%arg30 : memref<!tpu.dma_semaphore, #tpu.memory_space<semaphore_mem>>) src(%dma_wait3A_267 : memref<40x128xf32, #tpu.memory_space<vmem>>) dst(%dma_wait3A_270 : memref<10240x128xf32, #tpu.memory_space<vmem_shared>>)
    %dma_wait3A_271 = arith.constant 0 : i32
    %dma_wait3A_272 = arith.constant 0 : i32
    %dma_wait3A_273 = tpu.memref_slice %arg16[%dma_wait3A_271, %dma_wait3A_272] : memref<80x128xf32, #tpu.memory_space<vmem>> -> memref<40x128xf32, #tpu.memory_space<vmem>>
    %dma_wait3A_274 = arith.constant 0 : i32
    %dma_wait3A_275 = arith.constant 0 : i32
    %dma_wait3A_276 = tpu.memref_slice %arg21[%dma_wait3A_274, %dma_wait3A_275] : memref<10240x128xf32, #tpu.memory_space<vmem_shared>> -> memref<10240x128xf32, #tpu.memory_space<vmem_shared>>
    tpu.wait_indirect_dma semaphore(%arg30 : memref<!tpu.dma_semaphore, #tpu.memory_space<semaphore_mem>>) src(%dma_wait3A_273 : memref<40x128xf32, #tpu.memory_space<vmem>>) dst(%dma_wait3A_276 : memref<10240x128xf32, #tpu.memory_space<vmem_shared>>)
    %barrier3A_277 = arith.constant 0 : index
    tpu.barrier barrier_id(%barrier3A_277)
    %mul3A_278 = arith.constant 640 : i32
    %mul3A_279 = arith.muli %arg1, %mul3A_278 : i32
    %mul3A_280 = arith.constant 640 : i32
    %mul3A_281 = arith.muli %arg1, %mul3A_280 : i32
    "tpu.region"() ({
      %run_scoped3A = tpu.sem_alloc : memref<!tpu.dma_semaphore, #tpu.memory_space<semaphore_mem>>
      %dma_start3A_282 = arith.constant 0 : i32
      %dma_start3A_283 = tpu.memref_slice %arg7[%arg0, %mul3A_281, %dma_start3A_282] : memref<2x10240x128xf32, #tpu.memory_space<hbm>> -> memref<1x640x128xf32, #tpu.memory_space<hbm>>
      %dma_start3A_284 = tpu.memref_squeeze %dma_start3A_283 : memref<1x640x128xf32, #tpu.memory_space<hbm>> -> memref<640x128xf32, #tpu.memory_space<hbm>>
      %dma_start3A_285 = arith.constant 0 : i32
      %dma_start3A_286 = tpu.memref_slice %arg21[%mul3A_279, %dma_start3A_285] : memref<10240x128xf32, #tpu.memory_space<vmem_shared>> -> memref<640x128xf32, #tpu.memory_space<vmem_shared>>
      tpu.enqueue_dma source(%dma_start3A_286 : memref<640x128xf32, #tpu.memory_space<vmem_shared>>) target(%dma_start3A_284 : memref<640x128xf32, #tpu.memory_space<hbm>>) target_semaphore(%run_scoped3A : memref<!tpu.dma_semaphore, #tpu.memory_space<semaphore_mem>>)
      %dma_wait3A_287 = arith.constant 0 : i32
      %dma_wait3A_288 = tpu.memref_slice %arg7[%arg0, %mul3A_281, %dma_wait3A_287] : memref<2x10240x128xf32, #tpu.memory_space<hbm>> -> memref<1x640x128xf32, #tpu.memory_space<hbm>>
      %dma_wait3A_289 = tpu.memref_squeeze %dma_wait3A_288 : memref<1x640x128xf32, #tpu.memory_space<hbm>> -> memref<640x128xf32, #tpu.memory_space<hbm>>
      %dma_wait3A_290 = arith.constant 0 : i32
      %dma_wait3A_291 = tpu.memref_slice %arg21[%mul3A_279, %dma_wait3A_290] : memref<10240x128xf32, #tpu.memory_space<vmem_shared>> -> memref<640x128xf32, #tpu.memory_space<vmem_shared>>
      tpu.wait_dma2 semaphore(%run_scoped3A : memref<!tpu.dma_semaphore, #tpu.memory_space<semaphore_mem>>) src(%dma_wait3A_291 : memref<640x128xf32, #tpu.memory_space<vmem_shared>>) dst(%dma_wait3A_289 : memref<640x128xf32, #tpu.memory_space<hbm>>)
      tpu.yield
    }) : () -> ()
    return
  }
}

module attributes {stable_mosaic.version = 14 : i64} {
  func.func @_relation_body(%arg0: memref<32x128xf32, #tpu.memory_space<vmem>>, %arg1: memref<402x128xf32, #tpu.memory_space<vmem>>, %arg2: memref<128x256xf32, #tpu.memory_space<vmem>>, %arg3: memref<1x128xf32, #tpu.memory_space<vmem>>, %arg4: memref<6x320000xi32, #tpu.memory_space<vmem>>, %arg5: memref<12864x128xf32, #tpu.memory_space<vmem>>, %arg6: memref<1x320000xi32, #tpu.memory_space<vmem>>) attributes {dimension_semantics = [], scalar_prefetch = 0 : i64, scratch_operands = 0 : i64, tpu.core_type = #tpu.core_type<tc>} {
    %get3A = arith.constant 0 : index
    %get3A_0 = arith.constant 0 : index
    %get3A_1 = vector.load %arg0[%get3A, %get3A_0] : memref<32x128xf32, #tpu.memory_space<vmem>>, vector<32x128xf32>
    %get3A_2 = arith.constant 0 : index
    %get3A_3 = arith.constant 0 : index
    %get3A_4 = vector.load %arg1[%get3A_2, %get3A_3] : memref<402x128xf32, #tpu.memory_space<vmem>>, vector<402x128xf32>
    %get3A_5 = arith.constant 0 : index
    %get3A_6 = arith.constant 0 : index
    %get3A_7 = vector.load %arg2[%get3A_5, %get3A_6] : memref<128x256xf32, #tpu.memory_space<vmem>>, vector<128x256xf32>
    %get3A_8 = arith.constant 0 : index
    %get3A_9 = arith.constant 0 : index
    %get3A_10 = vector.load %arg3[%get3A_8, %get3A_9] : memref<1x128xf32, #tpu.memory_space<vmem>>, vector<1x128xf32>
    %slice3A = vector.extract_strided_slice %get3A_7 {offsets = [0, 0], sizes = [128, 128], strides = [1, 1]} : vector<128x256xf32> to vector<128x128xf32>
    %dot_general3A = arith.constant dense<0.000000e+00> : vector<32x128xf32>
    %dot_general3A_11 = tpu.matmul %get3A_1, %slice3A, %dot_general3A {dimension_numbers = #tpu.dot_dimension_numbers<[1], [1], [0], [0], [0, 0, 1, 0], [], []>, transpose_lhs_hint = false} : vector<32x128xf32>, vector<128x128xf32>, vector<32x128xf32> -> vector<32x128xf32>
    %slice3A_12 = vector.extract_strided_slice %get3A_7 {offsets = [0, 128], sizes = [128, 128], strides = [1, 1]} : vector<128x256xf32> to vector<128x128xf32>
    %dot_general3A_13 = arith.constant dense<0.000000e+00> : vector<402x128xf32>
    %dot_general3A_14 = tpu.matmul %get3A_4, %slice3A_12, %dot_general3A_13 {dimension_numbers = #tpu.dot_dimension_numbers<[1], [1], [0], [0], [0, 0, 1, 0], [], []>, transpose_lhs_hint = false} : vector<402x128xf32>, vector<128x128xf32>, vector<402x128xf32> -> vector<402x128xf32>
    %broadcast_in_dim3A = vector.shape_cast %dot_general3A_11 : vector<32x128xf32> to vector<32x1x128xf32>
    %broadcast_in_dim3A_15 = vector.shape_cast %dot_general3A_14 : vector<402x128xf32> to vector<1x402x128xf32>
    %add3A = vector.broadcast %broadcast_in_dim3A : vector<32x1x128xf32> to vector<32x402x128xf32>
    %add3A_16 = vector.broadcast %broadcast_in_dim3A_15 : vector<1x402x128xf32> to vector<32x402x128xf32>
    %add3A_17 = arith.addf %add3A, %add3A_16 : vector<32x402x128xf32>
    %broadcast_in_dim3A_18 = vector.shape_cast %get3A_10 : vector<1x128xf32> to vector<1x1x128xf32>
    %add3A_19 = vector.broadcast %broadcast_in_dim3A_18 : vector<1x1x128xf32> to vector<32x402x128xf32>
    %add3A_20 = arith.addf %add3A_17, %add3A_19 : vector<32x402x128xf32>
    %reshape3A = vector.shape_cast %add3A_20 : vector<32x402x128xf32> to vector<12864x128xf32>
    %swap3A = arith.constant 0 : index
    %swap3A_21 = arith.constant 0 : index
    %swap3A_22 = vector.load %arg5[%swap3A, %swap3A_21] : memref<12864x128xf32, #tpu.memory_space<vmem>>, vector<12864x128xf32>
    tpu.vector_store %arg5[%swap3A, %swap3A_21], %reshape3A {strides = array<i32>} : memref<12864x128xf32, #tpu.memory_space<vmem>>, vector<12864x128xf32>,
    %get3A_23 = arith.constant 0 : index
    %get3A_24 = arith.constant 0 : index
    %get3A_25 = vector.load %arg4[%get3A_23, %get3A_24] : memref<6x320000xi32, #tpu.memory_space<vmem>>, vector<1x320000xi32>
    %mul3A = arith.constant 402 : i32
    %mul3A_26 = vector.broadcast %mul3A : i32 to vector<1x320000xi32>
    %mul3A_27 = arith.muli %get3A_25, %mul3A_26 : vector<1x320000xi32>
    %get3A_28 = arith.constant 2 : index
    %get3A_29 = arith.constant 0 : index
    %get3A_30 = vector.load %arg4[%get3A_28, %get3A_29] : memref<6x320000xi32, #tpu.memory_space<vmem>>, vector<1x320000xi32>
    %add3A_31 = arith.addi %mul3A_27, %get3A_30 : vector<1x320000xi32>
    %swap3A_32 = arith.constant 0 : index
    %swap3A_33 = arith.constant 0 : index
    %swap3A_34 = vector.load %arg6[%swap3A_32, %swap3A_33] : memref<1x320000xi32, #tpu.memory_space<vmem>>, vector<1x320000xi32>
    tpu.vector_store %arg6[%swap3A_32, %swap3A_33], %add3A_31 {strides = array<i32>} : memref<1x320000xi32, #tpu.memory_space<vmem>>, vector<1x320000xi32>,
    return
  }
}

module attributes {stable_mosaic.version = 14 : i64} {
  func.func @_output_body(%arg0: i32, %arg1: memref<2x2000x128xf32, #tpu.memory_space<vmem>>, %arg2: memref<2000x1xf32, #tpu.memory_space<vmem>>, %arg3: memref<128x128xf32, #tpu.memory_space<vmem>>, %arg4: memref<2000x128xf32, #tpu.memory_space<vmem>>) attributes {dimension_semantics = [#tpu.dimension_semantics<arbitrary>], iteration_bounds = array<i64: 5>, scalar_prefetch = 0 : i64, scratch_operands = 0 : i64, tpu.core_type = #tpu.core_type<tc>, window_params = [{transform_indices = @transform_0, window_bounds = array<i64: 2, 2000, 128>}, {transform_indices = @transform_1, window_bounds = array<i64: 2000, 1>}, {pipeline_mode = #tpu.pipeline_mode<synchronous>, transform_indices = @transform_2, window_bounds = array<i64: 128, 128>}, {transform_indices = @transform_3, window_bounds = array<i64: 2000, 128>}]} {
    %get3A = arith.constant 0 : index
    %get3A_0 = arith.constant 0 : index
    %get3A_1 = arith.constant 0 : index
    %get3A_2 = vector.load %arg1[%get3A, %get3A_0, %get3A_1] : memref<2x2000x128xf32, #tpu.memory_space<vmem>>, vector<1x2000x128xf32>
    %get3A_3 = vector.shape_cast %get3A_2 : vector<1x2000x128xf32> to vector<2000x128xf32>
    %get3A_4 = arith.constant 1 : index
    %get3A_5 = arith.constant 0 : index
    %get3A_6 = arith.constant 0 : index
    %get3A_7 = vector.load %arg1[%get3A_4, %get3A_5, %get3A_6] : memref<2x2000x128xf32, #tpu.memory_space<vmem>>, vector<1x2000x128xf32>
    %get3A_8 = vector.shape_cast %get3A_7 : vector<1x2000x128xf32> to vector<2000x128xf32>
    %add3A = arith.addf %get3A_3, %get3A_8 : vector<2000x128xf32>
    %get3A_9 = arith.constant 0 : index
    %get3A_10 = arith.constant 0 : index
    %get3A_11 = vector.load %arg2[%get3A_9, %get3A_10] : memref<2000x1xf32, #tpu.memory_space<vmem>>, vector<2000x1xf32>
    %jit3A = arith.constant 1.000000e+00 : f32
    %max3A = vector.broadcast %jit3A : f32 to vector<2000x1xf32>
    %max3A_12 = arith.maximumf %max3A, %get3A_11 : vector<2000x1xf32>
    %div3A = vector.broadcast %max3A_12 : vector<2000x1xf32> to vector<2000x128xf32>
    %div3A_13 = arith.divf %add3A, %div3A : vector<2000x128xf32>
    %get3A_14 = arith.constant 0 : index
    %get3A_15 = arith.constant 0 : index
    %get3A_16 = vector.load %arg3[%get3A_14, %get3A_15] : memref<128x128xf32, #tpu.memory_space<vmem>>, vector<128x128xf32>
    %dot_general3A = arith.constant dense<0.000000e+00> : vector<2000x128xf32>
    %dot_general3A_17 = tpu.matmul %div3A_13, %get3A_16, %dot_general3A {dimension_numbers = #tpu.dot_dimension_numbers<[1], [1], [0], [0], [0, 0, 1, 0], [], []>, transpose_lhs_hint = false} : vector<2000x128xf32>, vector<128x128xf32>, vector<2000x128xf32> -> vector<2000x128xf32>
    %reduce_sum3A = arith.constant dense<0.000000e+00> : vector<2000xf32>
    %reduce_sum3A_18 = vector.multi_reduction <add>, %dot_general3A_17, %reduce_sum3A [1] : vector<2000x128xf32> to vector<2000xf32>
    %broadcast_in_dim3A = vector.shape_cast %reduce_sum3A_18 : vector<2000xf32> to vector<2000x1xf32>
    %div3A_19 = arith.constant 1.280000e+02 : f32
    %div3A_20 = vector.broadcast %div3A_19 : f32 to vector<2000x1xf32>
    %div3A_21 = arith.divf %broadcast_in_dim3A, %div3A_20 : vector<2000x1xf32>
    %sub3A = vector.broadcast %div3A_21 : vector<2000x1xf32> to vector<2000x128xf32>
    %sub3A_22 = arith.subf %dot_general3A_17, %sub3A : vector<2000x128xf32>
    %integer_pow3A = arith.mulf %sub3A_22, %sub3A_22 : vector<2000x128xf32>
    %reduce_sum3A_23 = arith.constant dense<0.000000e+00> : vector<2000xf32>
    %reduce_sum3A_24 = vector.multi_reduction <add>, %integer_pow3A, %reduce_sum3A_23 [1] : vector<2000x128xf32> to vector<2000xf32>
    %broadcast_in_dim3A_25 = vector.shape_cast %reduce_sum3A_24 : vector<2000xf32> to vector<2000x1xf32>
    %div3A_26 = arith.constant 1.280000e+02 : f32
    %div3A_27 = vector.broadcast %div3A_26 : f32 to vector<2000x1xf32>
    %div3A_28 = arith.divf %broadcast_in_dim3A_25, %div3A_27 : vector<2000x1xf32>
    %sub3A_29 = vector.broadcast %div3A_21 : vector<2000x1xf32> to vector<2000x128xf32>
    %sub3A_30 = arith.subf %dot_general3A_17, %sub3A_29 : vector<2000x128xf32>
    %add3A_31 = arith.constant 9.99999974E-6 : f32
    %add3A_32 = vector.broadcast %add3A_31 : f32 to vector<2000x1xf32>
    %add3A_33 = arith.addf %div3A_28, %add3A_32 : vector<2000x1xf32>
    %sqrt3A = math.sqrt %add3A_33 : vector<2000x1xf32>
    %div3A_34 = vector.broadcast %sqrt3A : vector<2000x1xf32> to vector<2000x128xf32>
    %div3A_35 = arith.divf %sub3A_30, %div3A_34 : vector<2000x128xf32>
    %max3A_36 = arith.constant 0.000000e+00 : f32
    %max3A_37 = vector.broadcast %max3A_36 : f32 to vector<2000x128xf32>
    %max3A_38 = arith.maximumf %div3A_35, %max3A_37 : vector<2000x128xf32>
    %swap3A = arith.constant 0 : index
    %swap3A_39 = arith.constant 0 : index
    %swap3A_40 = vector.load %arg4[%swap3A, %swap3A_39] : memref<2000x128xf32, #tpu.memory_space<vmem>>, vector<2000x128xf32>
    tpu.vector_store %arg4[%swap3A, %swap3A_39], %max3A_38 {strides = array<i32>} : memref<2000x128xf32, #tpu.memory_space<vmem>>, vector<2000x128xf32>,
    return
  }
  func.func @transform_0(%arg0: i32) -> (i32, i32, i32) {
    %c0_i32 = arith.constant 0 : i32
    %c0_i32_0 = arith.constant 0 : i32
    %c0_i32_1 = arith.constant 0 : i32
    return %c0_i32, %arg0, %c0_i32_0 : i32, i32, i32
  }
  func.func @transform_1(%arg0: i32) -> (i32, i32) {
    %c0_i32 = arith.constant 0 : i32
    %c0_i32_0 = arith.constant 0 : i32
    return %arg0, %c0_i32 : i32, i32
  }
  func.func @transform_2(%arg0: i32) -> (i32, i32) {
    %c0_i32 = arith.constant 0 : i32
    %c0_i32_0 = arith.constant 0 : i32
    %c0_i32_1 = arith.constant 0 : i32
    return %c0_i32, %c0_i32_0 : i32, i32
  }
  func.func @transform_3(%arg0: i32) -> (i32, i32) {
    %c0_i32 = arith.constant 0 : i32
    %c0_i32_0 = arith.constant 0 : i32
    return %arg0, %c0_i32 : i32, i32
  }
}

</mosaic_0001>

<sc_bundles>
// kernel: kernel.5.cloned.1.call-start
scs
__scs_entry_jumppad:
0x0: {  	(pc) =	sbr.rel $0x88, $3  }
0x1: {  	(tag) =	ssettag $0x0;
	lr =	simm.s32 $0x1  }
0x2: {  	[smem:$0x3F99] =	sst lr;
	_ =	strace $0xD0000000  }
0x3: {  	_ = 	snop  }
0x4: {  	_ = 	snop  }
0x5: {  	_ = 	snop  }
0x6: {  	_ = 	snop  }
0x7: {  	_ = 	snop  }
__scs_overlays_trampoline_lowered:
0x8: {  	[smem:$0x3FA8] =	sst s0  }
0x9: {  	[smem:$0x3FA9] =	sst s1  }
0xa: {  	[smem:$0x3FAA] =	sst s2  }
0xb: {  	[smem:$0x3FAB] =	sst s3  }
0xc: {  	[smem:$0x3FAC] =	sst s4  }
0xd: {  	[smem:$0x3FAD] =	sst s5  }
0xe: {  	[smem:$0x3FAE] =	sst s6  }
0xf: {  	[smem:$0x3FAF] =	sst s7  }
0x10: {  	[smem:$0x3FB0] =	sst s8  }
0x11: {  	[smem:$0x3FB1] =	sst s9;
	s0 =	simm.s32 @!p0 $0x0  }
0x12: {  	s1 =	sld [smem:$0x3F97];
	s0 =	simm.s32 @p0 $0x1  }
0x13: {  	[smem:$0x3FB2] =	sst s0;
	s0 =	simm.s32 @!p1 $0x0  }
0x14: {  	s2 =	sld [smem:$0x3F96];
	s0 =	simm.s32 @p1 $0x1  }
0x15: {  	[smem:$0x3FB3] =	sst s0;
	s0 =	simm.s32 @!p2 $0x0  }
0x16: {  	s3 =	sld [smem:$0x3FDB];
	s0 =	simm.s32 @p2 $0x1  }
0x17: {  	s4 =	simm.s32 $0x1BF5;
	[smem:$0x3FB5] =	sst s0  }
0x18: {  	s0 =	sld [smem:$0x3F98];
	_ =	swait.ge [sflag:s4], $0x0  }
0x19: {  	s7 =	sld [smem:$0x3F99]  }
0x1a: {  	s8 =	sadd.s32 $0xFFFFE003, lr  }
0x1b: {  	s9 =	sadd.s32 $0xFFFFFEF7, lr;
	s5 =	simm.s32 $0xFFFFFFFF;
	p2 =	slt.u32 s8, $0xFFFFF086  }
0x1c: {  	p1 =	slt.u32 s9, $0xF7A;
	s5 =	simm.s32 @!p2 $0x0  }
0x1d: {  	s5 =	simm.s32 @p1 $0x1;
	p0 =	seq.s32 s7, s2  }
0x1e: {  	s7 =	smul.u32 @!p0 $0xF7A, s2;
	p2 =	seq.s32 @!p0 s5, $0x0  }
0x1f: {  	s9 =	smul.u32 $0xF7A, s1;
	s8 =	simm.s32 @!p0 $0x1BF5;
	p2 =	por !p2, p0  }
0x20: {  	[sflag:s8] =	ssyncset.s32 @!p0 $0xFFFFF086;
	s6 =	sadd.s32 @!p0 s3, s7;
	s7 =	simm.s32 @!p0 $0x108  }
0x21: {  	s3 =	sadd.s32 s3, s9;
	s6 =	sadd.s32 @!p0 $0x88, s6;
	s7 =	simm.s32 @p2 $0x1082  }
0x22: {  	[simem:s7], [sflag:s8] =	dma.local @!p0 [hbm:s6], $0xF7A  }
0x23: {  	s9 =	sor.u32 $0xD0000000, s2;
	s6 =	simm.s32 $0x108;
	_ =	swait.ge @!p0 [sflag:s8], $0x0  }
0x24: {  	s3 =	sadd.s32 $0x88, s3;
	s6 =	simm.s32 @!p1 $0x1082;
	[sflag:s4] =	ssyncset.s32 $0xFFFFF086  }
0x25: {  	[simem:s6], [sflag:s4] =	dma.local [hbm:s3], $0xF7A  }
0x26: {  	[smem:$0x3F99] =	sst s1;
	(tag) =	ssettag s2;
	_ =	strace s9  }
0x27: {  	s1 =	sld [smem:$0x3FA9]  }
0x28: {  	s2 =	sld [smem:$0x3FAA]  }
0x29: {  	s4 =	sld [smem:$0x3FAC]  }
0x2a: {  	p0 =	seq.s32 s5, $0x0;
	s5 =	sld [smem:$0x3FAD]  }
0x2b: {  	s6 =	sld [smem:$0x3FAE]  }
0x2c: {  	s7 =	sld [smem:$0x3FAF]  }
0x2d: {  	s3 =	simm.s32 $0x108;
	s8 =	sld [smem:$0x3FB0]  }
0x2e: {  	s3 =	simm.s32 @!p0 $0x1082;
	s9 =	sld [smem:$0x3FB1]  }
0x2f: {  	lr =	sadd.s32 s0, s3;
	s0 =	sld [smem:$0x3FA8]  }
0x30: {  	s3 =	sld [smem:$0x3FAB]  }
0x31: {  	[smem:$0x3FB4] =	sst s10  }
0x32: {  	s10 =	sld [smem:$0x3FB2];
	_ =	sdelay $0x3  }
0x33: {  	p0 =	seq.s32 s10, $0x1;
	s10 =	sld [smem:$0x3FB4];
	_ =	sdelay $0x3  }
0x34: {  	[smem:$0x3FB4] =	sst s10  }
0x35: {  	s10 =	sld [smem:$0x3FB3];
	_ =	sdelay $0x3  }
0x36: {  	p1 =	seq.s32 s10, $0x1;
	s10 =	sld [smem:$0x3FB4];
	_ =	sdelay $0x3  }
0x37: {  	[smem:$0x3FB4] =	sst s10  }
0x38: {  	s10 =	sld [smem:$0x3FB5]  }
0x39: {  	_ = 	snop;
	(pc) =	sbr.ind lr, $3  }
0x3a: {  	_ = 	snop  }
0x3b: {  	_ = 	snop  }
0x3c: {  	p2 =	seq.s32 s10, $0x1;
	s10 =	sld [smem:$0x3FB4]  }
0x3d: {  	_ =	shalt  }
0x3e: {  	_ =	shalt  }
0x3f: {  	_ =	shalt  }
0x40: {  	_ =	shalt  }
0x41: {  	_ =	shalt  }
0x42: {  	_ =	shalt  }
0x43: {  	_ =	shalt  }
0x44: {  	_ =	shalt  }
0x45: {  	_ =	shalt  }
0x46: {  	_ =	shalt  }
0x47: {  	_ =	shalt  }
0x48: {  	_ =	shalt  }
0x49: {  	_ =	shalt  }
0x4a: {  	_ =	shalt  }
0x4b: {  	_ =	shalt  }
0x4c: {  	_ =	shalt  }
0x4d: {  	_ =	shalt  }
0x4e: {  	_ =	shalt  }
0x4f: {  	_ =	shalt  }
0x50: {  	_ =	shalt  }
0x51: {  	_ =	shalt  }
0x52: {  	_ =	shalt  }
0x53: {  	_ =	shalt  }
0x54: {  	_ =	shalt  }
0x55: {  	_ =	shalt  }
0x56: {  	_ =	shalt  }
0x57: {  	_ =	shalt  }
0x58: {  	_ =	shalt  }
0x59: {  	_ =	shalt  }
0x5a: {  	_ =	shalt  }
0x5b: {  	_ =	shalt  }
0x5c: {  	_ =	shalt  }
0x5d: {  	_ =	shalt  }
0x5e: {  	_ =	shalt  }
0x5f: {  	_ =	shalt  }
0x60: {  	_ =	shalt  }
0x61: {  	_ =	shalt  }
0x62: {  	_ =	shalt  }
0x63: {  	_ =	shalt  }
0x64: {  	_ =	shalt  }
0x65: {  	_ =	shalt  }
0x66: {  	_ =	shalt  }
0x67: {  	_ =	shalt  }
0x68: {  	_ =	shalt  }
0x69: {  	_ =	shalt  }
0x6a: {  	_ =	shalt  }
0x6b: {  	_ =	shalt  }
0x6c: {  	_ =	shalt  }
0x6d: {  	_ =	shalt  }
0x6e: {  	_ =	shalt  }
0x6f: {  	_ =	shalt  }
0x70: {  	_ =	shalt  }
0x71: {  	_ =	shalt  }
0x72: {  	_ =	shalt  }
0x73: {  	_ =	shalt  }
0x74: {  	_ =	shalt  }
0x75: {  	_ =	shalt  }
0x76: {  	_ =	shalt  }
0x77: {  	_ =	shalt  }
0x78: {  	_ =	shalt  }
0x79: {  	_ =	shalt  }
0x7a: {  	_ =	shalt  }
0x7b: {  	_ =	shalt  }
0x7c: {  	_ =	shalt  }
0x7d: {  	_ =	shalt  }
0x7e: {  	_ =	shalt  }
0x7f: {  	_ =	shalt  }
0x80: {  	_ =	shalt  }
0x81: {  	_ =	shalt  }
0x82: {  	_ =	shalt  }
0x83: {  	_ =	shalt  }
0x84: {  	_ =	shalt  }
0x85: {  	_ =	shalt  }
0x86: {  	_ =	shalt  }
0x87: {  	_ =	shalt  }
.Lfunc_end0:
.L_simem_size_0:
called_computation_lowered:
.L_overlay_start_0:
0x88: {  	s2 =	sld [smem:$0x3FD9]  }
0x89: {  	s3 =	sld [smem:$0x3FFE];
	_ =	sdelay $0x1  }
0x8a: {  	s1 =	srdreg.scid  }
0x8b: {  	s0 =	sand.u32 $0x1, s1  }
0x8c: {  	s17 =	sshll.u32 s0, $0xA;
	s2 =	sadd.s32 s3, s2  }
0x8d: {  	s2 =	sadd.s32 s2, s17  }
0x8e: {  	[smem:$0x3FC0] =	sst s2  }
0x8f: {  	_ = 	snop  }
0x90: {  	s2 =	sld [smem:$0x3FC8]  }
0x91: {  	s18 =	sld [smem:$0x3FD0];
	(tm) =	ssettm $0x1  }
0x92: {  	s4 =	sld [smem:$0x3FFB];
	_ =	sdelay $0x3  }
0x93: {  	_ =	strace s4  }
0x94: {  	s4 =	sld [smem:$0x3FFC];
	_ =	sdelay $0x3  }
0x95: {  	_ =	strace s4  }
0x96: {  	s4 =	sld [smem:$0x3FFD];
	_ =	sdelay $0x3  }
0x97: {  	_ =	strace s4  }
0x98: {  	_ =	strace $0x8FFFFFFF  }
0x99: {  	s19 =	sld [smem:$0x3FDB];
	_ =	sdelay $0x1  }
0x9a: {  	s5 =	simm.s32 $_scs_section_size  }
0x9b: {  	s6 =	simm.s32 $_size__tile_overlayer_lowered;
	s7 =	simm.s32 $_tile_overlayer_lowered  }
0x9c: {  	s22 =	simm.s32 $0x1BFF;
	s21 =	sshll.u32 s7, $0x1;
	s4 =	sadd.s32 s5, s19  }
0x9d: {  	s8 =	simm.s32 $0x0;
	s20 =	sshll.u32 s6, $0x1;
	s6 =	sadd.s32 s21, s4  }
0x9e: {  	[timem:s8], [sflag:s22] =	dma.local [hbm:s6], s20  }
0x9f: {  	_ =	swait.ge [sflag:s22], s20  }
0xa0: {  	s5 =	ssub.s32 $0x0, s20;
	[sflag:s22] =	ssyncset.done $0x0  }
0xa1: {  	[sflag:s22] =	ssyncadd.s32 s5;
	_ =	sdelay $0x1  }
0xa2: {  	s23 =	simm.s32 $0x1B8B  }
0xa3: {  	_ =	swait.ge [sflag:s23], $0x1  }
0xa4: {  	[sflag:s23] =	ssyncset.done $0x0  }
0xa5: {  	s25 =	simm.s32 $0x1B8E;
	s24 =	sld [smem:$0x3FFE];
	[sflag:s23] =	ssyncadd.s32 $0xFFFFFFFF  }
0xa6: {  	s26 =	simm.s32 $execute0_lowered;
	[smem:$0x3FD2] =	sst s25  }
0xa7: {  	s6 =	sshll.u32 s26, $0x1;
	_ =	strace $0x80000046;
	[dreg:$0x1] =	wrdreg $0xFFFFFFFF  }
0xa8: {  	s28 =	simm.s32 $_size_execute0_lowered;
	s4 =	sadd.s32 s4, s6;
	[dreg:$0x0] =	wrdreg $0x0  }
0xa9: {  	s6 =	sshll.u32 s28, $0x1;
	[dreg:$0x2] =	wrdreg s4  }
0xaa: {  	[dreg:$0x3] =	wrdreg s6  }
0xab: {  	[dreg:$0x4] =	wrdreg $0xC0  }
0xac: {  	_ =	task [dreg:s8], $0x5FFFF  }
0xad: {  	[dreg:$0x1] =	wrdreg $0xFFFFFFFF  }
0xae: {  	[dreg:$0x0] =	wrdreg $0x60  }
0xaf: {  	[dreg:$0x2] =	wrdreg s2  }
0xb0: {  	[dreg:$0x3] =	wrdreg s24  }
0xb1: {  	[dreg:$0x4] =	wrdreg s18  }
0xb2: {  	[dreg:$0x5] =	wrdreg $0xAC000  }
0xb3: {  	[dreg:$0x6] =	wrdreg $0x9  }
0xb4: {  	_ =	task.clear_ibuf [dreg:s8], $0x7FFFF;
	_ =	strace $0x90000046  }
0xb5: {  	s29 =	simm.s32 $0x9;
	_ =	strace $0x80000048  }
0xb6: {  	_ =	swait.ge [sflag:s29], $0x1  }
0xb7: {  	[sflag:s29] =	ssyncadd.s32 $0xFFFFFFFF  }
0xb8: {  	_ =	strace $0x90000048  }
0xb9: {  	_ =	sfence  }
0xba: {  	s30 =	sld [smem:$0x0];
	_ =	sdelay $0x2  }
0xbb: {  	s31 =	sshll.u32 s1, $0xD;
	s1 =	sshrl.u32 s1, $0x2  }
0xbc: {  	s3 =	sand.u32 $0x4000, s31;
	s1 =	sadd.s32 s1, s30  }
0xbd: {  	s0 =	sor.u32 s3, s0;
	s1 =	sshll.u32 s1, $0x11  }
0xbe: {  	s0 =	sor.u32 s1, s0  }
0xbf: {  	s0 =	sadd.s32 $0x8F2B, s0  }
0xc0: {  	[sflag:s0] =	ssyncadd.remote.s32 $0x1  }
0xc1: {  	_ =	sfence.sel $0xFFFF  }
0xc2: {  	[dreg:$0x0] =	wrdreg $0xFFFFFFFF;
	(pc) =	sbr.abs _section_cstart, $3  }
0xc3: {  	[dreg:$0x1] =	wrdreg $0xFFFFFFFF  }
0xc4: {  	_ =	task.clear_ibuf [dreg:s8], $0x2FFFF;
	_ =	strace $0x9FFFFFFF  }
0xc5: {  	(tm) =	ssettm $0x7FFFFFFF  }
tec
execute0_lowered:
.L_overlay_start_1:
0x0: {  	(tag) =	ssettag $0x1  }
0x1: {  	s0 =	rddreg [dreg:$0x1]  }
0x2: {  	s2 =	rddreg [dreg:$0x2]  }
0x3: {  	s3 =	rddreg [dreg:$0x3]  }
0x4: {  	s1 =	srdreg.scid;
	s5 =	simm.s32 $0x0;
	s10 =	stileid.u32  }
0x5: {  	s1 =	sand.u32 $0x1, s1;
	[smem:$0x7FF] =	sst s5;
	s9 =	smul.u32 $0x50000, s10  }
0x6: {  	s8 =	smul.u32 $0x14000, s10;
	s6 =	sadd.s32 $0xA800, s0;
	s7 =	sadd.s32 $0xA00, s0  }
0x7: {  	s10 =	sshll.u32 s10, $0x1;
	s4 =	smul.u32 $0x140000, s1;
	s26 =	sshrl.u32 s9, $0x2  }
0x8: {  	_ =	strace $0x80000047;
	s25 =	ssub.s32 $0x2, s1;
	s16 =	sadd.s32 s26, s3  }
0x9: {  	s1 =	sor.u32 s1, s10;
	s12 =	sadd.s32 $0x800, s16;
	[dreg:$0x5] =	wrdreg s16  }
0xa: {  	s11 =	sshrl.u32 s25, $0x1;
	s13 =	sadd.s32 $0x1000, s16;
	[dreg:$0x6] =	wrdreg s12  }
0xb: {  	s9 =	smul.u32 $0x2710, s1;
	s14 =	sadd.s32 $0x1800, s16;
	[dreg:$0x7] =	wrdreg s13  }
0xc: {  	s4 =	sadd.s32 s8, s4;
	s15 =	sadd.s32 $0x2000, s16;
	[dreg:$0x8] =	wrdreg s14  }
0xd: {  	s17 =	sadd.s32 $0x2800, s16;
	s18 =	sshrl.u32 s9, $0x3;
	[dreg:$0x9] =	wrdreg s15  }
0xe: {  	s8 =	sadd.s32 $0x3CC00, s0;
	[dreg:$0xa] =	wrdreg s17;
	s19 =	sadd.s32 s7, s18  }
0xf: {  	s4 =	sshrl.u32 s4, $0x3;
	s20 =	sadd.s32 s8, s18;
	[dreg:$0xb] =	wrdreg s19  }
0x10: {  	s0 =	sadd.s32 s4, s0;
	s22 =	sadd.s32 s2, s18;
	[dreg:$0xc] =	wrdreg s20  }
0x11: {  	s4 =	ssub.s32 s25, s11;
	s11 =	sadd.s32 $0x4000, s16;
	[dreg:$0xd] =	wrdreg s22  }
0x12: {  	s12 =	sadd.s32 $0x4800, s16;
	[dreg:$0x17] =	wrdreg s11  }
0x13: {  	s13 =	sadd.s32 $0x5000, s16;
	[dreg:$0x18] =	wrdreg s12  }
0x14: {  	s14 =	sadd.s32 $0x5800, s16;
	[dreg:$0x19] =	wrdreg s13  }
0x15: {  	s21 =	sadd.s32 $0x28, s9;
	s15 =	sadd.s32 $0x6000, s16;
	[dreg:$0x1a] =	wrdreg s14  }
0x16: {  	s24 =	sadd.s32 $0x78, s9;
	s17 =	sadd.s32 $0x6800, s16;
	[dreg:$0x1b] =	wrdreg s15  }
0x17: {  	s1 =	sadd.s32 $0xA, s18;
	s18 =	sadd.s32 $0x7000, s16;
	[dreg:$0x1c] =	wrdreg s17  }
0x18: {  	s10 =	sshrl.u32 s21, $0x3;
	s21 =	sadd.s32 $0x8800, s16;
	[dreg:$0x1d] =	wrdreg s18  }
0x19: {  	s26 =	sshrl.u32 s24, $0x3;
	s24 =	sadd.s32 $0xA000, s16;
	[smem:$0x7E6] =	sst s21  }
0x1a: {  	s10 =	sadd.s32 s2, s10;
	[smem:$0x7E9] =	sst s24  }
0x1b: {  	s23 =	sadd.s32 s7, s1;
	[dreg:$0xe] =	wrdreg s10  }
0x1c: {  	s25 =	sadd.s32 s8, s1;
	[dreg:$0xf] =	wrdreg s23  }
0x1d: {  	s1 =	sadd.s32 s2, s1;
	[dreg:$0x10] =	wrdreg s25  }
0x1e: {  	s0 =	sadd.s32 $0x46A00, s0;
	[dreg:$0x11] =	wrdreg s1  }
0x1f: {  	s19 =	sadd.s32 $0x7800, s16;
	[dreg:$0x13] =	wrdreg s0  }
0x20: {  	s20 =	sadd.s32 $0x8000, s16;
	[dreg:$0x1e] =	wrdreg s19  }
0x21: {  	s22 =	sadd.s32 $0x9000, s16;
	[dreg:$0x1f] =	wrdreg s20  }
0x22: {  	s11 =	sadd.s32 $0xD000, s16;
	[smem:$0x7E7] =	sst s22  }
0x23: {  	s12 =	sadd.s32 $0xD800, s16;
	[smem:$0x7EF] =	sst s11  }
0x24: {  	s13 =	sadd.s32 $0xE000, s16;
	[smem:$0x7F0] =	sst s12  }
0x25: {  	s14 =	sadd.s32 $0xE800, s16;
	[smem:$0x7F1] =	sst s13  }
0x26: {  	s15 =	sadd.s32 $0xF000, s16;
	[smem:$0x7F2] =	sst s14  }
0x27: {  	s17 =	sadd.s32 $0xF800, s16;
	[smem:$0x7F3] =	sst s15  }
0x28: {  	s18 =	sadd.s32 $0x10000, s16;
	[smem:$0x7F4] =	sst s17  }
0x29: {  	s28 =	simm.s32 $0x50;
	s21 =	sadd.s32 $0x11800, s16;
	[smem:$0x7F5] =	sst s18  }
0x2a: {  	s29 =	simm.s32 $0x400;
	s24 =	sadd.s32 $0x13000, s16;
	[smem:$0x7F8] =	sst s21  }
0x2b: {  	s31 =	simm.s32 $0x2;
	s1 =	sadd.s32 s2, s26;
	[smem:$0x7FB] =	sst s24  }
0x2c: {  	s30 =	simm.s32 $0xA;
	s10 =	sadd.s32 $0x3800, s16;
	[dreg:$0x12] =	wrdreg s1  }
0x2d: {  	s23 =	sadd.s32 $0x9800, s16;
	s25 =	sadd.s32 $0xA800, s16;
	[dreg:$0x16] =	wrdreg s10  }
0x2e: {  	s26 =	sadd.s32 $0xB000, s16;
	s19 =	sadd.s32 $0x10800, s16;
	[smem:$0x7E8] =	sst s23  }
0x2f: {  	s20 =	sadd.s32 $0x11000, s16;
	s22 =	sadd.s32 $0x12000, s16;
	[smem:$0x7EA] =	sst s25  }
0x30: {  	s18 =	simm.s32 $0xB;
	s21 =	simm.s32 $0x280;
	[smem:$0x7EB] =	sst s26  }
0x31: {  	s24 =	simm.s32 $0x380;
	s11 =	simm.s32 $0x5;
	[smem:$0x7F6] =	sst s19  }
0x32: {  	s12 =	simm.s32 $0x7;
	s13 =	simm.s32 $0x3;
	[smem:$0x7F7] =	sst s20  }
0x33: {  	s14 =	simm.s32 $0x28;
	s1 =	smax.u32 s4, $0x1;
	[smem:$0x7F9] =	sst s22  }
0x34: {  	s4 =	sadd.s32 $0x3000, s16;
	s10 =	sadd.s32 $0xC800, s16;
	[dreg:$0x14] =	wrdreg s1  }
0x35: {  	s23 =	sadd.s32 $0x12800, s16;
	s25 =	sadd.s32 $0x13800, s16;
	[dreg:$0x15] =	wrdreg s4  }
0x36: {  	s26 =	sadd.s32 $0xA0, s9;
	s19 =	simm.s32 $0x100;
	[smem:$0x7EE] =	sst s10  }
0x37: {  	s20 =	simm.s32 $0x200;
	s22 =	simm.s32 $0x8;
	[smem:$0x7FA] =	sst s23  }
0x38: {  	s1 =	sadd.s32 $0xB800, s16;
	s4 =	sadd.s32 $0xC000, s16;
	[smem:$0x7FC] =	sst s25  }
0x39: {  	[smem:$0x7FD] =	sst s26;
	s25 =	simm.s32 $0x300;
	s26 =	simm.s32 $0x1  }
0x3a: {  	s10 =	simm.s32 $0x9;
	s23 =	simm.s32 $0x4;
	[smem:$0x7EC] =	sst s1  }
0x3b: {  	v0 =	vimm.f32 $0.0e+00;
	[smem:$0x7ED] =	sst s4;
	s4 =	simm.s32 $0x6;
	s1 =	simm.s32 $0x0  }
.LBB2_1:
0x3c: {  	[smem:$0x7E5] =	sst s1;
	s1 =	simm.s32 $0x0;
	s15 =	simm.s32 $0x200  }
.LBB2_2:
0x3d: {  	p0 =	sne.s32 s15, $0x1E00;
	[tilespmem:s1+$0xA470] =	vst v0  }
0x3e: {  	[tilespmem:s1+$0xA400] =	vst v0  }
0x3f: {  	[tilespmem:s1+$0xA410] =	vst v0  }
.Ltmp0:
0x40: {  	[tilespmem:s1+$0xA420] =	vst v0;
	(pc) =	sbr.rel @p0 .LBB2_2-.Ltmp0, $4  }
0x41: {  	[tilespmem:s1+$0xA430] =	vst v0  }
0x42: {  	[tilespmem:s1+$0xA440] =	vst v0  }
0x43: {  	[tilespmem:s1+$0xA450] =	vst v0  }
0x44: {  	[tilespmem:s1+$0xA460] =	vst v0;
	s1 =	sshra.s32 s15, $0x2;
	s15 =	sadd.s32 $0x200, s15  }
0x45: {  	[tilespmem:s1+$0xA470] =	vst v0  }
0x46: {  	[tilespmem:s1+$0xA400] =	vst v0  }
0x47: {  	[tilespmem:s1+$0xA410] =	vst v0  }
0x48: {  	[tilespmem:s1+$0xA420] =	vst v0  }
0x49: {  	[tilespmem:s1+$0xA430] =	vst v0  }
0x4a: {  	[tilespmem:s1+$0xA440] =	vst v0  }
0x4b: {  	[tilespmem:s1+$0xA450] =	vst v0  }
0x4c: {  	[tilespmem:s1+$0xA460] =	vst v0;
	s1 =	simm.s32 $0xA400  }
0x4d: {  	[spmem:s16] =	stream.linear.scatter [tilespmem:s1], [sflag:$0xB], $0x800, $0x38;
	[tilespmem:$0x1EC00] =	vst v63  }
0x4e: {  	_ =	swait.ge [sflag:s18], $0x800  }
0x4f: {  	[sflag:s18] =	ssyncset.done $0x0  }
0x50: {  	s0 =	rddreg [dreg:$0x6];
	[sflag:s18] =	ssyncadd.s32 $0xFFFFF800  }
0x51: {  	[spmem:s0] =	stream.linear.scatter [tilespmem:s1], [sflag:$0xB], $0x800, $0x38;
	[tilespmem:$0x1EC00] =	vst v63  }
0x52: {  	_ =	swait.ge [sflag:s18], $0x800  }
0x53: {  	[sflag:s18] =	ssyncset.done $0x0  }
0x54: {  	s16 =	rddreg [dreg:$0x7];
	[sflag:s18] =	ssyncadd.s32 $0xFFFFF800  }
0x55: {  	[spmem:s16] =	stream.linear.scatter [tilespmem:s1], [sflag:$0xB], $0x800, $0x38;
	[tilespmem:$0x1EC00] =	vst v63  }
0x56: {  	_ =	swait.ge [sflag:s18], $0x800  }
0x57: {  	[sflag:s18] =	ssyncset.done $0x0  }
0x58: {  	s17 =	rddreg [dreg:$0x8];
	[sflag:s18] =	ssyncadd.s32 $0xFFFFF800  }
0x59: {  	[spmem:s17] =	stream.linear.scatter [tilespmem:s1], [sflag:$0xB], $0x800, $0x38;
	[tilespmem:$0x1EC00] =	vst v63  }
0x5a: {  	_ =	swait.ge [sflag:s18], $0x800  }
0x5b: {  	[sflag:s18] =	ssyncset.done $0x0  }
0x5c: {  	s15 =	rddreg [dreg:$0x9];
	[sflag:s18] =	ssyncadd.s32 $0xFFFFF800  }
0x5d: {  	[spmem:s15] =	stream.linear.scatter [tilespmem:s1], [sflag:$0xB], $0x800, $0x38;
	[tilespmem:$0x1EC00] =	vst v63  }
0x5e: {  	_ =	swait.ge [sflag:s18], $0x800  }
0x5f: {  	[sflag:s18] =	ssyncset.done $0x0  }
0x60: {  	s16 =	rddreg [dreg:$0xa];
	[sflag:s18] =	ssyncadd.s32 $0xFFFFF800  }
0x61: {  	[spmem:s16] =	stream.linear.scatter [tilespmem:s1], [sflag:$0xB], $0x800, $0x38;
	[tilespmem:$0x1EC00] =	vst v63  }
0x62: {  	_ =	swait.ge [sflag:s18], $0x800  }
0x63: {  	[sflag:s18] =	ssyncset.done $0x0  }
0x64: {  	s17 =	rddreg [dreg:$0x15];
	[sflag:s18] =	ssyncadd.s32 $0xFFFFF800  }
0x65: {  	[spmem:s17] =	stream.linear.scatter [tilespmem:s1], [sflag:$0xB], $0x800, $0x38;
	[tilespmem:$0x1EC00] =	vst v63  }
0x66: {  	_ =	swait.ge [sflag:s18], $0x800  }
0x67: {  	[sflag:s18] =	ssyncset.done $0x0  }
0x68: {  	s15 =	rddreg [dreg:$0x16];
	[sflag:s18] =	ssyncadd.s32 $0xFFFFF800  }
0x69: {  	[spmem:s15] =	stream.linear.scatter [tilespmem:s1], [sflag:$0xB], $0x800, $0x38;
	[tilespmem:$0x1EC00] =	vst v63  }
0x6a: {  	_ =	swait.ge [sflag:s18], $0x800  }
0x6b: {  	[sflag:s18] =	ssyncset.done $0x0  }
0x6c: {  	s16 =	rddreg [dreg:$0x17];
	[sflag:s18] =	ssyncadd.s32 $0xFFFFF800  }
0x6d: {  	[spmem:s16] =	stream.linear.scatter [tilespmem:s1], [sflag:$0xB], $0x800, $0x38;
	[tilespmem:$0x1EC00] =	vst v63  }
0x6e: {  	_ =	swait.ge [sflag:s18], $0x800  }
0x6f: {  	[sflag:s18] =	ssyncset.done $0x0  }
0x70: {  	s17 =	rddreg [dreg:$0x18];
	[sflag:s18] =	ssyncadd.s32 $0xFFFFF800  }
0x71: {  	[spmem:s17] =	stream.linear.scatter [tilespmem:s1], [sflag:$0xB], $0x800, $0x38;
	[tilespmem:$0x1EC00] =	vst v63  }
0x72: {  	_ =	swait.ge [sflag:s18], $0x800  }
0x73: {  	[sflag:s18] =	ssyncset.done $0x0  }
0x74: {  	s15 =	rddreg [dreg:$0x19];
	[sflag:s18] =	ssyncadd.s32 $0xFFFFF800  }
0x75: {  	[spmem:s15] =	stream.linear.scatter [tilespmem:s1], [sflag:$0xB], $0x800, $0x38;
	[tilespmem:$0x1EC00] =	vst v63  }
0x76: {  	_ =	swait.ge [sflag:s18], $0x800  }
0x77: {  	[sflag:s18] =	ssyncset.done $0x0  }
0x78: {  	s16 =	rddreg [dreg:$0x1a];
	[sflag:s18] =	ssyncadd.s32 $0xFFFFF800  }
0x79: {  	[spmem:s16] =	stream.linear.scatter [tilespmem:s1], [sflag:$0xB], $0x800, $0x38;
	[tilespmem:$0x1EC00] =	vst v63  }
0x7a: {  	_ =	swait.ge [sflag:s18], $0x800  }
0x7b: {  	[sflag:s18] =	ssyncset.done $0x0  }
0x7c: {  	s17 =	rddreg [dreg:$0x1b];
	[sflag:s18] =	ssyncadd.s32 $0xFFFFF800  }
0x7d: {  	[spmem:s17] =	stream.linear.scatter [tilespmem:s1], [sflag:$0xB], $0x800, $0x38;
	[tilespmem:$0x1EC00] =	vst v63  }
0x7e: {  	_ =	swait.ge [sflag:s18], $0x800  }
0x7f: {  	[sflag:s18] =	ssyncset.done $0x0  }
0x80: {  	s15 =	rddreg [dreg:$0x1c];
	[sflag:s18] =	ssyncadd.s32 $0xFFFFF800  }
0x81: {  	[spmem:s15] =	stream.linear.scatter [tilespmem:s1], [sflag:$0xB], $0x800, $0x38;
	[tilespmem:$0x1EC00] =	vst v63  }
0x82: {  	_ =	swait.ge [sflag:s18], $0x800  }
0x83: {  	[sflag:s18] =	ssyncset.done $0x0  }
0x84: {  	s16 =	rddreg [dreg:$0x1d];
	[sflag:s18] =	ssyncadd.s32 $0xFFFFF800  }
0x85: {  	[spmem:s16] =	stream.linear.scatter [tilespmem:s1], [sflag:$0xB], $0x800, $0x38;
	[tilespmem:$0x1EC00] =	vst v63  }
0x86: {  	_ =	swait.ge [sflag:s18], $0x800  }
0x87: {  	[sflag:s18] =	ssyncset.done $0x0  }
0x88: {  	s17 =	rddreg [dreg:$0x1e];
	[sflag:s18] =	ssyncadd.s32 $0xFFFFF800  }
0x89: {  	[spmem:s17] =	stream.linear.scatter [tilespmem:s1], [sflag:$0xB], $0x800, $0x38;
	[tilespmem:$0x1EC00] =	vst v63  }
0x8a: {  	_ =	swait.ge [sflag:s18], $0x800  }
0x8b: {  	[sflag:s18] =	ssyncset.done $0x0  }
0x8c: {  	s15 =	rddreg [dreg:$0x1f];
	[sflag:s18] =	ssyncadd.s32 $0xFFFFF800  }
0x8d: {  	[spmem:s15] =	stream.linear.scatter [tilespmem:s1], [sflag:$0xB], $0x800, $0x38;
	[tilespmem:$0x1EC00] =	vst v63  }
0x8e: {  	_ =	swait.ge [sflag:s18], $0x800  }
0x8f: {  	s16 =	sld [smem:$0x7E6]  }
0x90: {  	[sflag:s18] =	ssyncset.done $0x0  }
0x91: {  	[sflag:s18] =	ssyncadd.s32 $0xFFFFF800  }
0x92: {  	[spmem:s16] =	stream.linear.scatter [tilespmem:s1], [sflag:$0xB], $0x800, $0x38;
	[tilespmem:$0x1EC00] =	vst v63  }
0x93: {  	_ =	swait.ge [sflag:s18], $0x800  }
0x94: {  	s17 =	sld [smem:$0x7E7]  }
0x95: {  	[sflag:s18] =	ssyncset.done $0x0  }
0x96: {  	[sflag:s18] =	ssyncadd.s32 $0xFFFFF800  }
0x97: {  	[spmem:s17] =	stream.linear.scatter [tilespmem:s1], [sflag:$0xB], $0x800, $0x38;
	[tilespmem:$0x1EC00] =	vst v63  }
0x98: {  	_ =	swait.ge [sflag:s18], $0x800  }
0x99: {  	s15 =	sld [smem:$0x7E8]  }
0x9a: {  	[sflag:s18] =	ssyncset.done $0x0  }
0x9b: {  	[sflag:s18] =	ssyncadd.s32 $0xFFFFF800  }
0x9c: {  	[spmem:s15] =	stream.linear.scatter [tilespmem:s1], [sflag:$0xB], $0x800, $0x38;
	[tilespmem:$0x1EC00] =	vst v63  }
0x9d: {  	_ =	swait.ge [sflag:s18], $0x800  }
0x9e: {  	s16 =	sld [smem:$0x7E9]  }
0x9f: {  	[sflag:s18] =	ssyncset.done $0x0  }
0xa0: {  	[sflag:s18] =	ssyncadd.s32 $0xFFFFF800  }
0xa1: {  	[spmem:s16] =	stream.linear.scatter [tilespmem:s1], [sflag:$0xB], $0x800, $0x38;
	[tilespmem:$0x1EC00] =	vst v63  }
0xa2: {  	_ =	swait.ge [sflag:s18], $0x800  }
0xa3: {  	s17 =	sld [smem:$0x7EA]  }
0xa4: {  	[sflag:s18] =	ssyncset.done $0x0  }
0xa5: {  	[sflag:s18] =	ssyncadd.s32 $0xFFFFF800  }
0xa6: {  	[spmem:s17] =	stream.linear.scatter [tilespmem:s1], [sflag:$0xB], $0x800, $0x38;
	[tilespmem:$0x1EC00] =	vst v63  }
0xa7: {  	_ =	swait.ge [sflag:s18], $0x800  }
0xa8: {  	s15 =	sld [smem:$0x7EB]  }
0xa9: {  	[sflag:s18] =	ssyncset.done $0x0  }
0xaa: {  	[sflag:s18] =	ssyncadd.s32 $0xFFFFF800  }
0xab: {  	[spmem:s15] =	stream.linear.scatter [tilespmem:s1], [sflag:$0xB], $0x800, $0x38;
	[tilespmem:$0x1EC00] =	vst v63  }
0xac: {  	_ =	swait.ge [sflag:s18], $0x800  }
0xad: {  	s16 =	sld [smem:$0x7EC]  }
0xae: {  	[sflag:s18] =	ssyncset.done $0x0  }
0xaf: {  	[sflag:s18] =	ssyncadd.s32 $0xFFFFF800  }
0xb0: {  	[spmem:s16] =	stream.linear.scatter [tilespmem:s1], [sflag:$0xB], $0x800, $0x38;
	[tilespmem:$0x1EC00] =	vst v63  }
0xb1: {  	_ =	swait.ge [sflag:s18], $0x800  }
0xb2: {  	s17 =	sld [smem:$0x7ED]  }
0xb3: {  	[sflag:s18] =	ssyncset.done $0x0  }
0xb4: {  	[sflag:s18] =	ssyncadd.s32 $0xFFFFF800  }
0xb5: {  	[spmem:s17] =	stream.linear.scatter [tilespmem:s1], [sflag:$0xB], $0x800, $0x38;
	[tilespmem:$0x1EC00] =	vst v63  }
0xb6: {  	_ =	swait.ge [sflag:s18], $0x800  }
0xb7: {  	s15 =	sld [smem:$0x7EE]  }
0xb8: {  	[sflag:s18] =	ssyncset.done $0x0  }
0xb9: {  	[sflag:s18] =	ssyncadd.s32 $0xFFFFF800  }
0xba: {  	[spmem:s15] =	stream.linear.scatter [tilespmem:s1], [sflag:$0xB], $0x800, $0x38;
	[tilespmem:$0x1EC00] =	vst v63  }
0xbb: {  	_ =	swait.ge [sflag:s18], $0x800  }
0xbc: {  	s16 =	sld [smem:$0x7EF]  }
0xbd: {  	[sflag:s18] =	ssyncset.done $0x0  }
0xbe: {  	[sflag:s18] =	ssyncadd.s32 $0xFFFFF800  }
0xbf: {  	[spmem:s16] =	stream.linear.scatter [tilespmem:s1], [sflag:$0xB], $0x800, $0x38;
	[tilespmem:$0x1EC00] =	vst v63  }
0xc0: {  	_ =	swait.ge [sflag:s18], $0x800  }
0xc1: {  	s17 =	sld [smem:$0x7F0]  }
0xc2: {  	[sflag:s18] =	ssyncset.done $0x0  }
0xc3: {  	[sflag:s18] =	ssyncadd.s32 $0xFFFFF800  }
0xc4: {  	[spmem:s17] =	stream.linear.scatter [tilespmem:s1], [sflag:$0xB], $0x800, $0x38;
	[tilespmem:$0x1EC00] =	vst v63  }
0xc5: {  	_ =	swait.ge [sflag:s18], $0x800  }
0xc6: {  	s15 =	sld [smem:$0x7F1]  }
0xc7: {  	[sflag:s18] =	ssyncset.done $0x0  }
0xc8: {  	[sflag:s18] =	ssyncadd.s32 $0xFFFFF800  }
0xc9: {  	[spmem:s15] =	stream.linear.scatter [tilespmem:s1], [sflag:$0xB], $0x800, $0x38;
	[tilespmem:$0x1EC00] =	vst v63  }
0xca: {  	_ =	swait.ge [sflag:s18], $0x800  }
0xcb: {  	s16 =	sld [smem:$0x7F2]  }
0xcc: {  	[sflag:s18] =	ssyncset.done $0x0  }
0xcd: {  	[sflag:s18] =	ssyncadd.s32 $0xFFFFF800  }
0xce: {  	[spmem:s16] =	stream.linear.scatter [tilespmem:s1], [sflag:$0xB], $0x800, $0x38;
	[tilespmem:$0x1EC00] =	vst v63  }
0xcf: {  	_ =	swait.ge [sflag:s18], $0x800  }
0xd0: {  	s17 =	sld [smem:$0x7F3]  }
0xd1: {  	[sflag:s18] =	ssyncset.done $0x0  }
0xd2: {  	[sflag:s18] =	ssyncadd.s32 $0xFFFFF800  }
0xd3: {  	[spmem:s17] =	stream.linear.scatter [tilespmem:s1], [sflag:$0xB], $0x800, $0x38;
	[tilespmem:$0x1EC00] =	vst v63  }
0xd4: {  	_ =	swait.ge [sflag:s18], $0x800  }
0xd5: {  	s15 =	sld [smem:$0x7F4]  }
0xd6: {  	[sflag:s18] =	ssyncset.done $0x0  }
0xd7: {  	[sflag:s18] =	ssyncadd.s32 $0xFFFFF800  }
0xd8: {  	[spmem:s15] =	stream.linear.scatter [tilespmem:s1], [sflag:$0xB], $0x800, $0x38;
	[tilespmem:$0x1EC00] =	vst v63  }
0xd9: {  	_ =	swait.ge [sflag:s18], $0x800  }
0xda: {  	s16 =	sld [smem:$0x7F5]  }
0xdb: {  	[sflag:s18] =	ssyncset.done $0x0  }
0xdc: {  	[sflag:s18] =	ssyncadd.s32 $0xFFFFF800  }
0xdd: {  	[spmem:s16] =	stream.linear.scatter [tilespmem:s1], [sflag:$0xB], $0x800, $0x38;
	[tilespmem:$0x1EC00] =	vst v63  }
0xde: {  	_ =	swait.ge [sflag:s18], $0x800  }
0xdf: {  	s17 =	sld [smem:$0x7F6]  }
0xe0: {  	[sflag:s18] =	ssyncset.done $0x0  }
0xe1: {  	[sflag:s18] =	ssyncadd.s32 $0xFFFFF800  }
0xe2: {  	[spmem:s17] =	stream.linear.scatter [tilespmem:s1], [sflag:$0xB], $0x800, $0x38;
	[tilespmem:$0x1EC00] =	vst v63  }
0xe3: {  	_ =	swait.ge [sflag:s18], $0x800  }
0xe4: {  	s15 =	sld [smem:$0x7F7]  }
0xe5: {  	[sflag:s18] =	ssyncset.done $0x0  }
0xe6: {  	[sflag:s18] =	ssyncadd.s32 $0xFFFFF800  }
0xe7: {  	[spmem:s15] =	stream.linear.scatter [tilespmem:s1], [sflag:$0xB], $0x800, $0x38;
	[tilespmem:$0x1EC00] =	vst v63  }
0xe8: {  	_ =	swait.ge [sflag:s18], $0x800  }
0xe9: {  	s16 =	sld [smem:$0x7F8]  }
0xea: {  	[sflag:s18] =	ssyncset.done $0x0  }
0xeb: {  	[sflag:s18] =	ssyncadd.s32 $0xFFFFF800  }
0xec: {  	[spmem:s16] =	stream.linear.scatter [tilespmem:s1], [sflag:$0xB], $0x800, $0x38;
	[tilespmem:$0x1EC00] =	vst v63  }
0xed: {  	_ =	swait.ge [sflag:s18], $0x800  }
0xee: {  	s17 =	sld [smem:$0x7F9]  }
0xef: {  	[sflag:s18] =	ssyncset.done $0x0  }
0xf0: {  	[sflag:s18] =	ssyncadd.s32 $0xFFFFF800  }
0xf1: {  	[spmem:s17] =	stream.linear.scatter [tilespmem:s1], [sflag:$0xB], $0x800, $0x38;
	[tilespmem:$0x1EC00] =	vst v63  }
0xf2: {  	_ =	swait.ge [sflag:s18], $0x800  }
0xf3: {  	s15 =	sld [smem:$0x7FA]  }
0xf4: {  	[sflag:s18] =	ssyncset.done $0x0  }
0xf5: {  	[sflag:s18] =	ssyncadd.s32 $0xFFFFF800  }
0xf6: {  	[spmem:s15] =	stream.linear.scatter [tilespmem:s1], [sflag:$0xB], $0x800, $0x38;
	[tilespmem:$0x1EC00] =	vst v63  }
0xf7: {  	_ =	swait.ge [sflag:s18], $0x800  }
0xf8: {  	s16 =	sld [smem:$0x7FB]  }
0xf9: {  	[sflag:s18] =	ssyncset.done $0x0  }
0xfa: {  	[sflag:s18] =	ssyncadd.s32 $0xFFFFF800  }
0xfb: {  	[spmem:s16] =	stream.linear.scatter [tilespmem:s1], [sflag:$0xB], $0x800, $0x38;
	[tilespmem:$0x1EC00] =	vst v63  }
0xfc: {  	_ =	swait.ge [sflag:s18], $0x800  }
0xfd: {  	s17 =	sld [smem:$0x7FC]  }
0xfe: {  	[sflag:s18] =	ssyncset.done $0x0  }
0xff: {  	[sflag:s18] =	ssyncadd.s32 $0xFFFFF800  }
0x100: {  	[spmem:s17] =	stream.linear.scatter [tilespmem:s1], [sflag:$0xB], $0x800, $0x38;
	[tilespmem:$0x1EC00] =	vst v63  }
0x101: {  	_ =	swait.ge [sflag:s18], $0x800  }
0x102: {  	[sflag:s18] =	ssyncset.done $0x0  }
0x103: {  	[sflag:s18] =	ssyncadd.s32 $0xFFFFF800  }
0x104: {  	[bflag:$0x0] =	sbarrier.arrive $0xFFFF  }
0x105: {  	s15 =	simm.s32 $0x0;
	s1 =	rddreg [dreg:$0xb]  }
0x106: {  	[tilespmem:s15], [sflag:$0x1] =	stream.linear.gather [hbm4b:s1+s15], $0x50, $0x38;
	[tilespmem:$0x1EC00] =	vst v63  }
0x107: {  	s16 =	rddreg [dreg:$0xc]  }
0x108: {  	[tilespmem:s19], [sflag:$0x1] =	stream.linear.gather [hbm4b:s16+s15], $0x50, $0x38;
	[tilespmem:$0x1EC00] =	vst v63  }
0x109: {  	s17 =	rddreg [dreg:$0xd]  }
0x10a: {  	[tilespmem:s20], [sflag:$0x3] =	stream.linear.gather [hbm4b:s17+s15], $0x28, $0x38;
	[tilespmem:$0x1EC00] =	vst v63  }
0x10b: {  	s1 =	rddreg [dreg:$0xe]  }
0x10c: {  	[tilespmem:s21], [sflag:$0x3] =	stream.linear.gather [hbm4b:s1+s15], $0x28, $0x38;
	[tilespmem:$0x1EC00] =	vst v63  }
0x10d: {  	s16 =	rddreg [dreg:$0xf];
	s1 =	simm.s32 $0x80  }
0x10e: {  	[tilespmem:s1], [sflag:$0x2] =	stream.linear.gather [hbm4b:s16+s15], $0x50, $0x38;
	[tilespmem:$0x1EC00] =	vst v63  }
0x10f: {  	s17 =	rddreg [dreg:$0x10];
	s16 =	simm.s32 $0x180  }
0x110: {  	[tilespmem:s16], [sflag:$0x2] =	stream.linear.gather [hbm4b:s17+s15], $0x50, $0x38;
	[tilespmem:$0x1EC00] =	vst v63  }
0x111: {  	s17 =	rddreg [dreg:$0x11]  }
0x112: {  	[tilespmem:s25], [sflag:$0x4] =	stream.linear.gather [hbm4b:s17+s15], $0x28, $0x38;
	[tilespmem:$0x1EC00] =	vst v63  }
0x113: {  	s17 =	rddreg [dreg:$0x12]  }
0x114: {  	[tilespmem:s24], [sflag:$0x4] =	stream.linear.gather [hbm4b:s17+s15], $0x28, $0x38;
	[tilespmem:$0x1EC00] =	vst v63  }
0x115: {  	_ =	swait.ge [sflag:s26], $0x50  }
0x116: {  	[sflag:s26] =	ssyncset.done $0x0  }
0x117: {  	[sflag:s26] =	ssyncadd.s32 $0xFFFFFFB0  }
0x118: {  	_ =	swait.ge [sflag:s26], $0x50  }
0x119: {  	[sflag:s26] =	ssyncset.done $0x0  }
0x11a: {  	[sflag:s26] =	ssyncadd.s32 $0xFFFFFFB0  }
0x11b: {  	s25 =	rddreg [dreg:$0x0]  }
0x11c: {  	[tilespmem:s29], [sflag:$0x5] =	stream.indirect.gather [hbm4b:s25+s28], $0x80, s15, s28, $0xb8;
	[tilespmem:$0x1EC00] =	vst v63  }
0x11d: {  	s17 =	simm.s32 $0x5400  }
0x11e: {  	[tilespmem:s17], [sflag:$0x7] =	stream.indirect.gather [hbm4b:s6+s28], $0x80, s19, s28, $0xb8;
	[tilespmem:$0x1EC00] =	vst v63  }
0x11f: {  	_ =	swait.ge [sflag:s31], $0x50  }
0x120: {  	[sflag:s31] =	ssyncset.done $0x0  }
0x121: {  	[sflag:s31] =	ssyncadd.s32 $0xFFFFFFB0  }
0x122: {  	_ =	swait.ge [sflag:s31], $0x50  }
0x123: {  	[sflag:s31] =	ssyncset.done $0x0  }
0x124: {  	s24 =	simm.s32 $0x2C00;
	[sflag:s31] =	ssyncadd.s32 $0xFFFFFFB0  }
0x125: {  	[tilespmem:s24], [sflag:$0x6] =	stream.indirect.gather [hbm4b:s25+s28], $0x80, s1, s28, $0xb8;
	[tilespmem:$0x1EC00] =	vst v63  }
0x126: {  	s17 =	simm.s32 $0x0;
	s25 =	simm.s32 $0x7C00  }
0x127: {  	[tilespmem:s25], [sflag:$0x8] =	stream.indirect.gather [hbm4b:s6+s28], $0x80, s16, s28, $0xb8;
	[tilespmem:$0x1EC00] =	vst v63  }
.LBB2_4:
0x128: {  	_ =	swait.ge [sflag:s11], $0x2800  }
0x129: {  	[sflag:s11] =	ssyncset.done $0x0  }
0x12a: {  	[sflag:s11] =	ssyncadd.s32 $0xFFFFD800  }
0x12b: {  	_ =	swait.ge [sflag:s12], $0x2800  }
0x12c: {  	s0 =	sld [smem:$0x7FD]  }
0x12d: {  	s1 =	smul.u32 $0xA0, s17;
	_ =	sdelay $0x1  }
0x12e: {  	s1 =	sadd.s32 s1, s0  }
0x12f: {  	[sflag:s12] =	ssyncset.done $0x0;
	s16 =	sshrl.u32 s1, $0x3  }
0x130: {  	[sflag:s12] =	ssyncadd.s32 $0xFFFFD800;
	s24 =	sadd.s32 s7, s16  }
0x131: {  	[tilespmem:s15], [sflag:$0x1] =	stream.linear.gather [hbm4b:s24+s15], $0x50, $0x38;
	[tilespmem:$0x1EC00] =	vst v63  }
0x132: {  	s25 =	sadd.s32 s8, s16;
	s24 =	simm.s32 $0x0  }
0x133: {  	[tilespmem:s19], [sflag:$0x1] =	stream.linear.gather [hbm4b:s25+s15], $0x50, $0x38;
	[tilespmem:$0x1EC00] =	vst v63  }
0x134: {  	v8 =	vld [tilespmem:s24+$0x5400]  }
0x135: {  	v12 =	vld [tilespmem:s24+$0x5410]  }
0x136: {  	v6 =	vld [tilespmem:s24+$0x5420]  }
0x137: {  	v5 =	vld [tilespmem:s24+$0x5430]  }
0x138: {  	v4 =	vld [tilespmem:s24+$0x5440]  }
0x139: {  	v3 =	vld [tilespmem:s24+$0x5450]  }
0x13a: {  	v2 =	vld [tilespmem:s24+$0x5460]  }
0x13b: {  	v1 =	vld [tilespmem:s24+$0x5470]  }
0x13c: {  	v13 =	vld [tilespmem:s24+$0x400]  }
0x13d: {  	v14 =	vld [tilespmem:s24+$0x410]  }
0x13e: {  	v11 =	vld [tilespmem:s24+$0x420]  }
0x13f: {  	v10 =	vld [tilespmem:s24+$0x430]  }
0x140: {  	v9 =	vld [tilespmem:s24+$0x440]  }
0x141: {  	v7 =	vld [tilespmem:s24+$0x450];
	v13 =	vmul.f32 v8, v13  }
0x142: {  	s25 =	simm.s32 $0x200;
	v12 =	vmul.f32 v12, v14;
	v8 =	vld [tilespmem:s24+$0x460]  }
.LBB2_5:
0x143: {  	s0 =	sshra.s32 s25, $0x2;
	p0 =	sne.s32 s25, $0x4E00;
	[tilespmem:s24+$0x400] =	vst v13;
	v6 =	vmul.f32 v6, v11;
	v11 =	vld [tilespmem:s24+$0x470]  }
0x144: {  	v13 =	vld [tilespmem:s0+$0x5400];
	[tilespmem:s24+$0x410] =	vst v12;
	v5 =	vmul.f32 v5, v10  }
0x145: {  	v12 =	vld [tilespmem:s0+$0x5410];
	[tilespmem:s24+$0x420] =	vst v6;
	v4 =	vmul.f32 v4, v9  }
0x146: {  	v6 =	vld [tilespmem:s0+$0x5420];
	[tilespmem:s24+$0x430] =	vst v5;
	v3 =	vmul.f32 v3, v7  }
0x147: {  	v5 =	vld [tilespmem:s0+$0x5430];
	[tilespmem:s24+$0x440] =	vst v4;
	v2 =	vmul.f32 v2, v8  }
0x148: {  	v4 =	vld [tilespmem:s0+$0x5440];
	[tilespmem:s24+$0x450] =	vst v3;
	v1 =	vmul.f32 v1, v11  }
0x149: {  	v3 =	vld [tilespmem:s0+$0x5450];
	[tilespmem:s24+$0x460] =	vst v2  }
0x14a: {  	v2 =	vld [tilespmem:s0+$0x5460];
	[tilespmem:s24+$0x470] =	vst v1;
	s24 =	smov.u32 s0  }
0x14b: {  	v1 =	vld [tilespmem:s24+$0x5470]  }
0x14c: {  	v7 =	vld [tilespmem:s24+$0x400]  }
0x14d: {  	v8 =	vld [tilespmem:s24+$0x410]  }
.Ltmp1:
0x14e: {  	v11 =	vld [tilespmem:s24+$0x420];
	(pc) =	sbr.rel @p0 .LBB2_5-.Ltmp1, $4  }
0x14f: {  	v10 =	vld [tilespmem:s24+$0x430]  }
0x150: {  	v9 =	vld [tilespmem:s24+$0x440]  }
0x151: {  	v13 =	vmul.f32 v13, v7;
	v7 =	vld [tilespmem:s24+$0x450]  }
0x152: {  	s25 =	sadd.s32 $0x200, s25;
	v12 =	vmul.f32 v12, v8;
	v8 =	vld [tilespmem:s24+$0x460]  }
0x153: {  	[tilespmem:s24+$0x400] =	vst v13;
	v6 =	vmul.f32 v6, v11;
	v11 =	vld [tilespmem:s24+$0x470]  }
0x154: {  	[tilespmem:s24+$0x410] =	vst v12;
	v5 =	vmul.f32 v5, v10  }
0x155: {  	[tilespmem:s24+$0x420] =	vst v6;
	v4 =	vmul.f32 v4, v9  }
0x156: {  	[tilespmem:s24+$0x430] =	vst v5;
	v3 =	vmul.f32 v3, v7  }
0x157: {  	[tilespmem:s24+$0x440] =	vst v4;
	v2 =	vmul.f32 v2, v8  }
0x158: {  	[tilespmem:s24+$0x450] =	vst v3;
	v1 =	vmul.f32 v1, v11  }
0x159: {  	[tilespmem:s24+$0x460] =	vst v2  }
0x15a: {  	[tilespmem:s24+$0x470] =	vst v1  }
0x15b: {  	_ =	swait.ge [sflag:s13], $0x28  }
0x15c: {  	[sflag:s13] =	ssyncset.done $0x0  }
0x15d: {  	[sflag:s13] =	ssyncadd.s32 $0xFFFFFFD8  }
0x15e: {  	_ =	swait.ge [sflag:s13], $0x28  }
0x15f: {  	[sflag:s13] =	ssyncset.done $0x0  }
0x160: {  	s24 =	simm.s32 $0x0;
	[sflag:s13] =	ssyncadd.s32 $0xFFFFFFD8  }
0x161: {  	[spmem:s3] =	stream.indirect.scatter.add.f32 [tilespmem:s29], [sflag:$0x9], $0x80, s20, s14, $0xb8;
	[tilespmem:$0x1EC00] =	vst v63  }
0x162: {  	v8 =	vld [tilespmem:s24+$0x6800]  }
0x163: {  	v12 =	vld [tilespmem:s24+$0x6810]  }
0x164: {  	v6 =	vld [tilespmem:s24+$0x6820]  }
0x165: {  	v5 =	vld [tilespmem:s24+$0x6830]  }
0x166: {  	v4 =	vld [tilespmem:s24+$0x6840]  }
0x167: {  	v3 =	vld [tilespmem:s24+$0x6850]  }
0x168: {  	v2 =	vld [tilespmem:s24+$0x6860]  }
0x169: {  	v1 =	vld [tilespmem:s24+$0x6870]  }
0x16a: {  	v13 =	vld [tilespmem:s24+$0x1800]  }
0x16b: {  	v14 =	vld [tilespmem:s24+$0x1810]  }
0x16c: {  	v11 =	vld [tilespmem:s24+$0x1820]  }
0x16d: {  	v10 =	vld [tilespmem:s24+$0x1830]  }
0x16e: {  	v9 =	vld [tilespmem:s24+$0x1840]  }
0x16f: {  	v7 =	vld [tilespmem:s24+$0x1850];
	v13 =	vmul.f32 v8, v13  }
0x170: {  	s25 =	simm.s32 $0x200;
	v12 =	vmul.f32 v12, v14;
	v8 =	vld [tilespmem:s24+$0x1860]  }
.LBB2_7:
0x171: {  	s0 =	sshra.s32 s25, $0x2;
	p0 =	sne.s32 s25, $0x4E00;
	[tilespmem:s24+$0x1800] =	vst v13;
	v6 =	vmul.f32 v6, v11;
	v11 =	vld [tilespmem:s24+$0x1870]  }
0x172: {  	v13 =	vld [tilespmem:s0+$0x6800];
	[tilespmem:s24+$0x1810] =	vst v12;
	v5 =	vmul.f32 v5, v10  }
0x173: {  	v12 =	vld [tilespmem:s0+$0x6810];
	[tilespmem:s24+$0x1820] =	vst v6;
	v4 =	vmul.f32 v4, v9  }
0x174: {  	v6 =	vld [tilespmem:s0+$0x6820];
	[tilespmem:s24+$0x1830] =	vst v5;
	v3 =	vmul.f32 v3, v7  }
0x175: {  	v5 =	vld [tilespmem:s0+$0x6830];
	[tilespmem:s24+$0x1840] =	vst v4;
	v2 =	vmul.f32 v2, v8  }
0x176: {  	v4 =	vld [tilespmem:s0+$0x6840];
	[tilespmem:s24+$0x1850] =	vst v3;
	v1 =	vmul.f32 v1, v11  }
0x177: {  	v3 =	vld [tilespmem:s0+$0x6850];
	[tilespmem:s24+$0x1860] =	vst v2  }
0x178: {  	v2 =	vld [tilespmem:s0+$0x6860];
	[tilespmem:s24+$0x1870] =	vst v1;
	s24 =	smov.u32 s0  }
0x179: {  	v1 =	vld [tilespmem:s24+$0x6870]  }
0x17a: {  	v7 =	vld [tilespmem:s24+$0x1800]  }
0x17b: {  	v8 =	vld [tilespmem:s24+$0x1810]  }
.Ltmp2:
0x17c: {  	v11 =	vld [tilespmem:s24+$0x1820];
	(pc) =	sbr.rel @p0 .LBB2_7-.Ltmp2, $4  }
0x17d: {  	v10 =	vld [tilespmem:s24+$0x1830]  }
0x17e: {  	v9 =	vld [tilespmem:s24+$0x1840]  }
0x17f: {  	v13 =	vmul.f32 v13, v7;
	v7 =	vld [tilespmem:s24+$0x1850]  }
0x180: {  	s25 =	sadd.s32 $0x200, s25;
	v12 =	vmul.f32 v12, v8;
	v8 =	vld [tilespmem:s24+$0x1860]  }
0x181: {  	[tilespmem:s24+$0x1800] =	vst v13;
	v6 =	vmul.f32 v6, v11;
	v11 =	vld [tilespmem:s24+$0x1870]  }
0x182: {  	[tilespmem:s24+$0x1810] =	vst v12;
	v5 =	vmul.f32 v5, v10  }
0x183: {  	[tilespmem:s24+$0x1820] =	vst v6;
	v4 =	vmul.f32 v4, v9  }
0x184: {  	[tilespmem:s24+$0x1830] =	vst v5;
	v3 =	vmul.f32 v3, v7  }
0x185: {  	[tilespmem:s24+$0x1840] =	vst v4;
	v2 =	vmul.f32 v2, v8  }
0x186: {  	[tilespmem:s24+$0x1850] =	vst v3;
	v1 =	vmul.f32 v1, v11  }
0x187: {  	[tilespmem:s24+$0x1860] =	vst v2  }
0x188: {  	s0 =	simm.s32 $0x1800;
	[tilespmem:s24+$0x1870] =	vst v1  }
0x189: {  	[spmem:s3] =	stream.indirect.scatter.add.f32 [tilespmem:s0], [sflag:$0x9], $0x80, s21, s14, $0xb8;
	[tilespmem:$0x1EC00] =	vst v63  }
0x18a: {  	_ =	swait.ge [sflag:s10], $0x1400  }
0x18b: {  	[sflag:s10] =	ssyncset.done $0x0  }
0x18c: {  	[sflag:s10] =	ssyncadd.s32 $0xFFFFEC00  }
0x18d: {  	_ =	swait.ge [sflag:s10], $0x1400  }
0x18e: {  	s1 =	sadd.s32 $0x28, s1;
	[sflag:s10] =	ssyncset.done $0x0  }
0x18f: {  	s25 =	sadd.s32 s2, s16;
	s0 =	sshrl.u32 s1, $0x3;
	[sflag:s10] =	ssyncadd.s32 $0xFFFFEC00  }
0x190: {  	[tilespmem:s20], [sflag:$0x3] =	stream.linear.gather [hbm4b:s25+s5], $0x28, $0x38;
	[tilespmem:$0x1EC00] =	vst v63  }
0x191: {  	s0 =	sadd.s32 s2, s0  }
0x192: {  	[tilespmem:s21], [sflag:$0x3] =	stream.linear.gather [hbm4b:s0+s5], $0x28, $0x38;
	[tilespmem:$0x1EC00] =	vst v63  }
0x193: {  	_ =	swait.ge [sflag:s26], $0x50  }
0x194: {  	[sflag:s26] =	ssyncset.done $0x0  }
0x195: {  	[sflag:s26] =	ssyncadd.s32 $0xFFFFFFB0  }
0x196: {  	_ =	swait.ge [sflag:s26], $0x50  }
0x197: {  	[sflag:s26] =	ssyncset.done $0x0  }
0x198: {  	[sflag:s26] =	ssyncadd.s32 $0xFFFFFFB0  }
0x199: {  	s16 =	rddreg [dreg:$0x0]  }
0x19a: {  	[tilespmem:s29], [sflag:$0x5] =	stream.indirect.gather [hbm4b:s16+s28], $0x80, s5, s28, $0xb8;
	[tilespmem:$0x1EC00] =	vst v63  }
0x19b: {  	s24 =	simm.s32 $0x5400;
	s25 =	sshll.u32 s17, $0x1  }
0x19c: {  	[tilespmem:s24], [sflag:$0x7] =	stream.indirect.gather [hbm4b:s6+s28], $0x80, s19, s28, $0xb8;
	[tilespmem:$0x1EC00] =	vst v63  }
0x19d: {  	p0 =	seq.s32 s17, $0x3D;
	s1 =	sadd.s32 $0x3, s25;
	_ =	swait.ge [sflag:s4], $0x2800  }
0x19e: {  	s0 =	smul.u32 @!p0 $0x50, s1;
	[sflag:s4] =	ssyncset.done $0x0  }
0x19f: {  	[sflag:s4] =	ssyncadd.s32 $0xFFFFD800  }
0x1a0: {  	s0 =	sadd.s32 @!p0 s9, s0;
	_ =	swait.ge [sflag:s22], $0x2800  }
0x1a1: {  	s25 =	simm.s32 @!p0 $0x80;
	s0 =	sshrl.u32 @!p0 s0, $0x3;
	[sflag:s22] =	ssyncset.done $0x0  }
0x1a2: {  	s16 =	sadd.s32 @!p0 s7, s0;
	s24 =	simm.s32 @!p0 $0x0;
	[sflag:s22] =	ssyncadd.s32 $0xFFFFD800  }
0x1a3: {  	[tilespmem:s25], [sflag:$0x2] =	stream.linear.gather @!p0 [hbm4b:s16+s24], $0x50, $0x38;
	[tilespmem:$0x1EC00] =	vst v63  }
0x1a4: {  	s0 =	sadd.s32 @!p0 s8, s0;
	s16 =	simm.s32 @!p0 $0x180  }
0x1a5: {  	[tilespmem:s16], [sflag:$0x2] =	stream.linear.gather @!p0 [hbm4b:s0+s24], $0x50, $0x38;
	[tilespmem:$0x1EC00] =	vst v63  }
0x1a6: {  	s16 =	simm.s32 $0x0  }
0x1a7: {  	v8 =	vld [tilespmem:s16+$0x7C00]  }
0x1a8: {  	v12 =	vld [tilespmem:s16+$0x7C10]  }
0x1a9: {  	v6 =	vld [tilespmem:s16+$0x7C20]  }
0x1aa: {  	v5 =	vld [tilespmem:s16+$0x7C30]  }
0x1ab: {  	v4 =	vld [tilespmem:s16+$0x7C40]  }
0x1ac: {  	v3 =	vld [tilespmem:s16+$0x7C50]  }
0x1ad: {  	v2 =	vld [tilespmem:s16+$0x7C60]  }
0x1ae: {  	v1 =	vld [tilespmem:s16+$0x7C70]  }
0x1af: {  	v13 =	vld [tilespmem:s16+$0x2C00]  }
0x1b0: {  	v14 =	vld [tilespmem:s16+$0x2C10]  }
0x1b1: {  	v11 =	vld [tilespmem:s16+$0x2C20]  }
0x1b2: {  	v10 =	vld [tilespmem:s16+$0x2C30]  }
0x1b3: {  	v9 =	vld [tilespmem:s16+$0x2C40]  }
0x1b4: {  	v7 =	vld [tilespmem:s16+$0x2C50];
	v13 =	vmul.f32 v8, v13  }
0x1b5: {  	s24 =	simm.s32 $0x200;
	v12 =	vmul.f32 v12, v14;
	v8 =	vld [tilespmem:s16+$0x2C60]  }
.LBB2_9:
0x1b6: {  	s0 =	sshra.s32 s24, $0x2;
	p1 =	sne.s32 s24, $0x4E00;
	[tilespmem:s16+$0x2C00] =	vst v13;
	v6 =	vmul.f32 v6, v11;
	v11 =	vld [tilespmem:s16+$0x2C70]  }
0x1b7: {  	v13 =	vld [tilespmem:s0+$0x7C00];
	[tilespmem:s16+$0x2C10] =	vst v12;
	v5 =	vmul.f32 v5, v10  }
0x1b8: {  	v12 =	vld [tilespmem:s0+$0x7C10];
	[tilespmem:s16+$0x2C20] =	vst v6;
	v4 =	vmul.f32 v4, v9  }
0x1b9: {  	v6 =	vld [tilespmem:s0+$0x7C20];
	[tilespmem:s16+$0x2C30] =	vst v5;
	v3 =	vmul.f32 v3, v7  }
0x1ba: {  	v5 =	vld [tilespmem:s0+$0x7C30];
	[tilespmem:s16+$0x2C40] =	vst v4;
	v2 =	vmul.f32 v2, v8  }
0x1bb: {  	v4 =	vld [tilespmem:s0+$0x7C40];
	[tilespmem:s16+$0x2C50] =	vst v3;
	v1 =	vmul.f32 v1, v11  }
0x1bc: {  	v3 =	vld [tilespmem:s0+$0x7C50];
	[tilespmem:s16+$0x2C60] =	vst v2  }
0x1bd: {  	v2 =	vld [tilespmem:s0+$0x7C60];
	[tilespmem:s16+$0x2C70] =	vst v1;
	s16 =	smov.u32 s0  }
0x1be: {  	v1 =	vld [tilespmem:s16+$0x7C70]  }
0x1bf: {  	v7 =	vld [tilespmem:s16+$0x2C00]  }
0x1c0: {  	v8 =	vld [tilespmem:s16+$0x2C10]  }
.Ltmp3:
0x1c1: {  	v11 =	vld [tilespmem:s16+$0x2C20];
	(pc) =	sbr.rel @p1 .LBB2_9-.Ltmp3, $4  }
0x1c2: {  	v10 =	vld [tilespmem:s16+$0x2C30]  }
0x1c3: {  	v9 =	vld [tilespmem:s16+$0x2C40]  }
0x1c4: {  	v13 =	vmul.f32 v13, v7;
	v7 =	vld [tilespmem:s16+$0x2C50]  }
0x1c5: {  	s24 =	sadd.s32 $0x200, s24;
	v12 =	vmul.f32 v12, v8;
	v8 =	vld [tilespmem:s16+$0x2C60]  }
0x1c6: {  	[tilespmem:s16+$0x2C00] =	vst v13;
	v6 =	vmul.f32 v6, v11;
	v11 =	vld [tilespmem:s16+$0x2C70]  }
0x1c7: {  	[tilespmem:s16+$0x2C10] =	vst v12;
	v5 =	vmul.f32 v5, v10  }
0x1c8: {  	[tilespmem:s16+$0x2C20] =	vst v6;
	v4 =	vmul.f32 v4, v9  }
0x1c9: {  	[tilespmem:s16+$0x2C30] =	vst v5;
	v3 =	vmul.f32 v3, v7  }
0x1ca: {  	[tilespmem:s16+$0x2C40] =	vst v4;
	v2 =	vmul.f32 v2, v8  }
0x1cb: {  	[tilespmem:s16+$0x2C50] =	vst v3;
	v1 =	vmul.f32 v1, v11  }
0x1cc: {  	[tilespmem:s16+$0x2C60] =	vst v2  }
0x1cd: {  	[tilespmem:s16+$0x2C70] =	vst v1  }
0x1ce: {  	_ =	swait.ge [sflag:s23], $0x28  }
0x1cf: {  	[sflag:s23] =	ssyncset.done $0x0  }
0x1d0: {  	[sflag:s23] =	ssyncadd.s32 $0xFFFFFFD8  }
0x1d1: {  	_ =	swait.ge [sflag:s23], $0x28  }
0x1d2: {  	s25 =	simm.s32 $0x300;
	[sflag:s23] =	ssyncset.done $0x0  }
0x1d3: {  	s0 =	simm.s32 $0x2C00;
	s16 =	simm.s32 $0x0;
	[sflag:s23] =	ssyncadd.s32 $0xFFFFFFD8  }
0x1d4: {  	[spmem:s3] =	stream.indirect.scatter.add.f32 [tilespmem:s0], [sflag:$0xA], $0x80, s25, s14, $0xb8;
	[tilespmem:$0x1EC00] =	vst v63  }
0x1d5: {  	v8 =	vld [tilespmem:s16+$0x9000]  }
0x1d6: {  	v12 =	vld [tilespmem:s16+$0x9010]  }
0x1d7: {  	v6 =	vld [tilespmem:s16+$0x9020]  }
0x1d8: {  	v5 =	vld [tilespmem:s16+$0x9030]  }
0x1d9: {  	v4 =	vld [tilespmem:s16+$0x9040]  }
0x1da: {  	v3 =	vld [tilespmem:s16+$0x9050]  }
0x1db: {  	v2 =	vld [tilespmem:s16+$0x9060]  }
0x1dc: {  	v1 =	vld [tilespmem:s16+$0x9070]  }
0x1dd: {  	v13 =	vld [tilespmem:s16+$0x4000]  }
0x1de: {  	v14 =	vld [tilespmem:s16+$0x4010]  }
0x1df: {  	v11 =	vld [tilespmem:s16+$0x4020]  }
0x1e0: {  	v10 =	vld [tilespmem:s16+$0x4030]  }
0x1e1: {  	v9 =	vld [tilespmem:s16+$0x4040]  }
0x1e2: {  	v7 =	vld [tilespmem:s16+$0x4050];
	v13 =	vmul.f32 v8, v13  }
0x1e3: {  	s24 =	simm.s32 $0x200;
	v12 =	vmul.f32 v12, v14;
	v8 =	vld [tilespmem:s16+$0x4060]  }
.LBB2_11:
0x1e4: {  	s0 =	sshra.s32 s24, $0x2;
	p1 =	sne.s32 s24, $0x4E00;
	[tilespmem:s16+$0x4000] =	vst v13;
	v6 =	vmul.f32 v6, v11;
	v11 =	vld [tilespmem:s16+$0x4070]  }
0x1e5: {  	v13 =	vld [tilespmem:s0+$0x9000];
	[tilespmem:s16+$0x4010] =	vst v12;
	v5 =	vmul.f32 v5, v10  }
0x1e6: {  	v12 =	vld [tilespmem:s0+$0x9010];
	[tilespmem:s16+$0x4020] =	vst v6;
	v4 =	vmul.f32 v4, v9  }
0x1e7: {  	v6 =	vld [tilespmem:s0+$0x9020];
	[tilespmem:s16+$0x4030] =	vst v5;
	v3 =	vmul.f32 v3, v7  }
0x1e8: {  	v5 =	vld [tilespmem:s0+$0x9030];
	[tilespmem:s16+$0x4040] =	vst v4;
	v2 =	vmul.f32 v2, v8  }
0x1e9: {  	v4 =	vld [tilespmem:s0+$0x9040];
	[tilespmem:s16+$0x4050] =	vst v3;
	v1 =	vmul.f32 v1, v11  }
0x1ea: {  	v3 =	vld [tilespmem:s0+$0x9050];
	[tilespmem:s16+$0x4060] =	vst v2  }
0x1eb: {  	v2 =	vld [tilespmem:s0+$0x9060];
	[tilespmem:s16+$0x4070] =	vst v1;
	s16 =	smov.u32 s0  }
0x1ec: {  	v1 =	vld [tilespmem:s16+$0x9070]  }
0x1ed: {  	v7 =	vld [tilespmem:s16+$0x4000]  }
0x1ee: {  	v8 =	vld [tilespmem:s16+$0x4010]  }
.Ltmp4:
0x1ef: {  	v11 =	vld [tilespmem:s16+$0x4020];
	(pc) =	sbr.rel @p1 .LBB2_11-.Ltmp4, $4  }
0x1f0: {  	v10 =	vld [tilespmem:s16+$0x4030]  }
0x1f1: {  	v9 =	vld [tilespmem:s16+$0x4040]  }
0x1f2: {  	v13 =	vmul.f32 v13, v7;
	v7 =	vld [tilespmem:s16+$0x4050]  }
0x1f3: {  	s24 =	sadd.s32 $0x200, s24;
	v12 =	vmul.f32 v12, v8;
	v8 =	vld [tilespmem:s16+$0x4060]  }
0x1f4: {  	[tilespmem:s16+$0x4000] =	vst v13;
	v6 =	vmul.f32 v6, v11;
	v63 =	vld [tilespmem:s16+$0x4070]  }
0x1f5: {  	[tilespmem:s16+$0x4010] =	vst v12;
	v5 =	vmul.f32 v5, v10  }
0x1f6: {  	[tilespmem:s16+$0x4020] =	vst v6;
	v4 =	vmul.f32 v4, v9  }
0x1f7: {  	[tilespmem:s16+$0x4030] =	vst v5;
	v3 =	vmul.f32 v3, v7  }
0x1f8: {  	[tilespmem:s16+$0x4040] =	vst v4;
	v2 =	vmul.f32 v2, v8  }
0x1f9: {  	[tilespmem:s16+$0x4050] =	vst v3;
	v1 =	vmul.f32 v1, v63  }
0x1fa: {  	[tilespmem:s16+$0x4060] =	vst v2  }
0x1fb: {  	s24 =	simm.s32 $0x380;
	s0 =	simm.s32 $0x4000;
	[tilespmem:s16+$0x4070] =	vst v1  }
0x1fc: {  	[spmem:s3] =	stream.indirect.scatter.add.f32 [tilespmem:s0], [sflag:$0xA], $0x80, s24, s14, $0xb8;
	[tilespmem:$0x1EC00] =	vst v63  }
0x1fd: {  	_ =	swait.ge [sflag:s30], $0x1400  }
.Ltmp5:
0x1fe: {  	[sflag:s30] =	ssyncset.done $0x0;
	(pc) =	sbr.rel @p0 .LBB2_14-.Ltmp5, $4  }
0x1ff: {  	[sflag:s30] =	ssyncadd.s32 $0xFFFFEC00  }
0x200: {  	_ =	swait.ge [sflag:s30], $0x1400  }
0x201: {  	[sflag:s30] =	ssyncset.done $0x0  }
0x202: {  	[sflag:s30] =	ssyncadd.s32 $0xFFFFEC00  }
0x203: {  	s0 =	smul.u32 $0x50, s1;
	_ =	sdelay $0x1  }
0x204: {  	s0 =	sadd.s32 s9, s0  }
0x205: {  	s16 =	sshrl.u32 s0, $0x3;
	s0 =	sadd.s32 $0x28, s0  }
0x206: {  	s1 =	sadd.s32 s2, s16;
	s0 =	sshrl.u32 s0, $0x3  }
0x207: {  	[tilespmem:s25], [sflag:$0x4] =	stream.linear.gather [hbm4b:s1+s5], $0x28, $0x38;
	[tilespmem:$0x1EC00] =	vst v63  }
0x208: {  	s0 =	sadd.s32 s2, s0  }
0x209: {  	[tilespmem:s24], [sflag:$0x4] =	stream.linear.gather [hbm4b:s0+s5], $0x28, $0x38;
	[tilespmem:$0x1EC00] =	vst v63  }
0x20a: {  	_ =	swait.ge [sflag:s31], $0x50  }
0x20b: {  	[sflag:s31] =	ssyncset.done $0x0  }
0x20c: {  	[sflag:s31] =	ssyncadd.s32 $0xFFFFFFB0  }
0x20d: {  	_ =	swait.ge [sflag:s31], $0x50  }
0x20e: {  	[sflag:s31] =	ssyncset.done $0x0  }
.Ltmp6:
0x20f: {  	[sflag:s31] =	ssyncadd.s32 $0xFFFFFFB0;
	(pc) =	sbr.rel .LBB2_4-.Ltmp6, $4  }
0x210: {  	s16 =	simm.s32 $0x2C00;
	s25 =	simm.s32 $0x80;
	s24 =	rddreg [dreg:$0x0]  }
0x211: {  	[tilespmem:s16], [sflag:$0x6] =	stream.indirect.gather [hbm4b:s24+s28], $0x80, s25, s28, $0xb8;
	[tilespmem:$0x1EC00] =	vst v63  }
0x212: {  	s17 =	sadd.s32 $0x1, s17;
	s24 =	simm.s32 $0x180;
	s25 =	simm.s32 $0x7C00  }
0x213: {  	[tilespmem:s25], [sflag:$0x8] =	stream.indirect.gather [hbm4b:s6+s28], $0x80, s24, s28, $0xb8;
	[tilespmem:$0x1EC00] =	vst v63  }
.LBB2_14:
0x214: {  	_ =	swait.ge [sflag:s11], $0x2800  }
0x215: {  	[sflag:s11] =	ssyncset.done $0x0  }
0x216: {  	[sflag:s11] =	ssyncadd.s32 $0xFFFFD800  }
0x217: {  	_ =	swait.ge [sflag:s12], $0x2800  }
0x218: {  	[sflag:s12] =	ssyncset.done $0x0  }
0x219: {  	s1 =	simm.s32 $0x0;
	[sflag:s12] =	ssyncadd.s32 $0xFFFFD800  }
0x21a: {  	v8 =	vld [tilespmem:s1+$0x5400]  }
0x21b: {  	v12 =	vld [tilespmem:s1+$0x5410]  }
0x21c: {  	v6 =	vld [tilespmem:s1+$0x5420]  }
0x21d: {  	v5 =	vld [tilespmem:s1+$0x5430]  }
0x21e: {  	v4 =	vld [tilespmem:s1+$0x5440]  }
0x21f: {  	v3 =	vld [tilespmem:s1+$0x5450]  }
0x220: {  	v2 =	vld [tilespmem:s1+$0x5460]  }
0x221: {  	v1 =	vld [tilespmem:s1+$0x5470]  }
0x222: {  	v13 =	vld [tilespmem:s1+$0x400]  }
0x223: {  	v14 =	vld [tilespmem:s1+$0x410]  }
0x224: {  	v11 =	vld [tilespmem:s1+$0x420]  }
0x225: {  	v10 =	vld [tilespmem:s1+$0x430]  }
0x226: {  	v9 =	vld [tilespmem:s1+$0x440]  }
0x227: {  	v7 =	vld [tilespmem:s1+$0x450];
	v13 =	vmul.f32 v8, v13  }
0x228: {  	s15 =	simm.s32 $0x200;
	s16 =	rddreg [dreg:$0x5];
	v12 =	vmul.f32 v12, v14;
	v8 =	vld [tilespmem:s1+$0x460]  }
.LBB2_15:
0x229: {  	s0 =	sshra.s32 s15, $0x2;
	p0 =	sne.s32 s15, $0x4E00;
	[tilespmem:s1+$0x400] =	vst v13;
	v6 =	vmul.f32 v6, v11;
	v11 =	vld [tilespmem:s1+$0x470]  }
0x22a: {  	v13 =	vld [tilespmem:s0+$0x5400];
	[tilespmem:s1+$0x410] =	vst v12;
	v5 =	vmul.f32 v5, v10  }
0x22b: {  	v12 =	vld [tilespmem:s0+$0x5410];
	[tilespmem:s1+$0x420] =	vst v6;
	v4 =	vmul.f32 v4, v9  }
0x22c: {  	v6 =	vld [tilespmem:s0+$0x5420];
	[tilespmem:s1+$0x430] =	vst v5;
	v3 =	vmul.f32 v3, v7  }
0x22d: {  	v5 =	vld [tilespmem:s0+$0x5430];
	[tilespmem:s1+$0x440] =	vst v4;
	v2 =	vmul.f32 v2, v8  }
0x22e: {  	v4 =	vld [tilespmem:s0+$0x5440];
	[tilespmem:s1+$0x450] =	vst v3;
	v1 =	vmul.f32 v1, v11  }
0x22f: {  	v3 =	vld [tilespmem:s0+$0x5450];
	[tilespmem:s1+$0x460] =	vst v2  }
0x230: {  	v2 =	vld [tilespmem:s0+$0x5460];
	[tilespmem:s1+$0x470] =	vst v1;
	s1 =	smov.u32 s0  }
0x231: {  	v1 =	vld [tilespmem:s1+$0x5470]  }
0x232: {  	v7 =	vld [tilespmem:s1+$0x400]  }
0x233: {  	v8 =	vld [tilespmem:s1+$0x410]  }
.Ltmp7:
0x234: {  	v11 =	vld [tilespmem:s1+$0x420];
	(pc) =	sbr.rel @p0 .LBB2_15-.Ltmp7, $4  }
0x235: {  	v10 =	vld [tilespmem:s1+$0x430]  }
0x236: {  	v9 =	vld [tilespmem:s1+$0x440]  }
0x237: {  	v13 =	vmul.f32 v13, v7;
	v7 =	vld [tilespmem:s1+$0x450]  }
0x238: {  	s15 =	sadd.s32 $0x200, s15;
	v12 =	vmul.f32 v12, v8;
	v8 =	vld [tilespmem:s1+$0x460]  }
0x239: {  	[tilespmem:s1+$0x400] =	vst v13;
	v6 =	vmul.f32 v6, v11;
	v11 =	vld [tilespmem:s1+$0x470]  }
0x23a: {  	[tilespmem:s1+$0x410] =	vst v12;
	v5 =	vmul.f32 v5, v10  }
0x23b: {  	[tilespmem:s1+$0x420] =	vst v6;
	v4 =	vmul.f32 v4, v9  }
0x23c: {  	[tilespmem:s1+$0x430] =	vst v5;
	v3 =	vmul.f32 v3, v7  }
0x23d: {  	[tilespmem:s1+$0x440] =	vst v4;
	v2 =	vmul.f32 v2, v8  }
0x23e: {  	[tilespmem:s1+$0x450] =	vst v3;
	v1 =	vmul.f32 v1, v11  }
0x23f: {  	[tilespmem:s1+$0x460] =	vst v2  }
0x240: {  	[tilespmem:s1+$0x470] =	vst v1  }
0x241: {  	_ =	swait.ge [sflag:s13], $0x28  }
0x242: {  	[sflag:s13] =	ssyncset.done $0x0  }
0x243: {  	[sflag:s13] =	ssyncadd.s32 $0xFFFFFFD8  }
0x244: {  	_ =	swait.ge [sflag:s13], $0x28  }
0x245: {  	[sflag:s13] =	ssyncset.done $0x0  }
0x246: {  	s1 =	simm.s32 $0x0;
	[sflag:s13] =	ssyncadd.s32 $0xFFFFFFD8  }
0x247: {  	[spmem:s3] =	stream.indirect.scatter.add.f32 [tilespmem:s29], [sflag:$0x9], $0x80, s20, s14, $0xb8;
	[tilespmem:$0x1EC00] =	vst v63  }
0x248: {  	v8 =	vld [tilespmem:s1+$0x6800]  }
0x249: {  	v12 =	vld [tilespmem:s1+$0x6810]  }
0x24a: {  	v6 =	vld [tilespmem:s1+$0x6820]  }
0x24b: {  	v5 =	vld [tilespmem:s1+$0x6830]  }
0x24c: {  	v4 =	vld [tilespmem:s1+$0x6840]  }
0x24d: {  	v3 =	vld [tilespmem:s1+$0x6850]  }
0x24e: {  	v2 =	vld [tilespmem:s1+$0x6860]  }
0x24f: {  	v1 =	vld [tilespmem:s1+$0x6870]  }
0x250: {  	v13 =	vld [tilespmem:s1+$0x1800]  }
0x251: {  	v14 =	vld [tilespmem:s1+$0x1810]  }
0x252: {  	v11 =	vld [tilespmem:s1+$0x1820]  }
0x253: {  	v10 =	vld [tilespmem:s1+$0x1830]  }
0x254: {  	v9 =	vld [tilespmem:s1+$0x1840]  }
0x255: {  	v7 =	vld [tilespmem:s1+$0x1850];
	v13 =	vmul.f32 v8, v13  }
0x256: {  	s15 =	simm.s32 $0x200;
	v12 =	vmul.f32 v12, v14;
	v8 =	vld [tilespmem:s1+$0x1860]  }
.LBB2_17:
0x257: {  	s0 =	sshra.s32 s15, $0x2;
	p0 =	sne.s32 s15, $0x4E00;
	[tilespmem:s1+$0x1800] =	vst v13;
	v6 =	vmul.f32 v6, v11;
	v11 =	vld [tilespmem:s1+$0x1870]  }
0x258: {  	v13 =	vld [tilespmem:s0+$0x6800];
	[tilespmem:s1+$0x1810] =	vst v12;
	v5 =	vmul.f32 v5, v10  }
0x259: {  	v12 =	vld [tilespmem:s0+$0x6810];
	[tilespmem:s1+$0x1820] =	vst v6;
	v4 =	vmul.f32 v4, v9  }
0x25a: {  	v6 =	vld [tilespmem:s0+$0x6820];
	[tilespmem:s1+$0x1830] =	vst v5;
	v3 =	vmul.f32 v3, v7  }
0x25b: {  	v5 =	vld [tilespmem:s0+$0x6830];
	[tilespmem:s1+$0x1840] =	vst v4;
	v2 =	vmul.f32 v2, v8  }
0x25c: {  	v4 =	vld [tilespmem:s0+$0x6840];
	[tilespmem:s1+$0x1850] =	vst v3;
	v1 =	vmul.f32 v1, v11  }
0x25d: {  	v3 =	vld [tilespmem:s0+$0x6850];
	[tilespmem:s1+$0x1860] =	vst v2  }
0x25e: {  	v2 =	vld [tilespmem:s0+$0x6860];
	[tilespmem:s1+$0x1870] =	vst v1;
	s1 =	smov.u32 s0  }
0x25f: {  	v1 =	vld [tilespmem:s1+$0x6870]  }
0x260: {  	v7 =	vld [tilespmem:s1+$0x1800]  }
0x261: {  	v8 =	vld [tilespmem:s1+$0x1810]  }
.Ltmp8:
0x262: {  	v11 =	vld [tilespmem:s1+$0x1820];
	(pc) =	sbr.rel @p0 .LBB2_17-.Ltmp8, $4  }
0x263: {  	v10 =	vld [tilespmem:s1+$0x1830]  }
0x264: {  	v9 =	vld [tilespmem:s1+$0x1840]  }
0x265: {  	v13 =	vmul.f32 v13, v7;
	v7 =	vld [tilespmem:s1+$0x1850]  }
0x266: {  	s15 =	sadd.s32 $0x200, s15;
	v12 =	vmul.f32 v12, v8;
	v8 =	vld [tilespmem:s1+$0x1860]  }
0x267: {  	[tilespmem:s1+$0x1800] =	vst v13;
	v6 =	vmul.f32 v6, v11;
	v63 =	vld [tilespmem:s1+$0x1870]  }
0x268: {  	[tilespmem:s1+$0x1810] =	vst v12;
	v5 =	vmul.f32 v5, v10  }
0x269: {  	[tilespmem:s1+$0x1820] =	vst v6;
	v4 =	vmul.f32 v4, v9  }
0x26a: {  	[tilespmem:s1+$0x1830] =	vst v5;
	v3 =	vmul.f32 v3, v7  }
0x26b: {  	[tilespmem:s1+$0x1840] =	vst v4;
	v2 =	vmul.f32 v2, v8  }
0x26c: {  	[tilespmem:s1+$0x1850] =	vst v3;
	v1 =	vmul.f32 v1, v63  }
0x26d: {  	[tilespmem:s1+$0x1860] =	vst v2  }
0x26e: {  	s0 =	simm.s32 $0x1800;
	[tilespmem:s1+$0x1870] =	vst v1  }
0x26f: {  	[spmem:s3] =	stream.indirect.scatter.add.f32 [tilespmem:s0], [sflag:$0x9], $0x80, s21, s14, $0xb8;
	[tilespmem:$0x1EC00] =	vst v63  }
0x270: {  	_ =	swait.ge [sflag:s10], $0x1400  }
0x271: {  	[sflag:s10] =	ssyncset.done $0x0  }
0x272: {  	[sflag:s10] =	ssyncadd.s32 $0xFFFFEC00  }
0x273: {  	_ =	swait.ge [sflag:s10], $0x1400  }
0x274: {  	[sflag:s10] =	ssyncset.done $0x0  }
0x275: {  	s15 =	stileid.u32;
	[sflag:s10] =	ssyncadd.s32 $0xFFFFEC00  }
0x276: {  	s0 =	sshll.u32 s15, $0x6;
	[bflag:$0x0] =	sbarrier.arrive $0xFFFF  }
0x277: {  	s17 =	sshrl.u32 s16, $0x3;
	s0 =	sor.u32 $0x1C0B, s0;
	s15 =	rddreg [dreg:$0x13]  }
0x278: {  	[hbm:s15], [sflag:s0] =	dma.local [spmem:s17], $0x2800  }
0x279: {  	_ =	swait.ge [sflag:s18], $0x2800  }
0x27a: {  	s15 =	sld [smem:$0x7E5];
	_ =	sdelay $0x2  }
0x27b: {  	s17 =	rddreg [dreg:$0x14];
	s1 =	sadd.s32 $0x1, s15  }
0x27c: {  	p0 =	sne.s32 s1, s17  }
.Ltmp9:
0x27d: {  	_ = 	snop;
	(pc) =	sbr.rel @p0 .LBB2_1-.Ltmp9, $3  }
0x27e: {  	_ =	sdelay $0x1  }
0x27f: {  	[sflag:s18] =	ssyncset.done $0x0  }
0x280: {  	[sflag:s18] =	ssyncadd.s32 $0xFFFFD800  }
0x281: {  	_ =	sfence.sel $0x180000  }
0x282: {  	[bflag:$0x0] =	sbarrier.arrive $0xFFFF  }
0x283: {  	_ =	strace $0x90000047  }
0x284: {  	s0 =	stileid.u32;
	[bflag:$0x2] =	sbarrier.arrive $0xFFFF  }
0x285: {  	p0 =	sne.s32 s0, $0x0;
	s0 =	rddreg [dreg:$0x4]  }
0x286: {  	s0 =	sadd.s32 @!p0 $0x100000, s0  }
0x287: {  	[sflag:s0] =	ssyncadd.tile.s32 @!p0 $0x1;
	_ =	shalt  }
.Lfunc_end2:
_tile_overlayer_lowered:
.L_overlay_start_2:
0x288: {  	(tag) =	ssettag $0x2  }
0x289: {  	s0 =	rddreg [dreg:$0x0];
	s2 =	stileid.u32  }
0x28a: {  	s1 =	rddreg [dreg:$0x1];
	p0 =	sne.s32 s2, $0x0  }
0x28b: {  	s3 =	rddreg [dreg:$0x2];
	[bflag:$0x3] =	sbarrier.arrive $0xFFFF;
	s2 =	simm.s32 @!p0 $0x1C0B  }
0x28c: {  	[timem:s3], [sflag:s2] =	dma.local @!p0 [hbm:s0], s1  }
0x28d: {  	s0 =	simm.s32 @!p0 $0xB  }
0x28e: {  	_ =	swait.ge @!p0 [sflag:s0], s1  }
0x28f: {  	s1 =	ssub.s32 @!p0 $0x0, s1;
	[sflag:s0] =	ssyncset.done @!p0 $0x0  }
0x290: {  	[sflag:s0] =	ssyncadd.s32 @!p0 s1  }
0x291: {  	[bflag:$0x3] =	sbarrier.arrive $0xFFFF  }
0x292: {  	_ =	shalt  }

</sc_bundles>
